<compile_context>
chip_gen: v7x
topology: tpu7x:2x2x1
jax: 0.10.2.dev20260603
libtpu: 0.0.44.dev20260713+nightly
codegen_flags: <defaults>
</compile_context>

<pallas_src>
import functools

import jax
import jax.numpy as jnp
from jax import lax
from jax.experimental import pallas as pl
from jax.experimental.pallas import tpu as pltpu
from jax.experimental.pallas import tpu_sc as plsc

N = 10000
E = 320000
D = 128

NC = 2
NS = 16
CHA = 64
CHD = 128

NPAD = 10112
NBUF = 3
NBLK = 2
HALF = -(-E // (NC * NS * CHA * NBLK * NBUF)) * NBUF
AGG_CH = NBLK * HALF
EP = AGG_CH * NC * NS * CHA
DEG_CH = EP // (NS * CHD)
ROWS_PER = NPAD // NS

BR = 1264

_mesh = plsc.VectorSubcoreMesh(core_axis_name="c", subcore_axis_name="s")


@functools.partial(
    pl.kernel,
    mesh=_mesh,
    out_type=jax.ShapeDtypeStruct((NC, NPAD, D), jnp.float32),
    scratch_types=[
        pltpu.VMEM((DEG_CH, CHD), jnp.int32),
        pltpu.VMEM((CHD, D), jnp.float32),
        pltpu.VMEM_SHARED((NPAD, D), jnp.float32),
    ] + [pltpu.SemaphoreType.DMA] * NBUF,
)
def _deg_kernel(idx_hbm, zeros_hbm, ones_hbm, out_hbm, idx_v, ones_v, cnt_sh,
                *sems):
    cid = lax.axis_index("c")
    sid = lax.axis_index("s")
    pltpu.sync_copy(zeros_hbm, cnt_sh.at[pl.ds(sid * ROWS_PER, ROWS_PER)])
    pltpu.sync_copy(idx_hbm.at[cid, sid], idx_v)
    pltpu.sync_copy(ones_hbm, ones_v)
    plsc.subcore_barrier()

    for b in range(NBUF):
        pltpu.async_copy(ones_v, cnt_sh.at[idx_v.at[b]], sems[b], add=True)

    @pl.loop(0, DEG_CH - NBUF, step=NBUF)
    def _(j0):
        for b in range(NBUF):
            pltpu.make_async_copy(ones_v, cnt_sh.at[idx_v.at[b]],
                                  sems[b]).wait()
            pltpu.async_copy(ones_v, cnt_sh.at[idx_v.at[j0 + b + NBUF]],
                             sems[b], add=True)

    for b in range(NBUF):
        pltpu.make_async_copy(ones_v, cnt_sh.at[idx_v.at[b]], sems[b]).wait()

    plsc.subcore_barrier()
    pltpu.sync_copy(
        cnt_sh.at[pl.ds(sid * ROWS_PER, ROWS_PER)],
        out_hbm.at[cid, pl.ds(sid * ROWS_PER, ROWS_PER)],
    )


@functools.partial(
    pl.kernel,
    mesh=_mesh,
    out_type=jax.ShapeDtypeStruct((NC, NPAD, D), jnp.float32),
    scratch_types=[
        pltpu.VMEM((HALF, CHA), jnp.int32),
        pltpu.VMEM((HALF, CHA), jnp.int32),
    ] + [pltpu.VMEM((CHA, D), jnp.float32)] * NBUF
      + [pltpu.VMEM_SHARED((NPAD, D), jnp.float32)]
      + [pltpu.SemaphoreType.DMA] * (2 * NBUF),
)
def _agg_kernel(hs_hbm, src_hbm, dst_hbm, zeros_hbm, out_hbm,
                src_v, dst_v, *rest):
    rows = rest[:NBUF]
    agg_sh = rest[NBUF]
    gsem = rest[NBUF + 1:2 * NBUF + 1]
    ssem = rest[2 * NBUF + 1:]
    cid = lax.axis_index("c")
    sid = lax.axis_index("s")

    pltpu.sync_copy(zeros_hbm, agg_sh.at[pl.ds(sid * ROWS_PER, ROWS_PER)])
    plsc.subcore_barrier()

    @pl.loop(0, NBLK)
    def _(h):
        pltpu.sync_copy(src_hbm.at[cid, sid, h], src_v)
        pltpu.sync_copy(dst_hbm.at[cid, sid, h], dst_v)

        for b in range(NBUF):
            pltpu.async_copy(hs_hbm.at[src_v.at[b]], rows[b], gsem[b])

        @pl.loop(0, HALF - NBUF, step=NBUF)
        def _(j0):
            for b in range(NBUF):
                j = j0 + b
                pltpu.make_async_copy(hs_hbm.at[src_v.at[j]], rows[b],
                                      gsem[b]).wait()
                pltpu.async_copy(rows[b], agg_sh.at[dst_v.at[j]],
                                 ssem[b], add=True)
                pltpu.make_async_copy(rows[b], agg_sh.at[dst_v.at[j]],
                                      ssem[b]).wait()
                pltpu.async_copy(hs_hbm.at[src_v.at[j + NBUF]],
                                 rows[b], gsem[b])

        for b in range(NBUF):
            pltpu.make_async_copy(hs_hbm.at[src_v.at[b]], rows[b],
                                  gsem[b]).wait()
            pltpu.sync_copy(rows[b], agg_sh.at[dst_v.at[HALF - NBUF + b]],
                            add=True)

    plsc.subcore_barrier()
    pltpu.sync_copy(
        agg_sh.at[pl.ds(sid * ROWS_PER, ROWS_PER)],
        out_hbm.at[cid, pl.ds(sid * ROWS_PER, ROWS_PER)],
    )


def _prep_body(cs_ref, cd_ref, feat_ref, cb_ref, rb_ref, hs_ref):
    cb = lax.rsqrt(jnp.maximum(cs_ref[...], 1.0))
    cb_ref[...] = cb
    rb_ref[...] = lax.rsqrt(jnp.maximum(cd_ref[...], 1.0))
    hs_ref[...] = feat_ref[...] * cb


def _prep_tc(cs, cd, featp):
    return pl.pallas_call(
        _prep_body,
        grid=(NPAD // BR,),
        in_specs=[
            pl.BlockSpec((BR, D), lambda i: (i, 0)),
            pl.BlockSpec((BR, D), lambda i: (i, 0)),
            pl.BlockSpec((BR, D), lambda i: (i, 0)),
        ],
        out_specs=[
            pl.BlockSpec((BR, D), lambda i: (i, 0)),
            pl.BlockSpec((BR, D), lambda i: (i, 0)),
            pl.BlockSpec((BR, D), lambda i: (i, 0)),
        ],
        out_shape=[jax.ShapeDtypeStruct((NPAD, D), jnp.float32)] * 3,
    )(cs, cd, featp)


def _layer_body(relu, want_hs, aggs_ref, rb_ref, hp_ref, cb_ref, w_ref,
                p_ref, h_ref, *maybe_hs_ref):
    x = (aggs_ref[0] + aggs_ref[1]) * rb_ref[...]
    m = jnp.dot(x, w_ref[...], preferred_element_type=jnp.float32)
    gs = p_ref[0:1, :]
    b2 = p_ref[1:2, :]
    y = (m + hp_ref[...]) * gs + b2
    if relu:
        y = jnp.maximum(y, 0.0)
    h_ref[...] = y
    if want_hs:
        maybe_hs_ref[0][...] = y * cb_ref[...]


def _layer_tc(aggs, rb, hp, cb, w, p, relu, want_hs):
    n_out = 2 if want_hs else 1
    return pl.pallas_call(
        functools.partial(_layer_body, relu, want_hs),
        grid=(NPAD // BR,),
        in_specs=[
            pl.BlockSpec((NC, BR, D), lambda i: (0, i, 0)),
            pl.BlockSpec((BR, D), lambda i: (i, 0)),
            pl.BlockSpec((BR, D), lambda i: (i, 0)),
            pl.BlockSpec((BR, D), lambda i: (i, 0)),
            pl.BlockSpec((D, D), lambda i: (0, 0)),
            pl.BlockSpec((8, D), lambda i: (0, 0)),
        ],
        out_specs=[pl.BlockSpec((BR, D), lambda i: (i, 0))] * n_out,
        out_shape=[jax.ShapeDtypeStruct((NPAD, D), jnp.float32)] * n_out,
    )(aggs, rb, hp, cb, w, p)


def kernel(feat, edge_index, W1, b1, W2, b2, W3, b3, g1, be1, g2, be2):
    src = edge_index[0]
    dst = edge_index[1]
    pad = EP - E
    srcp = jnp.concatenate([src, jnp.full((pad,), N, jnp.int32)])
    dstp = jnp.concatenate([dst, jnp.full((pad,), N, jnp.int32)])
    deg_idx = jnp.stack([srcp.reshape(NS, DEG_CH, CHD),
                         dstp.reshape(NS, DEG_CH, CHD)])
    src4 = srcp.reshape(NC, NS, NBLK, HALF, CHA)
    dst4 = dstp.reshape(NC, NS, NBLK, HALF, CHA)

    zerosD = jnp.zeros((ROWS_PER, D), jnp.float32)
    onesD = jnp.ones((CHD, D), jnp.float32)

    cnts = _deg_kernel(deg_idx, zerosD, onesD)
    featp = jnp.pad(feat, ((0, NPAD - N), (0, 0)))
    cb, rb, hs = _prep_tc(cnts[0], cnts[1], featp)

    inv = 1.0 / jnp.sqrt(jnp.float32(1.0 + 1e-5))
    gs1 = g1 * inv
    p1 = jnp.zeros((8, D), jnp.float32).at[0].set(gs1).at[1].set(b1 * gs1 + be1)
    gs2 = g2 * inv
    p2 = jnp.zeros((8, D), jnp.float32).at[0].set(gs2).at[1].set(b2 * gs2 + be2)
    p3 = jnp.zeros((8, D), jnp.float32).at[0].set(jnp.ones((D,))).at[1].set(b3)

    h = featp
    aggs = _agg_kernel(hs, src4, dst4, zerosD)
    h, hs = _layer_tc(aggs, rb, h, cb, W1, p1, relu=True, want_hs=True)
    aggs = _agg_kernel(hs, src4, dst4, zerosD)
    h, hs = _layer_tc(aggs, rb, h, cb, W2, p2, relu=True, want_hs=True)
    aggs = _agg_kernel(hs, src4, dst4, zerosD)
    (h,) = _layer_tc(aggs, rb, h, cb, W3, p3, relu=False, want_hs=False)
    return h[:N]

# --- scband reference (transcript-rebuilt; emitter-appended) ---
"""Pipeline reference for scband-gcn-14173392077062 (READ-ONLY COPY).

The authoritative reference and input builder live on the scoring server;
editing this copy changes nothing except your own understanding.
"""

import jax, jax.numpy as jnp
import numpy as np

N = 10000
E = 320000
D = 128


def setup_inputs(seed: int = 0) -> dict:
    key = jax.random.key(seed)
    ks = jax.random.split(key, 8)
    feat = jax.random.normal(ks[0], (N, D), dtype=jnp.float32)
    edge_index = jax.random.randint(ks[1], (2, E), 0, N, dtype=jnp.int32)
    scale = 1.0 / np.sqrt(D)
    W1 = jax.random.normal(ks[2], (D, D), dtype=jnp.float32) * scale
    b1 = jnp.zeros((D,), dtype=jnp.float32)
    W2 = jax.random.normal(ks[3], (D, D), dtype=jnp.float32) * scale
    b2 = jnp.zeros((D,), dtype=jnp.float32)
    W3 = jax.random.normal(ks[4], (D, D), dtype=jnp.float32) * scale
    b3 = jnp.zeros((D,), dtype=jnp.float32)
    g1 = jnp.ones((D,), dtype=jnp.float32)
    be1 = jnp.zeros((D,), dtype=jnp.float32)
    g2 = jnp.ones((D,), dtype=jnp.float32)
    be2 = jnp.zeros((D,), dtype=jnp.float32)
    return {"feat": feat, "edge_index": edge_index, "W1": W1, "b1": b1,
            "W2": W2, "b2": b2, "W3": W3, "b3": b3,
            "g1": g1, "be1": be1, "g2": g2, "be2": be2}


def _graph_conv_both(h, src, dst, W, b):
    # DGL GraphConv(norm='both'): D_out^{-1/2} on src feats, sum-aggregate,
    # D_in^{-1/2} on dst, then linear (in_feats == out_feats -> aggregate first).
    ones = jnp.ones((E,), dtype=h.dtype)
    deg_out = jnp.maximum(jnp.zeros((N,), h.dtype).at[src].add(ones), 1.0)
    deg_in = jnp.maximum(jnp.zeros((N,), h.dtype).at[dst].add(ones), 1.0)
    h = h * (deg_out ** -0.5)[:, None]
    msgs = h[src]
    agg = jnp.zeros_like(h).at[dst].add(msgs)
    agg = agg * (deg_in ** -0.5)[:, None]
    return agg @ W + b


def _bn_eval(h, gamma, beta, eps=1e-5):
    # BatchNorm1d in eval mode: running_mean=0, running_var=1
    return (h / jnp.sqrt(1.0 + eps)) * gamma + beta


def reference(feat, edge_index, W1, b1, W2, b2, W3, b3, g1, be1, g2, be2):
    src = edge_index[0]
    dst = edge_index[1]
    # eval mode: input_drop and dropout are identity
    h = feat
    # layer 1 (full graph: num_dst_nodes == N, so h_dst == h)
    h_dst = h
    h = _graph_conv_both(h, src, dst, W1, b1)
    h = h + h_dst  # residual (dims match)
    h = _bn_eval(h, g1, be1)
    h = jax.nn.relu(h)
    # layer 2
    h_dst = h
    h = _graph_conv_both(h, src, dst, W2, b2)
    h = h + h_dst
    h = _bn_eval(h, g2, be2)
    h = jax.nn.relu(h)
    # layer 3 (output layer, no norm/relu)
    h_dst = h
    h = _graph_conv_both(h, src, dst, W3, b3)
    h = h + h_dst
    return h

if __name__ == "__main__":
    import jax
    _d = setup_inputs()
    print(jax.jit(kernel)(*tuple(_d.values())))

</pallas_src>

<mosaic_0001>
#map = affine_map<(d0, d1) -> (0, 0)>
#map1 = affine_map<(d0, d1) -> (0, 0, 0, 0, 0)>
#map2 = affine_map<(d0, d1) -> (0, 0, 0)>
module attributes {stable_mosaic.version = 14 : i64} {
  func.func @_agg_kernel(%arg0: i32, %arg1: i32, %arg2: memref<10112x128xf32, #tpu.memory_space<hbm>>, %arg3: memref<2x16x2x81x64xi32, #tpu.memory_space<hbm>>, %arg4: memref<2x16x2x81x64xi32, #tpu.memory_space<hbm>>, %arg5: memref<632x128xf32, #tpu.memory_space<hbm>>, %arg6: memref<2x10112x128xf32, #tpu.memory_space<hbm>>, %arg7: memref<81x64xi32, #tpu.memory_space<vmem>>, %arg8: memref<81x64xi32, #tpu.memory_space<vmem>>, %arg9: memref<64x128xf32, #tpu.memory_space<vmem>>, %arg10: memref<64x128xf32, #tpu.memory_space<vmem>>, %arg11: memref<64x128xf32, #tpu.memory_space<vmem>>, %arg12: memref<10112x128xf32, #tpu.memory_space<vmem_shared>>, %arg13: memref<!tpu.dma_semaphore, #tpu.memory_space<semaphore_mem>>, %arg14: memref<!tpu.dma_semaphore, #tpu.memory_space<semaphore_mem>>, %arg15: memref<!tpu.dma_semaphore, #tpu.memory_space<semaphore_mem>>, %arg16: memref<!tpu.dma_semaphore, #tpu.memory_space<semaphore_mem>>, %arg17: memref<!tpu.dma_semaphore, #tpu.memory_space<semaphore_mem>>, %arg18: memref<!tpu.dma_semaphore, #tpu.memory_space<semaphore_mem>>) attributes {dimension_semantics = [#tpu.dimension_semantics<core_parallel>, #tpu.dimension_semantics<subcore_parallel>], iteration_bounds = array<i64: 2, 16>, scalar_prefetch = 0 : i64, scratch_operands = 12 : i64, tpu.core_type = #tpu.core_type<sc_vector_subcore>, window_params = [{transform_indices = #map}, {transform_indices = #map1}, {transform_indices = #map1}, {transform_indices = #map}, {transform_indices = #map2}]} {
    %mul3A = arith.constant 632 : i32
    %mul3A_0 = arith.muli %arg1, %mul3A : i32
    "tpu.region"() ({
      %run_scoped3A = tpu.sem_alloc : memref<!tpu.dma_semaphore, #tpu.memory_space<semaphore_mem>>
      %dma_start3A = arith.constant 0 : i32
      %dma_start3A_10 = tpu.memref_slice %arg12[%mul3A_0, %dma_start3A] : memref<10112x128xf32, #tpu.memory_space<vmem_shared>> -> memref<632x128xf32, #tpu.memory_space<vmem_shared>>
      tpu.enqueue_dma source(%arg5 : memref<632x128xf32, #tpu.memory_space<hbm>>) target(%dma_start3A_10 : memref<632x128xf32, #tpu.memory_space<vmem_shared>>) target_semaphore(%run_scoped3A : memref<!tpu.dma_semaphore, #tpu.memory_space<semaphore_mem>>)
      %dma_wait3A = arith.constant 0 : i32
      %dma_wait3A_11 = tpu.memref_slice %arg12[%mul3A_0, %dma_wait3A] : memref<10112x128xf32, #tpu.memory_space<vmem_shared>> -> memref<632x128xf32, #tpu.memory_space<vmem_shared>>
      tpu.wait_dma2 semaphore(%run_scoped3A : memref<!tpu.dma_semaphore, #tpu.memory_space<semaphore_mem>>) src(%arg5 : memref<632x128xf32, #tpu.memory_space<hbm>>) dst(%dma_wait3A_11 : memref<632x128xf32, #tpu.memory_space<vmem_shared>>)
      tpu.yield
    }) : () -> ()
    %barrier3A = arith.constant 0 : index
    tpu.barrier barrier_id(%barrier3A)
    %scan3A = arith.constant 0 : i32
    %scan3A_1 = arith.constant 2 : i32
    %scan3A_2 = arith.addi %scan3A, %scan3A_1 : i32
    %scan3A_3 = arith.constant 1 : i32
    scf.for %scan3A_10 = %scan3A to %scan3A_2 step %scan3A_3  : i32 {
      %mul3A_11 = arith.constant 1 : i32
      %mul3A_12 = arith.muli %scan3A_10, %mul3A_11 : i32
      %add3A = arith.constant 0 : i32
      %add3A_13 = arith.addi %add3A, %mul3A_12 : i32
      "tpu.region"() ({
        %run_scoped3A_61 = tpu.sem_alloc : memref<!tpu.dma_semaphore, #tpu.memory_space<semaphore_mem>>
        %dma_start3A_62 = arith.constant 0 : i32
        %dma_start3A_63 = arith.constant 0 : i32
        %dma_start3A_64 = tpu.memref_slice %arg3[%arg0, %arg1, %add3A_13, %dma_start3A_62, %dma_start3A_63] : memref<2x16x2x81x64xi32, #tpu.memory_space<hbm>> -> memref<1x1x1x81x64xi32, #tpu.memory_space<hbm>>
        %dma_start3A_65 = tpu.memref_squeeze %dma_start3A_64 : memref<1x1x1x81x64xi32, #tpu.memory_space<hbm>> -> memref<81x64xi32, #tpu.memory_space<hbm>>
        %dma_start3A_66 = arith.constant 0 : i32
        %dma_start3A_67 = arith.constant 0 : i32
        %dma_start3A_68 = tpu.memref_slice %arg3[%arg0, %arg1, %add3A_13, %dma_start3A_66, %dma_start3A_67] : memref<2x16x2x81x64xi32, #tpu.memory_space<hbm>> -> memref<1x1x1x81x64xi32, #tpu.memory_space<hbm>>
        %dma_start3A_69 = tpu.memref_squeeze %dma_start3A_68 : memref<1x1x1x81x64xi32, #tpu.memory_space<hbm>> -> memref<81x64xi32, #tpu.memory_space<hbm>>
        tpu.enqueue_dma source(%dma_start3A_69 : memref<81x64xi32, #tpu.memory_space<hbm>>) target(%arg7 : memref<81x64xi32, #tpu.memory_space<vmem>>) target_semaphore(%run_scoped3A_61 : memref<!tpu.dma_semaphore, #tpu.memory_space<semaphore_mem>>)
        %dma_wait3A_70 = arith.constant 0 : i32
        %dma_wait3A_71 = arith.constant 0 : i32
        %dma_wait3A_72 = tpu.memref_slice %arg3[%arg0, %arg1, %add3A_13, %dma_wait3A_70, %dma_wait3A_71] : memref<2x16x2x81x64xi32, #tpu.memory_space<hbm>> -> memref<1x1x1x81x64xi32, #tpu.memory_space<hbm>>
        %dma_wait3A_73 = tpu.memref_squeeze %dma_wait3A_72 : memref<1x1x1x81x64xi32, #tpu.memory_space<hbm>> -> memref<81x64xi32, #tpu.memory_space<hbm>>
        %dma_wait3A_74 = arith.constant 0 : i32
        %dma_wait3A_75 = arith.constant 0 : i32
        %dma_wait3A_76 = tpu.memref_slice %arg3[%arg0, %arg1, %add3A_13, %dma_wait3A_74, %dma_wait3A_75] : memref<2x16x2x81x64xi32, #tpu.memory_space<hbm>> -> memref<1x1x1x81x64xi32, #tpu.memory_space<hbm>>
        %dma_wait3A_77 = tpu.memref_squeeze %dma_wait3A_76 : memref<1x1x1x81x64xi32, #tpu.memory_space<hbm>> -> memref<81x64xi32, #tpu.memory_space<hbm>>
        tpu.wait_dma2 semaphore(%run_scoped3A_61 : memref<!tpu.dma_semaphore, #tpu.memory_space<semaphore_mem>>) src(%dma_wait3A_77 : memref<81x64xi32, #tpu.memory_space<hbm>>) dst(%arg7 : memref<81x64xi32, #tpu.memory_space<vmem>>)
        tpu.yield
      }) : () -> ()
      "tpu.region"() ({
        %run_scoped3A_61 = tpu.sem_alloc : memref<!tpu.dma_semaphore, #tpu.memory_space<semaphore_mem>>
        %dma_start3A_62 = arith.constant 0 : i32
        %dma_start3A_63 = arith.constant 0 : i32
        %dma_start3A_64 = tpu.memref_slice %arg4[%arg0, %arg1, %add3A_13, %dma_start3A_62, %dma_start3A_63] : memref<2x16x2x81x64xi32, #tpu.memory_space<hbm>> -> memref<1x1x1x81x64xi32, #tpu.memory_space<hbm>>
        %dma_start3A_65 = tpu.memref_squeeze %dma_start3A_64 : memref<1x1x1x81x64xi32, #tpu.memory_space<hbm>> -> memref<81x64xi32, #tpu.memory_space<hbm>>
        %dma_start3A_66 = arith.constant 0 : i32
        %dma_start3A_67 = arith.constant 0 : i32
        %dma_start3A_68 = tpu.memref_slice %arg4[%arg0, %arg1, %add3A_13, %dma_start3A_66, %dma_start3A_67] : memref<2x16x2x81x64xi32, #tpu.memory_space<hbm>> -> memref<1x1x1x81x64xi32, #tpu.memory_space<hbm>>
        %dma_start3A_69 = tpu.memref_squeeze %dma_start3A_68 : memref<1x1x1x81x64xi32, #tpu.memory_space<hbm>> -> memref<81x64xi32, #tpu.memory_space<hbm>>
        tpu.enqueue_dma source(%dma_start3A_69 : memref<81x64xi32, #tpu.memory_space<hbm>>) target(%arg8 : memref<81x64xi32, #tpu.memory_space<vmem>>) target_semaphore(%run_scoped3A_61 : memref<!tpu.dma_semaphore, #tpu.memory_space<semaphore_mem>>)
        %dma_wait3A_70 = arith.constant 0 : i32
        %dma_wait3A_71 = arith.constant 0 : i32
        %dma_wait3A_72 = tpu.memref_slice %arg4[%arg0, %arg1, %add3A_13, %dma_wait3A_70, %dma_wait3A_71] : memref<2x16x2x81x64xi32, #tpu.memory_space<hbm>> -> memref<1x1x1x81x64xi32, #tpu.memory_space<hbm>>
        %dma_wait3A_73 = tpu.memref_squeeze %dma_wait3A_72 : memref<1x1x1x81x64xi32, #tpu.memory_space<hbm>> -> memref<81x64xi32, #tpu.memory_space<hbm>>
        %dma_wait3A_74 = arith.constant 0 : i32
        %dma_wait3A_75 = arith.constant 0 : i32
        %dma_wait3A_76 = tpu.memref_slice %arg4[%arg0, %arg1, %add3A_13, %dma_wait3A_74, %dma_wait3A_75] : memref<2x16x2x81x64xi32, #tpu.memory_space<hbm>> -> memref<1x1x1x81x64xi32, #tpu.memory_space<hbm>>
        %dma_wait3A_77 = tpu.memref_squeeze %dma_wait3A_76 : memref<1x1x1x81x64xi32, #tpu.memory_space<hbm>> -> memref<81x64xi32, #tpu.memory_space<hbm>>
        tpu.wait_dma2 semaphore(%run_scoped3A_61 : memref<!tpu.dma_semaphore, #tpu.memory_space<semaphore_mem>>) src(%dma_wait3A_77 : memref<81x64xi32, #tpu.memory_space<hbm>>) dst(%arg8 : memref<81x64xi32, #tpu.memory_space<vmem>>)
        tpu.yield
      }) : () -> ()
      %dma_start3A = arith.constant 0 : i32
      %dma_start3A_14 = arith.constant 0 : i32
      %dma_start3A_15 = tpu.memref_slice %arg7[%dma_start3A, %dma_start3A_14] : memref<81x64xi32, #tpu.memory_space<vmem>> -> memref<1x64xi32, #tpu.memory_space<vmem>>
      %dma_start3A_16 = tpu.memref_squeeze %dma_start3A_15 : memref<1x64xi32, #tpu.memory_space<vmem>> -> memref<64xi32, #tpu.memory_space<vmem>>
      %dma_start3A_17 = arith.constant 0 : i32
      %dma_start3A_18 = arith.constant 0 : i32
      %dma_start3A_19 = tpu.memref_slice %arg2[%dma_start3A_17, %dma_start3A_18] : memref<10112x128xf32, #tpu.memory_space<hbm>> -> memref<10112x128xf32, #tpu.memory_space<hbm>>
      tpu.enqueue_indirect_dma source(%dma_start3A_19 : memref<10112x128xf32, #tpu.memory_space<hbm>>) target(%arg9 : memref<64x128xf32, #tpu.memory_space<vmem>>) offsets(%dma_start3A_16 : memref<64xi32, #tpu.memory_space<vmem>>) semaphore(%arg13 : memref<!tpu.dma_semaphore, #tpu.memory_space<semaphore_mem>>)
      %dma_start3A_20 = arith.constant 1 : i32
      %dma_start3A_21 = arith.constant 0 : i32
      %dma_start3A_22 = tpu.memref_slice %arg7[%dma_start3A_20, %dma_start3A_21] : memref<81x64xi32, #tpu.memory_space<vmem>> -> memref<1x64xi32, #tpu.memory_space<vmem>>
      %dma_start3A_23 = tpu.memref_squeeze %dma_start3A_22 : memref<1x64xi32, #tpu.memory_space<vmem>> -> memref<64xi32, #tpu.memory_space<vmem>>
      %dma_start3A_24 = arith.constant 0 : i32
      %dma_start3A_25 = arith.constant 0 : i32
      %dma_start3A_26 = tpu.memref_slice %arg2[%dma_start3A_24, %dma_start3A_25] : memref<10112x128xf32, #tpu.memory_space<hbm>> -> memref<10112x128xf32, #tpu.memory_space<hbm>>
      tpu.enqueue_indirect_dma source(%dma_start3A_26 : memref<10112x128xf32, #tpu.memory_space<hbm>>) target(%arg10 : memref<64x128xf32, #tpu.memory_space<vmem>>) offsets(%dma_start3A_23 : memref<64xi32, #tpu.memory_space<vmem>>) semaphore(%arg14 : memref<!tpu.dma_semaphore, #tpu.memory_space<semaphore_mem>>)
      %dma_start3A_27 = arith.constant 2 : i32
      %dma_start3A_28 = arith.constant 0 : i32
      %dma_start3A_29 = tpu.memref_slice %arg7[%dma_start3A_27, %dma_start3A_28] : memref<81x64xi32, #tpu.memory_space<vmem>> -> memref<1x64xi32, #tpu.memory_space<vmem>>
      %dma_start3A_30 = tpu.memref_squeeze %dma_start3A_29 : memref<1x64xi32, #tpu.memory_space<vmem>> -> memref<64xi32, #tpu.memory_space<vmem>>
      %dma_start3A_31 = arith.constant 0 : i32
      %dma_start3A_32 = arith.constant 0 : i32
      %dma_start3A_33 = tpu.memref_slice %arg2[%dma_start3A_31, %dma_start3A_32] : memref<10112x128xf32, #tpu.memory_space<hbm>> -> memref<10112x128xf32, #tpu.memory_space<hbm>>
      tpu.enqueue_indirect_dma source(%dma_start3A_33 : memref<10112x128xf32, #tpu.memory_space<hbm>>) target(%arg11 : memref<64x128xf32, #tpu.memory_space<vmem>>) offsets(%dma_start3A_30 : memref<64xi32, #tpu.memory_space<vmem>>) semaphore(%arg15 : memref<!tpu.dma_semaphore, #tpu.memory_space<semaphore_mem>>)
      %scan3A_34 = arith.constant 0 : i32
      %scan3A_35 = arith.constant 26 : i32
      %scan3A_36 = arith.addi %scan3A_34, %scan3A_35 : i32
      %scan3A_37 = arith.constant 1 : i32
      scf.for %scan3A_61 = %scan3A_34 to %scan3A_36 step %scan3A_37  : i32 {
        %mul3A_62 = arith.constant 3 : i32
        %mul3A_63 = arith.muli %scan3A_61, %mul3A_62 : i32
        %add3A_64 = arith.constant 0 : i32
        %add3A_65 = arith.addi %add3A_64, %mul3A_63 : i32
        %add3A_66 = arith.constant 0 : i32
        %add3A_67 = arith.addi %add3A_65, %add3A_66 : i32
        %dma_wait3A_68 = arith.constant 0 : i32
        %dma_wait3A_69 = tpu.memref_slice %arg7[%add3A_67, %dma_wait3A_68] : memref<81x64xi32, #tpu.memory_space<vmem>> -> memref<1x64xi32, #tpu.memory_space<vmem>>
        %dma_wait3A_70 = tpu.memref_squeeze %dma_wait3A_69 : memref<1x64xi32, #tpu.memory_space<vmem>> -> memref<64xi32, #tpu.memory_space<vmem>>
        %dma_wait3A_71 = arith.constant 0 : i32
        %dma_wait3A_72 = arith.constant 0 : i32
        %dma_wait3A_73 = tpu.memref_slice %arg2[%dma_wait3A_71, %dma_wait3A_72] : memref<10112x128xf32, #tpu.memory_space<hbm>> -> memref<10112x128xf32, #tpu.memory_space<hbm>>
        tpu.wait_indirect_dma semaphore(%arg13 : memref<!tpu.dma_semaphore, #tpu.memory_space<semaphore_mem>>) src(%dma_wait3A_73 : memref<10112x128xf32, #tpu.memory_space<hbm>>) dst(%arg9 : memref<64x128xf32, #tpu.memory_space<vmem>>)
        %dma_start3A_74 = arith.constant 0 : i32
        %dma_start3A_75 = tpu.memref_slice %arg8[%add3A_67, %dma_start3A_74] : memref<81x64xi32, #tpu.memory_space<vmem>> -> memref<1x64xi32, #tpu.memory_space<vmem>>
        %dma_start3A_76 = tpu.memref_squeeze %dma_start3A_75 : memref<1x64xi32, #tpu.memory_space<vmem>> -> memref<64xi32, #tpu.memory_space<vmem>>
        %dma_start3A_77 = arith.constant 0 : i32
        %dma_start3A_78 = arith.constant 0 : i32
        %dma_start3A_79 = tpu.memref_slice %arg12[%dma_start3A_77, %dma_start3A_78] : memref<10112x128xf32, #tpu.memory_space<vmem_shared>> -> memref<10112x128xf32, #tpu.memory_space<vmem_shared>>
        tpu.enqueue_indirect_dma source(%arg9 : memref<64x128xf32, #tpu.memory_space<vmem>>) target(%dma_start3A_79 : memref<10112x128xf32, #tpu.memory_space<vmem_shared>>) offsets(%dma_start3A_76 : memref<64xi32, #tpu.memory_space<vmem>>) semaphore(%arg16 : memref<!tpu.dma_semaphore, #tpu.memory_space<semaphore_mem>>) {add = true}
        %dma_wait3A_80 = arith.constant 0 : i32
        %dma_wait3A_81 = tpu.memref_slice %arg8[%add3A_67, %dma_wait3A_80] : memref<81x64xi32, #tpu.memory_space<vmem>> -> memref<1x64xi32, #tpu.memory_space<vmem>>
        %dma_wait3A_82 = tpu.memref_squeeze %dma_wait3A_81 : memref<1x64xi32, #tpu.memory_space<vmem>> -> memref<64xi32, #tpu.memory_space<vmem>>
        %dma_wait3A_83 = arith.constant 0 : i32
        %dma_wait3A_84 = arith.constant 0 : i32
        %dma_wait3A_85 = tpu.memref_slice %arg12[%dma_wait3A_83, %dma_wait3A_84] : memref<10112x128xf32, #tpu.memory_space<vmem_shared>> -> memref<10112x128xf32, #tpu.memory_space<vmem_shared>>
        tpu.wait_indirect_dma semaphore(%arg16 : memref<!tpu.dma_semaphore, #tpu.memory_space<semaphore_mem>>) src(%arg9 : memref<64x128xf32, #tpu.memory_space<vmem>>) dst(%dma_wait3A_85 : memref<10112x128xf32, #tpu.memory_space<vmem_shared>>)
        %add3A_86 = arith.constant 3 : i32
        %add3A_87 = arith.addi %add3A_67, %add3A_86 : i32
        %dma_start3A_88 = arith.constant 0 : i32
        %dma_start3A_89 = tpu.memref_slice %arg7[%add3A_87, %dma_start3A_88] : memref<81x64xi32, #tpu.memory_space<vmem>> -> memref<1x64xi32, #tpu.memory_space<vmem>>
        %dma_start3A_90 = tpu.memref_squeeze %dma_start3A_89 : memref<1x64xi32, #tpu.memory_space<vmem>> -> memref<64xi32, #tpu.memory_space<vmem>>
        %dma_start3A_91 = arith.constant 0 : i32
        %dma_start3A_92 = arith.constant 0 : i32
        %dma_start3A_93 = tpu.memref_slice %arg2[%dma_start3A_91, %dma_start3A_92] : memref<10112x128xf32, #tpu.memory_space<hbm>> -> memref<10112x128xf32, #tpu.memory_space<hbm>>
        tpu.enqueue_indirect_dma source(%dma_start3A_93 : memref<10112x128xf32, #tpu.memory_space<hbm>>) target(%arg9 : memref<64x128xf32, #tpu.memory_space<vmem>>) offsets(%dma_start3A_90 : memref<64xi32, #tpu.memory_space<vmem>>) semaphore(%arg13 : memref<!tpu.dma_semaphore, #tpu.memory_space<semaphore_mem>>)
        %add3A_94 = arith.constant 1 : i32
        %add3A_95 = arith.addi %add3A_65, %add3A_94 : i32
        %dma_wait3A_96 = arith.constant 0 : i32
        %dma_wait3A_97 = tpu.memref_slice %arg7[%add3A_95, %dma_wait3A_96] : memref<81x64xi32, #tpu.memory_space<vmem>> -> memref<1x64xi32, #tpu.memory_space<vmem>>
        %dma_wait3A_98 = tpu.memref_squeeze %dma_wait3A_97 : memref<1x64xi32, #tpu.memory_space<vmem>> -> memref<64xi32, #tpu.memory_space<vmem>>
        %dma_wait3A_99 = arith.constant 0 : i32
        %dma_wait3A_100 = arith.constant 0 : i32
        %dma_wait3A_101 = tpu.memref_slice %arg2[%dma_wait3A_99, %dma_wait3A_100] : memref<10112x128xf32, #tpu.memory_space<hbm>> -> memref<10112x128xf32, #tpu.memory_space<hbm>>
        tpu.wait_indirect_dma semaphore(%arg14 : memref<!tpu.dma_semaphore, #tpu.memory_space<semaphore_mem>>) src(%dma_wait3A_101 : memref<10112x128xf32, #tpu.memory_space<hbm>>) dst(%arg10 : memref<64x128xf32, #tpu.memory_space<vmem>>)
        %dma_start3A_102 = arith.constant 0 : i32
        %dma_start3A_103 = tpu.memref_slice %arg8[%add3A_95, %dma_start3A_102] : memref<81x64xi32, #tpu.memory_space<vmem>> -> memref<1x64xi32, #tpu.memory_space<vmem>>
        %dma_start3A_104 = tpu.memref_squeeze %dma_start3A_103 : memref<1x64xi32, #tpu.memory_space<vmem>> -> memref<64xi32, #tpu.memory_space<vmem>>
        %dma_start3A_105 = arith.constant 0 : i32
        %dma_start3A_106 = arith.constant 0 : i32
        %dma_start3A_107 = tpu.memref_slice %arg12[%dma_start3A_105, %dma_start3A_106] : memref<10112x128xf32, #tpu.memory_space<vmem_shared>> -> memref<10112x128xf32, #tpu.memory_space<vmem_shared>>
        tpu.enqueue_indirect_dma source(%arg10 : memref<64x128xf32, #tpu.memory_space<vmem>>) target(%dma_start3A_107 : memref<10112x128xf32, #tpu.memory_space<vmem_shared>>) offsets(%dma_start3A_104 : memref<64xi32, #tpu.memory_space<vmem>>) semaphore(%arg17 : memref<!tpu.dma_semaphore, #tpu.memory_space<semaphore_mem>>) {add = true}
        %dma_wait3A_108 = arith.constant 0 : i32
        %dma_wait3A_109 = tpu.memref_slice %arg8[%add3A_95, %dma_wait3A_108] : memref<81x64xi32, #tpu.memory_space<vmem>> -> memref<1x64xi32, #tpu.memory_space<vmem>>
        %dma_wait3A_110 = tpu.memref_squeeze %dma_wait3A_109 : memref<1x64xi32, #tpu.memory_space<vmem>> -> memref<64xi32, #tpu.memory_space<vmem>>
        %dma_wait3A_111 = arith.constant 0 : i32
        %dma_wait3A_112 = arith.constant 0 : i32
        %dma_wait3A_113 = tpu.memref_slice %arg12[%dma_wait3A_111, %dma_wait3A_112] : memref<10112x128xf32, #tpu.memory_space<vmem_shared>> -> memref<10112x128xf32, #tpu.memory_space<vmem_shared>>
        tpu.wait_indirect_dma semaphore(%arg17 : memref<!tpu.dma_semaphore, #tpu.memory_space<semaphore_mem>>) src(%arg10 : memref<64x128xf32, #tpu.memory_space<vmem>>) dst(%dma_wait3A_113 : memref<10112x128xf32, #tpu.memory_space<vmem_shared>>)
        %add3A_114 = arith.constant 3 : i32
        %add3A_115 = arith.addi %add3A_95, %add3A_114 : i32
        %dma_start3A_116 = arith.constant 0 : i32
        %dma_start3A_117 = tpu.memref_slice %arg7[%add3A_115, %dma_start3A_116] : memref<81x64xi32, #tpu.memory_space<vmem>> -> memref<1x64xi32, #tpu.memory_space<vmem>>
        %dma_start3A_118 = tpu.memref_squeeze %dma_start3A_117 : memref<1x64xi32, #tpu.memory_space<vmem>> -> memref<64xi32, #tpu.memory_space<vmem>>
        %dma_start3A_119 = arith.constant 0 : i32
        %dma_start3A_120 = arith.constant 0 : i32
        %dma_start3A_121 = tpu.memref_slice %arg2[%dma_start3A_119, %dma_start3A_120] : memref<10112x128xf32, #tpu.memory_space<hbm>> -> memref<10112x128xf32, #tpu.memory_space<hbm>>
        tpu.enqueue_indirect_dma source(%dma_start3A_121 : memref<10112x128xf32, #tpu.memory_space<hbm>>) target(%arg10 : memref<64x128xf32, #tpu.memory_space<vmem>>) offsets(%dma_start3A_118 : memref<64xi32, #tpu.memory_space<vmem>>) semaphore(%arg14 : memref<!tpu.dma_semaphore, #tpu.memory_space<semaphore_mem>>)
        %add3A_122 = arith.constant 2 : i32
        %add3A_123 = arith.addi %add3A_65, %add3A_122 : i32
        %dma_wait3A_124 = arith.constant 0 : i32
        %dma_wait3A_125 = tpu.memref_slice %arg7[%add3A_123, %dma_wait3A_124] : memref<81x64xi32, #tpu.memory_space<vmem>> -> memref<1x64xi32, #tpu.memory_space<vmem>>
        %dma_wait3A_126 = tpu.memref_squeeze %dma_wait3A_125 : memref<1x64xi32, #tpu.memory_space<vmem>> -> memref<64xi32, #tpu.memory_space<vmem>>
        %dma_wait3A_127 = arith.constant 0 : i32
        %dma_wait3A_128 = arith.constant 0 : i32
        %dma_wait3A_129 = tpu.memref_slice %arg2[%dma_wait3A_127, %dma_wait3A_128] : memref<10112x128xf32, #tpu.memory_space<hbm>> -> memref<10112x128xf32, #tpu.memory_space<hbm>>
        tpu.wait_indirect_dma semaphore(%arg15 : memref<!tpu.dma_semaphore, #tpu.memory_space<semaphore_mem>>) src(%dma_wait3A_129 : memref<10112x128xf32, #tpu.memory_space<hbm>>) dst(%arg11 : memref<64x128xf32, #tpu.memory_space<vmem>>)
        %dma_start3A_130 = arith.constant 0 : i32
        %dma_start3A_131 = tpu.memref_slice %arg8[%add3A_123, %dma_start3A_130] : memref<81x64xi32, #tpu.memory_space<vmem>> -> memref<1x64xi32, #tpu.memory_space<vmem>>
        %dma_start3A_132 = tpu.memref_squeeze %dma_start3A_131 : memref<1x64xi32, #tpu.memory_space<vmem>> -> memref<64xi32, #tpu.memory_space<vmem>>
        %dma_start3A_133 = arith.constant 0 : i32
        %dma_start3A_134 = arith.constant 0 : i32
        %dma_start3A_135 = tpu.memref_slice %arg12[%dma_start3A_133, %dma_start3A_134] : memref<10112x128xf32, #tpu.memory_space<vmem_shared>> -> memref<10112x128xf32, #tpu.memory_space<vmem_shared>>
        tpu.enqueue_indirect_dma source(%arg11 : memref<64x128xf32, #tpu.memory_space<vmem>>) target(%dma_start3A_135 : memref<10112x128xf32, #tpu.memory_space<vmem_shared>>) offsets(%dma_start3A_132 : memref<64xi32, #tpu.memory_space<vmem>>) semaphore(%arg18 : memref<!tpu.dma_semaphore, #tpu.memory_space<semaphore_mem>>) {add = true}
        %dma_wait3A_136 = arith.constant 0 : i32
        %dma_wait3A_137 = tpu.memref_slice %arg8[%add3A_123, %dma_wait3A_136] : memref<81x64xi32, #tpu.memory_space<vmem>> -> memref<1x64xi32, #tpu.memory_space<vmem>>
        %dma_wait3A_138 = tpu.memref_squeeze %dma_wait3A_137 : memref<1x64xi32, #tpu.memory_space<vmem>> -> memref<64xi32, #tpu.memory_space<vmem>>
        %dma_wait3A_139 = arith.constant 0 : i32
        %dma_wait3A_140 = arith.constant 0 : i32
        %dma_wait3A_141 = tpu.memref_slice %arg12[%dma_wait3A_139, %dma_wait3A_140] : memref<10112x128xf32, #tpu.memory_space<vmem_shared>> -> memref<10112x128xf32, #tpu.memory_space<vmem_shared>>
        tpu.wait_indirect_dma semaphore(%arg18 : memref<!tpu.dma_semaphore, #tpu.memory_space<semaphore_mem>>) src(%arg11 : memref<64x128xf32, #tpu.memory_space<vmem>>) dst(%dma_wait3A_141 : memref<10112x128xf32, #tpu.memory_space<vmem_shared>>)
        %add3A_142 = arith.constant 3 : i32
        %add3A_143 = arith.addi %add3A_123, %add3A_142 : i32
        %dma_start3A_144 = arith.constant 0 : i32
        %dma_start3A_145 = tpu.memref_slice %arg7[%add3A_143, %dma_start3A_144] : memref<81x64xi32, #tpu.memory_space<vmem>> -> memref<1x64xi32, #tpu.memory_space<vmem>>
        %dma_start3A_146 = tpu.memref_squeeze %dma_start3A_145 : memref<1x64xi32, #tpu.memory_space<vmem>> -> memref<64xi32, #tpu.memory_space<vmem>>
        %dma_start3A_147 = arith.constant 0 : i32
        %dma_start3A_148 = arith.constant 0 : i32
        %dma_start3A_149 = tpu.memref_slice %arg2[%dma_start3A_147, %dma_start3A_148] : memref<10112x128xf32, #tpu.memory_space<hbm>> -> memref<10112x128xf32, #tpu.memory_space<hbm>>
        tpu.enqueue_indirect_dma source(%dma_start3A_149 : memref<10112x128xf32, #tpu.memory_space<hbm>>) target(%arg11 : memref<64x128xf32, #tpu.memory_space<vmem>>) offsets(%dma_start3A_146 : memref<64xi32, #tpu.memory_space<vmem>>) semaphore(%arg15 : memref<!tpu.dma_semaphore, #tpu.memory_space<semaphore_mem>>)
      }
      %scan3A_38 = arith.constant 26 : i32
      %dma_wait3A = arith.constant 0 : i32
      %dma_wait3A_39 = arith.constant 0 : i32
      %dma_wait3A_40 = tpu.memref_slice %arg7[%dma_wait3A, %dma_wait3A_39] : memref<81x64xi32, #tpu.memory_space<vmem>> -> memref<1x64xi32, #tpu.memory_space<vmem>>
      %dma_wait3A_41 = tpu.memref_squeeze %dma_wait3A_40 : memref<1x64xi32, #tpu.memory_space<vmem>> -> memref<64xi32, #tpu.memory_space<vmem>>
      %dma_wait3A_42 = arith.constant 0 : i32
      %dma_wait3A_43 = arith.constant 0 : i32
      %dma_wait3A_44 = tpu.memref_slice %arg2[%dma_wait3A_42, %dma_wait3A_43] : memref<10112x128xf32, #tpu.memory_space<hbm>> -> memref<10112x128xf32, #tpu.memory_space<hbm>>
      tpu.wait_indirect_dma semaphore(%arg13 : memref<!tpu.dma_semaphore, #tpu.memory_space<semaphore_mem>>) src(%dma_wait3A_44 : memref<10112x128xf32, #tpu.memory_space<hbm>>) dst(%arg9 : memref<64x128xf32, #tpu.memory_space<vmem>>)
      %run_scoped3A = arith.constant 78 : i32
      "tpu.region"() ({
        %run_scoped3A_61 = tpu.sem_alloc : memref<!tpu.dma_semaphore, #tpu.memory_space<semaphore_mem>>
        %dma_start3A_62 = arith.constant 0 : i32
        %dma_start3A_63 = tpu.memref_slice %arg8[%run_scoped3A, %dma_start3A_62] : memref<81x64xi32, #tpu.memory_space<vmem>> -> memref<1x64xi32, #tpu.memory_space<vmem>>
        %dma_start3A_64 = tpu.memref_squeeze %dma_start3A_63 : memref<1x64xi32, #tpu.memory_space<vmem>> -> memref<64xi32, #tpu.memory_space<vmem>>
        %dma_start3A_65 = arith.constant 0 : i32
        %dma_start3A_66 = arith.constant 0 : i32
        %dma_start3A_67 = tpu.memref_slice %arg12[%dma_start3A_65, %dma_start3A_66] : memref<10112x128xf32, #tpu.memory_space<vmem_shared>> -> memref<10112x128xf32, #tpu.memory_space<vmem_shared>>
        tpu.enqueue_indirect_dma source(%arg9 : memref<64x128xf32, #tpu.memory_space<vmem>>) target(%dma_start3A_67 : memref<10112x128xf32, #tpu.memory_space<vmem_shared>>) offsets(%dma_start3A_64 : memref<64xi32, #tpu.memory_space<vmem>>) semaphore(%run_scoped3A_61 : memref<!tpu.dma_semaphore, #tpu.memory_space<semaphore_mem>>) {add = true}
        %dma_wait3A_68 = arith.constant 0 : i32
        %dma_wait3A_69 = tpu.memref_slice %arg8[%run_scoped3A, %dma_wait3A_68] : memref<81x64xi32, #tpu.memory_space<vmem>> -> memref<1x64xi32, #tpu.memory_space<vmem>>
        %dma_wait3A_70 = tpu.memref_squeeze %dma_wait3A_69 : memref<1x64xi32, #tpu.memory_space<vmem>> -> memref<64xi32, #tpu.memory_space<vmem>>
        %dma_wait3A_71 = arith.constant 0 : i32
        %dma_wait3A_72 = arith.constant 0 : i32
        %dma_wait3A_73 = tpu.memref_slice %arg12[%dma_wait3A_71, %dma_wait3A_72] : memref<10112x128xf32, #tpu.memory_space<vmem_shared>> -> memref<10112x128xf32, #tpu.memory_space<vmem_shared>>
        tpu.wait_indirect_dma semaphore(%run_scoped3A_61 : memref<!tpu.dma_semaphore, #tpu.memory_space<semaphore_mem>>) src(%arg9 : memref<64x128xf32, #tpu.memory_space<vmem>>) dst(%dma_wait3A_73 : memref<10112x128xf32, #tpu.memory_space<vmem_shared>>)
        tpu.yield
      }) : () -> ()
      %dma_wait3A_45 = arith.constant 1 : i32
      %dma_wait3A_46 = arith.constant 0 : i32
      %dma_wait3A_47 = tpu.memref_slice %arg7[%dma_wait3A_45, %dma_wait3A_46] : memref<81x64xi32, #tpu.memory_space<vmem>> -> memref<1x64xi32, #tpu.memory_space<vmem>>
      %dma_wait3A_48 = tpu.memref_squeeze %dma_wait3A_47 : memref<1x64xi32, #tpu.memory_space<vmem>> -> memref<64xi32, #tpu.memory_space<vmem>>
      %dma_wait3A_49 = arith.constant 0 : i32
      %dma_wait3A_50 = arith.constant 0 : i32
      %dma_wait3A_51 = tpu.memref_slice %arg2[%dma_wait3A_49, %dma_wait3A_50] : memref<10112x128xf32, #tpu.memory_space<hbm>> -> memref<10112x128xf32, #tpu.memory_space<hbm>>
      tpu.wait_indirect_dma semaphore(%arg14 : memref<!tpu.dma_semaphore, #tpu.memory_space<semaphore_mem>>) src(%dma_wait3A_51 : memref<10112x128xf32, #tpu.memory_space<hbm>>) dst(%arg10 : memref<64x128xf32, #tpu.memory_space<vmem>>)
      %run_scoped3A_52 = arith.constant 79 : i32
      "tpu.region"() ({
        %run_scoped3A_61 = tpu.sem_alloc : memref<!tpu.dma_semaphore, #tpu.memory_space<semaphore_mem>>
        %dma_start3A_62 = arith.constant 0 : i32
        %dma_start3A_63 = tpu.memref_slice %arg8[%run_scoped3A_52, %dma_start3A_62] : memref<81x64xi32, #tpu.memory_space<vmem>> -> memref<1x64xi32, #tpu.memory_space<vmem>>
        %dma_start3A_64 = tpu.memref_squeeze %dma_start3A_63 : memref<1x64xi32, #tpu.memory_space<vmem>> -> memref<64xi32, #tpu.memory_space<vmem>>
        %dma_start3A_65 = arith.constant 0 : i32
        %dma_start3A_66 = arith.constant 0 : i32
        %dma_start3A_67 = tpu.memref_slice %arg12[%dma_start3A_65, %dma_start3A_66] : memref<10112x128xf32, #tpu.memory_space<vmem_shared>> -> memref<10112x128xf32, #tpu.memory_space<vmem_shared>>
        tpu.enqueue_indirect_dma source(%arg10 : memref<64x128xf32, #tpu.memory_space<vmem>>) target(%dma_start3A_67 : memref<10112x128xf32, #tpu.memory_space<vmem_shared>>) offsets(%dma_start3A_64 : memref<64xi32, #tpu.memory_space<vmem>>) semaphore(%run_scoped3A_61 : memref<!tpu.dma_semaphore, #tpu.memory_space<semaphore_mem>>) {add = true}
        %dma_wait3A_68 = arith.constant 0 : i32
        %dma_wait3A_69 = tpu.memref_slice %arg8[%run_scoped3A_52, %dma_wait3A_68] : memref<81x64xi32, #tpu.memory_space<vmem>> -> memref<1x64xi32, #tpu.memory_space<vmem>>
        %dma_wait3A_70 = tpu.memref_squeeze %dma_wait3A_69 : memref<1x64xi32, #tpu.memory_space<vmem>> -> memref<64xi32, #tpu.memory_space<vmem>>
        %dma_wait3A_71 = arith.constant 0 : i32
        %dma_wait3A_72 = arith.constant 0 : i32
        %dma_wait3A_73 = tpu.memref_slice %arg12[%dma_wait3A_71, %dma_wait3A_72] : memref<10112x128xf32, #tpu.memory_space<vmem_shared>> -> memref<10112x128xf32, #tpu.memory_space<vmem_shared>>
        tpu.wait_indirect_dma semaphore(%run_scoped3A_61 : memref<!tpu.dma_semaphore, #tpu.memory_space<semaphore_mem>>) src(%arg10 : memref<64x128xf32, #tpu.memory_space<vmem>>) dst(%dma_wait3A_73 : memref<10112x128xf32, #tpu.memory_space<vmem_shared>>)
        tpu.yield
      }) : () -> ()
      %dma_wait3A_53 = arith.constant 2 : i32
      %dma_wait3A_54 = arith.constant 0 : i32
      %dma_wait3A_55 = tpu.memref_slice %arg7[%dma_wait3A_53, %dma_wait3A_54] : memref<81x64xi32, #tpu.memory_space<vmem>> -> memref<1x64xi32, #tpu.memory_space<vmem>>
      %dma_wait3A_56 = tpu.memref_squeeze %dma_wait3A_55 : memref<1x64xi32, #tpu.memory_space<vmem>> -> memref<64xi32, #tpu.memory_space<vmem>>
      %dma_wait3A_57 = arith.constant 0 : i32
      %dma_wait3A_58 = arith.constant 0 : i32
      %dma_wait3A_59 = tpu.memref_slice %arg2[%dma_wait3A_57, %dma_wait3A_58] : memref<10112x128xf32, #tpu.memory_space<hbm>> -> memref<10112x128xf32, #tpu.memory_space<hbm>>
      tpu.wait_indirect_dma semaphore(%arg15 : memref<!tpu.dma_semaphore, #tpu.memory_space<semaphore_mem>>) src(%dma_wait3A_59 : memref<10112x128xf32, #tpu.memory_space<hbm>>) dst(%arg11 : memref<64x128xf32, #tpu.memory_space<vmem>>)
      %run_scoped3A_60 = arith.constant 80 : i32
      "tpu.region"() ({
        %run_scoped3A_61 = tpu.sem_alloc : memref<!tpu.dma_semaphore, #tpu.memory_space<semaphore_mem>>
        %dma_start3A_62 = arith.constant 0 : i32
        %dma_start3A_63 = tpu.memref_slice %arg8[%run_scoped3A_60, %dma_start3A_62] : memref<81x64xi32, #tpu.memory_space<vmem>> -> memref<1x64xi32, #tpu.memory_space<vmem>>
        %dma_start3A_64 = tpu.memref_squeeze %dma_start3A_63 : memref<1x64xi32, #tpu.memory_space<vmem>> -> memref<64xi32, #tpu.memory_space<vmem>>
        %dma_start3A_65 = arith.constant 0 : i32
        %dma_start3A_66 = arith.constant 0 : i32
        %dma_start3A_67 = tpu.memref_slice %arg12[%dma_start3A_65, %dma_start3A_66] : memref<10112x128xf32, #tpu.memory_space<vmem_shared>> -> memref<10112x128xf32, #tpu.memory_space<vmem_shared>>
        tpu.enqueue_indirect_dma source(%arg11 : memref<64x128xf32, #tpu.memory_space<vmem>>) target(%dma_start3A_67 : memref<10112x128xf32, #tpu.memory_space<vmem_shared>>) offsets(%dma_start3A_64 : memref<64xi32, #tpu.memory_space<vmem>>) semaphore(%run_scoped3A_61 : memref<!tpu.dma_semaphore, #tpu.memory_space<semaphore_mem>>) {add = true}
        %dma_wait3A_68 = arith.constant 0 : i32
        %dma_wait3A_69 = tpu.memref_slice %arg8[%run_scoped3A_60, %dma_wait3A_68] : memref<81x64xi32, #tpu.memory_space<vmem>> -> memref<1x64xi32, #tpu.memory_space<vmem>>
        %dma_wait3A_70 = tpu.memref_squeeze %dma_wait3A_69 : memref<1x64xi32, #tpu.memory_space<vmem>> -> memref<64xi32, #tpu.memory_space<vmem>>
        %dma_wait3A_71 = arith.constant 0 : i32
        %dma_wait3A_72 = arith.constant 0 : i32
        %dma_wait3A_73 = tpu.memref_slice %arg12[%dma_wait3A_71, %dma_wait3A_72] : memref<10112x128xf32, #tpu.memory_space<vmem_shared>> -> memref<10112x128xf32, #tpu.memory_space<vmem_shared>>
        tpu.wait_indirect_dma semaphore(%run_scoped3A_61 : memref<!tpu.dma_semaphore, #tpu.memory_space<semaphore_mem>>) src(%arg11 : memref<64x128xf32, #tpu.memory_space<vmem>>) dst(%dma_wait3A_73 : memref<10112x128xf32, #tpu.memory_space<vmem_shared>>)
        tpu.yield
      }) : () -> ()
    }
    %scan3A_4 = arith.constant 2 : i32
    %barrier3A_5 = arith.constant 0 : index
    tpu.barrier barrier_id(%barrier3A_5)
    %mul3A_6 = arith.constant 632 : i32
    %mul3A_7 = arith.muli %arg1, %mul3A_6 : i32
    %mul3A_8 = arith.constant 632 : i32
    %mul3A_9 = arith.muli %arg1, %mul3A_8 : i32
    "tpu.region"() ({
      %run_scoped3A = tpu.sem_alloc : memref<!tpu.dma_semaphore, #tpu.memory_space<semaphore_mem>>
      %dma_start3A = arith.constant 0 : i32
      %dma_start3A_10 = tpu.memref_slice %arg6[%arg0, %mul3A_9, %dma_start3A] : memref<2x10112x128xf32, #tpu.memory_space<hbm>> -> memref<1x632x128xf32, #tpu.memory_space<hbm>>
      %dma_start3A_11 = tpu.memref_squeeze %dma_start3A_10 : memref<1x632x128xf32, #tpu.memory_space<hbm>> -> memref<632x128xf32, #tpu.memory_space<hbm>>
      %dma_start3A_12 = arith.constant 0 : i32
      %dma_start3A_13 = tpu.memref_slice %arg12[%mul3A_7, %dma_start3A_12] : memref<10112x128xf32, #tpu.memory_space<vmem_shared>> -> memref<632x128xf32, #tpu.memory_space<vmem_shared>>
      tpu.enqueue_dma source(%dma_start3A_13 : memref<632x128xf32, #tpu.memory_space<vmem_shared>>) target(%dma_start3A_11 : memref<632x128xf32, #tpu.memory_space<hbm>>) target_semaphore(%run_scoped3A : memref<!tpu.dma_semaphore, #tpu.memory_space<semaphore_mem>>)
      %dma_wait3A = arith.constant 0 : i32
      %dma_wait3A_14 = tpu.memref_slice %arg6[%arg0, %mul3A_9, %dma_wait3A] : memref<2x10112x128xf32, #tpu.memory_space<hbm>> -> memref<1x632x128xf32, #tpu.memory_space<hbm>>
      %dma_wait3A_15 = tpu.memref_squeeze %dma_wait3A_14 : memref<1x632x128xf32, #tpu.memory_space<hbm>> -> memref<632x128xf32, #tpu.memory_space<hbm>>
      %dma_wait3A_16 = arith.constant 0 : i32
      %dma_wait3A_17 = tpu.memref_slice %arg12[%mul3A_7, %dma_wait3A_16] : memref<10112x128xf32, #tpu.memory_space<vmem_shared>> -> memref<632x128xf32, #tpu.memory_space<vmem_shared>>
      tpu.wait_dma2 semaphore(%run_scoped3A : memref<!tpu.dma_semaphore, #tpu.memory_space<semaphore_mem>>) src(%dma_wait3A_17 : memref<632x128xf32, #tpu.memory_space<vmem_shared>>) dst(%dma_wait3A_15 : memref<632x128xf32, #tpu.memory_space<hbm>>)
      tpu.yield
    }) : () -> ()
    return
  }
}

#map = affine_map<(d0, d1) -> (0, 0, 0, 0)>
#map1 = affine_map<(d0, d1) -> (0, 0)>
#map2 = affine_map<(d0, d1) -> (0, 0, 0)>
module attributes {stable_mosaic.version = 14 : i64} {
  func.func @_deg_kernel(%arg0: i32, %arg1: i32, %arg2: memref<2x16x162x128xi32, #tpu.memory_space<hbm>>, %arg3: memref<632x128xf32, #tpu.memory_space<hbm>>, %arg4: memref<128x128xf32, #tpu.memory_space<hbm>>, %arg5: memref<2x10112x128xf32, #tpu.memory_space<hbm>>, %arg6: memref<162x128xi32, #tpu.memory_space<vmem>>, %arg7: memref<128x128xf32, #tpu.memory_space<vmem>>, %arg8: memref<10112x128xf32, #tpu.memory_space<vmem_shared>>, %arg9: memref<!tpu.dma_semaphore, #tpu.memory_space<semaphore_mem>>, %arg10: memref<!tpu.dma_semaphore, #tpu.memory_space<semaphore_mem>>, %arg11: memref<!tpu.dma_semaphore, #tpu.memory_space<semaphore_mem>>) attributes {dimension_semantics = [#tpu.dimension_semantics<core_parallel>, #tpu.dimension_semantics<subcore_parallel>], iteration_bounds = array<i64: 2, 16>, scalar_prefetch = 0 : i64, scratch_operands = 6 : i64, tpu.core_type = #tpu.core_type<sc_vector_subcore>, window_params = [{transform_indices = #map}, {transform_indices = #map1}, {transform_indices = #map1}, {transform_indices = #map2}]} {
    %mul3A = arith.constant 632 : i32
    %mul3A_0 = arith.muli %arg1, %mul3A : i32
    "tpu.region"() ({
      %run_scoped3A = tpu.sem_alloc : memref<!tpu.dma_semaphore, #tpu.memory_space<semaphore_mem>>
      %dma_start3A_50 = arith.constant 0 : i32
      %dma_start3A_51 = tpu.memref_slice %arg8[%mul3A_0, %dma_start3A_50] : memref<10112x128xf32, #tpu.memory_space<vmem_shared>> -> memref<632x128xf32, #tpu.memory_space<vmem_shared>>
      tpu.enqueue_dma source(%arg3 : memref<632x128xf32, #tpu.memory_space<hbm>>) target(%dma_start3A_51 : memref<632x128xf32, #tpu.memory_space<vmem_shared>>) target_semaphore(%run_scoped3A : memref<!tpu.dma_semaphore, #tpu.memory_space<semaphore_mem>>)
      %dma_wait3A_52 = arith.constant 0 : i32
      %dma_wait3A_53 = tpu.memref_slice %arg8[%mul3A_0, %dma_wait3A_52] : memref<10112x128xf32, #tpu.memory_space<vmem_shared>> -> memref<632x128xf32, #tpu.memory_space<vmem_shared>>
      tpu.wait_dma2 semaphore(%run_scoped3A : memref<!tpu.dma_semaphore, #tpu.memory_space<semaphore_mem>>) src(%arg3 : memref<632x128xf32, #tpu.memory_space<hbm>>) dst(%dma_wait3A_53 : memref<632x128xf32, #tpu.memory_space<vmem_shared>>)
      tpu.yield
    }) : () -> ()
    "tpu.region"() ({
      %run_scoped3A = tpu.sem_alloc : memref<!tpu.dma_semaphore, #tpu.memory_space<semaphore_mem>>
      %dma_start3A_50 = arith.constant 0 : i32
      %dma_start3A_51 = arith.constant 0 : i32
      %dma_start3A_52 = tpu.memref_slice %arg2[%arg0, %arg1, %dma_start3A_50, %dma_start3A_51] : memref<2x16x162x128xi32, #tpu.memory_space<hbm>> -> memref<1x1x162x128xi32, #tpu.memory_space<hbm>>
      %dma_start3A_53 = tpu.memref_squeeze %dma_start3A_52 : memref<1x1x162x128xi32, #tpu.memory_space<hbm>> -> memref<162x128xi32, #tpu.memory_space<hbm>>
      %dma_start3A_54 = arith.constant 0 : i32
      %dma_start3A_55 = arith.constant 0 : i32
      %dma_start3A_56 = tpu.memref_slice %arg2[%arg0, %arg1, %dma_start3A_54, %dma_start3A_55] : memref<2x16x162x128xi32, #tpu.memory_space<hbm>> -> memref<1x1x162x128xi32, #tpu.memory_space<hbm>>
      %dma_start3A_57 = tpu.memref_squeeze %dma_start3A_56 : memref<1x1x162x128xi32, #tpu.memory_space<hbm>> -> memref<162x128xi32, #tpu.memory_space<hbm>>
      tpu.enqueue_dma source(%dma_start3A_57 : memref<162x128xi32, #tpu.memory_space<hbm>>) target(%arg6 : memref<162x128xi32, #tpu.memory_space<vmem>>) target_semaphore(%run_scoped3A : memref<!tpu.dma_semaphore, #tpu.memory_space<semaphore_mem>>)
      %dma_wait3A_58 = arith.constant 0 : i32
      %dma_wait3A_59 = arith.constant 0 : i32
      %dma_wait3A_60 = tpu.memref_slice %arg2[%arg0, %arg1, %dma_wait3A_58, %dma_wait3A_59] : memref<2x16x162x128xi32, #tpu.memory_space<hbm>> -> memref<1x1x162x128xi32, #tpu.memory_space<hbm>>
      %dma_wait3A_61 = tpu.memref_squeeze %dma_wait3A_60 : memref<1x1x162x128xi32, #tpu.memory_space<hbm>> -> memref<162x128xi32, #tpu.memory_space<hbm>>
      %dma_wait3A_62 = arith.constant 0 : i32
      %dma_wait3A_63 = arith.constant 0 : i32
      %dma_wait3A_64 = tpu.memref_slice %arg2[%arg0, %arg1, %dma_wait3A_62, %dma_wait3A_63] : memref<2x16x162x128xi32, #tpu.memory_space<hbm>> -> memref<1x1x162x128xi32, #tpu.memory_space<hbm>>
      %dma_wait3A_65 = tpu.memref_squeeze %dma_wait3A_64 : memref<1x1x162x128xi32, #tpu.memory_space<hbm>> -> memref<162x128xi32, #tpu.memory_space<hbm>>
      tpu.wait_dma2 semaphore(%run_scoped3A : memref<!tpu.dma_semaphore, #tpu.memory_space<semaphore_mem>>) src(%dma_wait3A_65 : memref<162x128xi32, #tpu.memory_space<hbm>>) dst(%arg6 : memref<162x128xi32, #tpu.memory_space<vmem>>)
      tpu.yield
    }) : () -> ()
    "tpu.region"() ({
      %run_scoped3A = tpu.sem_alloc : memref<!tpu.dma_semaphore, #tpu.memory_space<semaphore_mem>>
      tpu.enqueue_dma source(%arg4 : memref<128x128xf32, #tpu.memory_space<hbm>>) target(%arg7 : memref<128x128xf32, #tpu.memory_space<vmem>>) target_semaphore(%run_scoped3A : memref<!tpu.dma_semaphore, #tpu.memory_space<semaphore_mem>>)
      tpu.wait_dma2 semaphore(%run_scoped3A : memref<!tpu.dma_semaphore, #tpu.memory_space<semaphore_mem>>) src(%arg4 : memref<128x128xf32, #tpu.memory_space<hbm>>) dst(%arg7 : memref<128x128xf32, #tpu.memory_space<vmem>>)
      tpu.yield
    }) : () -> ()
    %barrier3A = arith.constant 0 : index
    tpu.barrier barrier_id(%barrier3A)
    %dma_start3A = arith.constant 0 : i32
    %dma_start3A_1 = arith.constant 0 : i32
    %dma_start3A_2 = tpu.memref_slice %arg6[%dma_start3A, %dma_start3A_1] : memref<162x128xi32, #tpu.memory_space<vmem>> -> memref<1x128xi32, #tpu.memory_space<vmem>>
    %dma_start3A_3 = tpu.memref_squeeze %dma_start3A_2 : memref<1x128xi32, #tpu.memory_space<vmem>> -> memref<128xi32, #tpu.memory_space<vmem>>
    %dma_start3A_4 = arith.constant 0 : i32
    %dma_start3A_5 = arith.constant 0 : i32
    %dma_start3A_6 = tpu.memref_slice %arg8[%dma_start3A_4, %dma_start3A_5] : memref<10112x128xf32, #tpu.memory_space<vmem_shared>> -> memref<10112x128xf32, #tpu.memory_space<vmem_shared>>
    tpu.enqueue_indirect_dma source(%arg7 : memref<128x128xf32, #tpu.memory_space<vmem>>) target(%dma_start3A_6 : memref<10112x128xf32, #tpu.memory_space<vmem_shared>>) offsets(%dma_start3A_3 : memref<128xi32, #tpu.memory_space<vmem>>) semaphore(%arg9 : memref<!tpu.dma_semaphore, #tpu.memory_space<semaphore_mem>>) {add = true}
    %dma_start3A_7 = arith.constant 1 : i32
    %dma_start3A_8 = arith.constant 0 : i32
    %dma_start3A_9 = tpu.memref_slice %arg6[%dma_start3A_7, %dma_start3A_8] : memref<162x128xi32, #tpu.memory_space<vmem>> -> memref<1x128xi32, #tpu.memory_space<vmem>>
    %dma_start3A_10 = tpu.memref_squeeze %dma_start3A_9 : memref<1x128xi32, #tpu.memory_space<vmem>> -> memref<128xi32, #tpu.memory_space<vmem>>
    %dma_start3A_11 = arith.constant 0 : i32
    %dma_start3A_12 = arith.constant 0 : i32
    %dma_start3A_13 = tpu.memref_slice %arg8[%dma_start3A_11, %dma_start3A_12] : memref<10112x128xf32, #tpu.memory_space<vmem_shared>> -> memref<10112x128xf32, #tpu.memory_space<vmem_shared>>
    tpu.enqueue_indirect_dma source(%arg7 : memref<128x128xf32, #tpu.memory_space<vmem>>) target(%dma_start3A_13 : memref<10112x128xf32, #tpu.memory_space<vmem_shared>>) offsets(%dma_start3A_10 : memref<128xi32, #tpu.memory_space<vmem>>) semaphore(%arg10 : memref<!tpu.dma_semaphore, #tpu.memory_space<semaphore_mem>>) {add = true}
    %dma_start3A_14 = arith.constant 2 : i32
    %dma_start3A_15 = arith.constant 0 : i32
    %dma_start3A_16 = tpu.memref_slice %arg6[%dma_start3A_14, %dma_start3A_15] : memref<162x128xi32, #tpu.memory_space<vmem>> -> memref<1x128xi32, #tpu.memory_space<vmem>>
    %dma_start3A_17 = tpu.memref_squeeze %dma_start3A_16 : memref<1x128xi32, #tpu.memory_space<vmem>> -> memref<128xi32, #tpu.memory_space<vmem>>
    %dma_start3A_18 = arith.constant 0 : i32
    %dma_start3A_19 = arith.constant 0 : i32
    %dma_start3A_20 = tpu.memref_slice %arg8[%dma_start3A_18, %dma_start3A_19] : memref<10112x128xf32, #tpu.memory_space<vmem_shared>> -> memref<10112x128xf32, #tpu.memory_space<vmem_shared>>
    tpu.enqueue_indirect_dma source(%arg7 : memref<128x128xf32, #tpu.memory_space<vmem>>) target(%dma_start3A_20 : memref<10112x128xf32, #tpu.memory_space<vmem_shared>>) offsets(%dma_start3A_17 : memref<128xi32, #tpu.memory_space<vmem>>) semaphore(%arg11 : memref<!tpu.dma_semaphore, #tpu.memory_space<semaphore_mem>>) {add = true}
    %scan3A = arith.constant 0 : i32
    %scan3A_21 = arith.constant 53 : i32
    %scan3A_22 = arith.addi %scan3A, %scan3A_21 : i32
    %scan3A_23 = arith.constant 1 : i32
    scf.for %scan3A_50 = %scan3A to %scan3A_22 step %scan3A_23  : i32 {
      %mul3A_51 = arith.constant 3 : i32
      %mul3A_52 = arith.muli %scan3A_50, %mul3A_51 : i32
      %add3A = arith.constant 0 : i32
      %add3A_53 = arith.addi %add3A, %mul3A_52 : i32
      %dma_wait3A_54 = arith.constant 0 : i32
      %dma_wait3A_55 = arith.constant 0 : i32
      %dma_wait3A_56 = tpu.memref_slice %arg6[%dma_wait3A_54, %dma_wait3A_55] : memref<162x128xi32, #tpu.memory_space<vmem>> -> memref<1x128xi32, #tpu.memory_space<vmem>>
      %dma_wait3A_57 = tpu.memref_squeeze %dma_wait3A_56 : memref<1x128xi32, #tpu.memory_space<vmem>> -> memref<128xi32, #tpu.memory_space<vmem>>
      %dma_wait3A_58 = arith.constant 0 : i32
      %dma_wait3A_59 = arith.constant 0 : i32
      %dma_wait3A_60 = tpu.memref_slice %arg8[%dma_wait3A_58, %dma_wait3A_59] : memref<10112x128xf32, #tpu.memory_space<vmem_shared>> -> memref<10112x128xf32, #tpu.memory_space<vmem_shared>>
      tpu.wait_indirect_dma semaphore(%arg9 : memref<!tpu.dma_semaphore, #tpu.memory_space<semaphore_mem>>) src(%arg7 : memref<128x128xf32, #tpu.memory_space<vmem>>) dst(%dma_wait3A_60 : memref<10112x128xf32, #tpu.memory_space<vmem_shared>>)
      %add3A_61 = arith.constant 0 : i32
      %add3A_62 = arith.addi %add3A_53, %add3A_61 : i32
      %add3A_63 = arith.constant 3 : i32
      %add3A_64 = arith.addi %add3A_62, %add3A_63 : i32
      %dma_start3A_65 = arith.constant 0 : i32
      %dma_start3A_66 = tpu.memref_slice %arg6[%add3A_64, %dma_start3A_65] : memref<162x128xi32, #tpu.memory_space<vmem>> -> memref<1x128xi32, #tpu.memory_space<vmem>>
      %dma_start3A_67 = tpu.memref_squeeze %dma_start3A_66 : memref<1x128xi32, #tpu.memory_space<vmem>> -> memref<128xi32, #tpu.memory_space<vmem>>
      %dma_start3A_68 = arith.constant 0 : i32
      %dma_start3A_69 = arith.constant 0 : i32
      %dma_start3A_70 = tpu.memref_slice %arg8[%dma_start3A_68, %dma_start3A_69] : memref<10112x128xf32, #tpu.memory_space<vmem_shared>> -> memref<10112x128xf32, #tpu.memory_space<vmem_shared>>
      tpu.enqueue_indirect_dma source(%arg7 : memref<128x128xf32, #tpu.memory_space<vmem>>) target(%dma_start3A_70 : memref<10112x128xf32, #tpu.memory_space<vmem_shared>>) offsets(%dma_start3A_67 : memref<128xi32, #tpu.memory_space<vmem>>) semaphore(%arg9 : memref<!tpu.dma_semaphore, #tpu.memory_space<semaphore_mem>>) {add = true}
      %dma_wait3A_71 = arith.constant 1 : i32
      %dma_wait3A_72 = arith.constant 0 : i32
      %dma_wait3A_73 = tpu.memref_slice %arg6[%dma_wait3A_71, %dma_wait3A_72] : memref<162x128xi32, #tpu.memory_space<vmem>> -> memref<1x128xi32, #tpu.memory_space<vmem>>
      %dma_wait3A_74 = tpu.memref_squeeze %dma_wait3A_73 : memref<1x128xi32, #tpu.memory_space<vmem>> -> memref<128xi32, #tpu.memory_space<vmem>>
      %dma_wait3A_75 = arith.constant 0 : i32
      %dma_wait3A_76 = arith.constant 0 : i32
      %dma_wait3A_77 = tpu.memref_slice %arg8[%dma_wait3A_75, %dma_wait3A_76] : memref<10112x128xf32, #tpu.memory_space<vmem_shared>> -> memref<10112x128xf32, #tpu.memory_space<vmem_shared>>
      tpu.wait_indirect_dma semaphore(%arg10 : memref<!tpu.dma_semaphore, #tpu.memory_space<semaphore_mem>>) src(%arg7 : memref<128x128xf32, #tpu.memory_space<vmem>>) dst(%dma_wait3A_77 : memref<10112x128xf32, #tpu.memory_space<vmem_shared>>)
      %add3A_78 = arith.constant 1 : i32
      %add3A_79 = arith.addi %add3A_53, %add3A_78 : i32
      %add3A_80 = arith.constant 3 : i32
      %add3A_81 = arith.addi %add3A_79, %add3A_80 : i32
      %dma_start3A_82 = arith.constant 0 : i32
      %dma_start3A_83 = tpu.memref_slice %arg6[%add3A_81, %dma_start3A_82] : memref<162x128xi32, #tpu.memory_space<vmem>> -> memref<1x128xi32, #tpu.memory_space<vmem>>
      %dma_start3A_84 = tpu.memref_squeeze %dma_start3A_83 : memref<1x128xi32, #tpu.memory_space<vmem>> -> memref<128xi32, #tpu.memory_space<vmem>>
      %dma_start3A_85 = arith.constant 0 : i32
      %dma_start3A_86 = arith.constant 0 : i32
      %dma_start3A_87 = tpu.memref_slice %arg8[%dma_start3A_85, %dma_start3A_86] : memref<10112x128xf32, #tpu.memory_space<vmem_shared>> -> memref<10112x128xf32, #tpu.memory_space<vmem_shared>>
      tpu.enqueue_indirect_dma source(%arg7 : memref<128x128xf32, #tpu.memory_space<vmem>>) target(%dma_start3A_87 : memref<10112x128xf32, #tpu.memory_space<vmem_shared>>) offsets(%dma_start3A_84 : memref<128xi32, #tpu.memory_space<vmem>>) semaphore(%arg10 : memref<!tpu.dma_semaphore, #tpu.memory_space<semaphore_mem>>) {add = true}
      %dma_wait3A_88 = arith.constant 2 : i32
      %dma_wait3A_89 = arith.constant 0 : i32
      %dma_wait3A_90 = tpu.memref_slice %arg6[%dma_wait3A_88, %dma_wait3A_89] : memref<162x128xi32, #tpu.memory_space<vmem>> -> memref<1x128xi32, #tpu.memory_space<vmem>>
      %dma_wait3A_91 = tpu.memref_squeeze %dma_wait3A_90 : memref<1x128xi32, #tpu.memory_space<vmem>> -> memref<128xi32, #tpu.memory_space<vmem>>
      %dma_wait3A_92 = arith.constant 0 : i32
      %dma_wait3A_93 = arith.constant 0 : i32
      %dma_wait3A_94 = tpu.memref_slice %arg8[%dma_wait3A_92, %dma_wait3A_93] : memref<10112x128xf32, #tpu.memory_space<vmem_shared>> -> memref<10112x128xf32, #tpu.memory_space<vmem_shared>>
      tpu.wait_indirect_dma semaphore(%arg11 : memref<!tpu.dma_semaphore, #tpu.memory_space<semaphore_mem>>) src(%arg7 : memref<128x128xf32, #tpu.memory_space<vmem>>) dst(%dma_wait3A_94 : memref<10112x128xf32, #tpu.memory_space<vmem_shared>>)
      %add3A_95 = arith.constant 2 : i32
      %add3A_96 = arith.addi %add3A_53, %add3A_95 : i32
      %add3A_97 = arith.constant 3 : i32
      %add3A_98 = arith.addi %add3A_96, %add3A_97 : i32
      %dma_start3A_99 = arith.constant 0 : i32
      %dma_start3A_100 = tpu.memref_slice %arg6[%add3A_98, %dma_start3A_99] : memref<162x128xi32, #tpu.memory_space<vmem>> -> memref<1x128xi32, #tpu.memory_space<vmem>>
      %dma_start3A_101 = tpu.memref_squeeze %dma_start3A_100 : memref<1x128xi32, #tpu.memory_space<vmem>> -> memref<128xi32, #tpu.memory_space<vmem>>
      %dma_start3A_102 = arith.constant 0 : i32
      %dma_start3A_103 = arith.constant 0 : i32
      %dma_start3A_104 = tpu.memref_slice %arg8[%dma_start3A_102, %dma_start3A_103] : memref<10112x128xf32, #tpu.memory_space<vmem_shared>> -> memref<10112x128xf32, #tpu.memory_space<vmem_shared>>
      tpu.enqueue_indirect_dma source(%arg7 : memref<128x128xf32, #tpu.memory_space<vmem>>) target(%dma_start3A_104 : memref<10112x128xf32, #tpu.memory_space<vmem_shared>>) offsets(%dma_start3A_101 : memref<128xi32, #tpu.memory_space<vmem>>) semaphore(%arg11 : memref<!tpu.dma_semaphore, #tpu.memory_space<semaphore_mem>>) {add = true}
    }
    %scan3A_24 = arith.constant 53 : i32
    %dma_wait3A = arith.constant 0 : i32
    %dma_wait3A_25 = arith.constant 0 : i32
    %dma_wait3A_26 = tpu.memref_slice %arg6[%dma_wait3A, %dma_wait3A_25] : memref<162x128xi32, #tpu.memory_space<vmem>> -> memref<1x128xi32, #tpu.memory_space<vmem>>
    %dma_wait3A_27 = tpu.memref_squeeze %dma_wait3A_26 : memref<1x128xi32, #tpu.memory_space<vmem>> -> memref<128xi32, #tpu.memory_space<vmem>>
    %dma_wait3A_28 = arith.constant 0 : i32
    %dma_wait3A_29 = arith.constant 0 : i32
    %dma_wait3A_30 = tpu.memref_slice %arg8[%dma_wait3A_28, %dma_wait3A_29] : memref<10112x128xf32, #tpu.memory_space<vmem_shared>> -> memref<10112x128xf32, #tpu.memory_space<vmem_shared>>
    tpu.wait_indirect_dma semaphore(%arg9 : memref<!tpu.dma_semaphore, #tpu.memory_space<semaphore_mem>>) src(%arg7 : memref<128x128xf32, #tpu.memory_space<vmem>>) dst(%dma_wait3A_30 : memref<10112x128xf32, #tpu.memory_space<vmem_shared>>)
    %dma_wait3A_31 = arith.constant 1 : i32
    %dma_wait3A_32 = arith.constant 0 : i32
    %dma_wait3A_33 = tpu.memref_slice %arg6[%dma_wait3A_31, %dma_wait3A_32] : memref<162x128xi32, #tpu.memory_space<vmem>> -> memref<1x128xi32, #tpu.memory_space<vmem>>
    %dma_wait3A_34 = tpu.memref_squeeze %dma_wait3A_33 : memref<1x128xi32, #tpu.memory_space<vmem>> -> memref<128xi32, #tpu.memory_space<vmem>>
    %dma_wait3A_35 = arith.constant 0 : i32
    %dma_wait3A_36 = arith.constant 0 : i32
    %dma_wait3A_37 = tpu.memref_slice %arg8[%dma_wait3A_35, %dma_wait3A_36] : memref<10112x128xf32, #tpu.memory_space<vmem_shared>> -> memref<10112x128xf32, #tpu.memory_space<vmem_shared>>
    tpu.wait_indirect_dma semaphore(%arg10 : memref<!tpu.dma_semaphore, #tpu.memory_space<semaphore_mem>>) src(%arg7 : memref<128x128xf32, #tpu.memory_space<vmem>>) dst(%dma_wait3A_37 : memref<10112x128xf32, #tpu.memory_space<vmem_shared>>)
    %dma_wait3A_38 = arith.constant 2 : i32
    %dma_wait3A_39 = arith.constant 0 : i32
    %dma_wait3A_40 = tpu.memref_slice %arg6[%dma_wait3A_38, %dma_wait3A_39] : memref<162x128xi32, #tpu.memory_space<vmem>> -> memref<1x128xi32, #tpu.memory_space<vmem>>
    %dma_wait3A_41 = tpu.memref_squeeze %dma_wait3A_40 : memref<1x128xi32, #tpu.memory_space<vmem>> -> memref<128xi32, #tpu.memory_space<vmem>>
    %dma_wait3A_42 = arith.constant 0 : i32
    %dma_wait3A_43 = arith.constant 0 : i32
    %dma_wait3A_44 = tpu.memref_slice %arg8[%dma_wait3A_42, %dma_wait3A_43] : memref<10112x128xf32, #tpu.memory_space<vmem_shared>> -> memref<10112x128xf32, #tpu.memory_space<vmem_shared>>
    tpu.wait_indirect_dma semaphore(%arg11 : memref<!tpu.dma_semaphore, #tpu.memory_space<semaphore_mem>>) src(%arg7 : memref<128x128xf32, #tpu.memory_space<vmem>>) dst(%dma_wait3A_44 : memref<10112x128xf32, #tpu.memory_space<vmem_shared>>)
    %barrier3A_45 = arith.constant 0 : index
    tpu.barrier barrier_id(%barrier3A_45)
    %mul3A_46 = arith.constant 632 : i32
    %mul3A_47 = arith.muli %arg1, %mul3A_46 : i32
    %mul3A_48 = arith.constant 632 : i32
    %mul3A_49 = arith.muli %arg1, %mul3A_48 : i32
    "tpu.region"() ({
      %run_scoped3A = tpu.sem_alloc : memref<!tpu.dma_semaphore, #tpu.memory_space<semaphore_mem>>
      %dma_start3A_50 = arith.constant 0 : i32
      %dma_start3A_51 = tpu.memref_slice %arg5[%arg0, %mul3A_49, %dma_start3A_50] : memref<2x10112x128xf32, #tpu.memory_space<hbm>> -> memref<1x632x128xf32, #tpu.memory_space<hbm>>
      %dma_start3A_52 = tpu.memref_squeeze %dma_start3A_51 : memref<1x632x128xf32, #tpu.memory_space<hbm>> -> memref<632x128xf32, #tpu.memory_space<hbm>>
      %dma_start3A_53 = arith.constant 0 : i32
      %dma_start3A_54 = tpu.memref_slice %arg8[%mul3A_47, %dma_start3A_53] : memref<10112x128xf32, #tpu.memory_space<vmem_shared>> -> memref<632x128xf32, #tpu.memory_space<vmem_shared>>
      tpu.enqueue_dma source(%dma_start3A_54 : memref<632x128xf32, #tpu.memory_space<vmem_shared>>) target(%dma_start3A_52 : memref<632x128xf32, #tpu.memory_space<hbm>>) target_semaphore(%run_scoped3A : memref<!tpu.dma_semaphore, #tpu.memory_space<semaphore_mem>>)
      %dma_wait3A_55 = arith.constant 0 : i32
      %dma_wait3A_56 = tpu.memref_slice %arg5[%arg0, %mul3A_49, %dma_wait3A_55] : memref<2x10112x128xf32, #tpu.memory_space<hbm>> -> memref<1x632x128xf32, #tpu.memory_space<hbm>>
      %dma_wait3A_57 = tpu.memref_squeeze %dma_wait3A_56 : memref<1x632x128xf32, #tpu.memory_space<hbm>> -> memref<632x128xf32, #tpu.memory_space<hbm>>
      %dma_wait3A_58 = arith.constant 0 : i32
      %dma_wait3A_59 = tpu.memref_slice %arg8[%mul3A_47, %dma_wait3A_58] : memref<10112x128xf32, #tpu.memory_space<vmem_shared>> -> memref<632x128xf32, #tpu.memory_space<vmem_shared>>
      tpu.wait_dma2 semaphore(%run_scoped3A : memref<!tpu.dma_semaphore, #tpu.memory_space<semaphore_mem>>) src(%dma_wait3A_59 : memref<632x128xf32, #tpu.memory_space<vmem_shared>>) dst(%dma_wait3A_57 : memref<632x128xf32, #tpu.memory_space<hbm>>)
      tpu.yield
    }) : () -> ()
    return
  }
}

#map = affine_map<(d0, d1) -> (0, 0)>
#map1 = affine_map<(d0, d1) -> (0, 0, 0, 0, 0)>
#map2 = affine_map<(d0, d1) -> (0, 0, 0)>
module attributes {stable_mosaic.version = 14 : i64} {
  func.func @_agg_kernel(%arg0: i32, %arg1: i32, %arg2: memref<10112x128xf32, #tpu.memory_space<hbm>>, %arg3: memref<2x16x2x81x64xi32, #tpu.memory_space<hbm>>, %arg4: memref<2x16x2x81x64xi32, #tpu.memory_space<hbm>>, %arg5: memref<632x128xf32, #tpu.memory_space<hbm>>, %arg6: memref<2x10112x128xf32, #tpu.memory_space<hbm>>, %arg7: memref<81x64xi32, #tpu.memory_space<vmem>>, %arg8: memref<81x64xi32, #tpu.memory_space<vmem>>, %arg9: memref<64x128xf32, #tpu.memory_space<vmem>>, %arg10: memref<64x128xf32, #tpu.memory_space<vmem>>, %arg11: memref<64x128xf32, #tpu.memory_space<vmem>>, %arg12: memref<10112x128xf32, #tpu.memory_space<vmem_shared>>, %arg13: memref<!tpu.dma_semaphore, #tpu.memory_space<semaphore_mem>>, %arg14: memref<!tpu.dma_semaphore, #tpu.memory_space<semaphore_mem>>, %arg15: memref<!tpu.dma_semaphore, #tpu.memory_space<semaphore_mem>>, %arg16: memref<!tpu.dma_semaphore, #tpu.memory_space<semaphore_mem>>, %arg17: memref<!tpu.dma_semaphore, #tpu.memory_space<semaphore_mem>>, %arg18: memref<!tpu.dma_semaphore, #tpu.memory_space<semaphore_mem>>) attributes {dimension_semantics = [#tpu.dimension_semantics<core_parallel>, #tpu.dimension_semantics<subcore_parallel>], iteration_bounds = array<i64: 2, 16>, scalar_prefetch = 0 : i64, scratch_operands = 12 : i64, tpu.core_type = #tpu.core_type<sc_vector_subcore>, window_params = [{transform_indices = #map}, {transform_indices = #map1}, {transform_indices = #map1}, {transform_indices = #map}, {transform_indices = #map2}]} {
    %mul3A = arith.constant 632 : i32
    %mul3A_0 = arith.muli %arg1, %mul3A : i32
    "tpu.region"() ({
      %run_scoped3A = tpu.sem_alloc : memref<!tpu.dma_semaphore, #tpu.memory_space<semaphore_mem>>
      %dma_start3A = arith.constant 0 : i32
      %dma_start3A_10 = tpu.memref_slice %arg12[%mul3A_0, %dma_start3A] : memref<10112x128xf32, #tpu.memory_space<vmem_shared>> -> memref<632x128xf32, #tpu.memory_space<vmem_shared>>
      tpu.enqueue_dma source(%arg5 : memref<632x128xf32, #tpu.memory_space<hbm>>) target(%dma_start3A_10 : memref<632x128xf32, #tpu.memory_space<vmem_shared>>) target_semaphore(%run_scoped3A : memref<!tpu.dma_semaphore, #tpu.memory_space<semaphore_mem>>)
      %dma_wait3A = arith.constant 0 : i32
      %dma_wait3A_11 = tpu.memref_slice %arg12[%mul3A_0, %dma_wait3A] : memref<10112x128xf32, #tpu.memory_space<vmem_shared>> -> memref<632x128xf32, #tpu.memory_space<vmem_shared>>
      tpu.wait_dma2 semaphore(%run_scoped3A : memref<!tpu.dma_semaphore, #tpu.memory_space<semaphore_mem>>) src(%arg5 : memref<632x128xf32, #tpu.memory_space<hbm>>) dst(%dma_wait3A_11 : memref<632x128xf32, #tpu.memory_space<vmem_shared>>)
      tpu.yield
    }) : () -> ()
    %barrier3A = arith.constant 0 : index
    tpu.barrier barrier_id(%barrier3A)
    %scan3A = arith.constant 0 : i32
    %scan3A_1 = arith.constant 2 : i32
    %scan3A_2 = arith.addi %scan3A, %scan3A_1 : i32
    %scan3A_3 = arith.constant 1 : i32
    scf.for %scan3A_10 = %scan3A to %scan3A_2 step %scan3A_3  : i32 {
      %mul3A_11 = arith.constant 1 : i32
      %mul3A_12 = arith.muli %scan3A_10, %mul3A_11 : i32
      %add3A = arith.constant 0 : i32
      %add3A_13 = arith.addi %add3A, %mul3A_12 : i32
      "tpu.region"() ({
        %run_scoped3A_61 = tpu.sem_alloc : memref<!tpu.dma_semaphore, #tpu.memory_space<semaphore_mem>>
        %dma_start3A_62 = arith.constant 0 : i32
        %dma_start3A_63 = arith.constant 0 : i32
        %dma_start3A_64 = tpu.memref_slice %arg3[%arg0, %arg1, %add3A_13, %dma_start3A_62, %dma_start3A_63] : memref<2x16x2x81x64xi32, #tpu.memory_space<hbm>> -> memref<1x1x1x81x64xi32, #tpu.memory_space<hbm>>
        %dma_start3A_65 = tpu.memref_squeeze %dma_start3A_64 : memref<1x1x1x81x64xi32, #tpu.memory_space<hbm>> -> memref<81x64xi32, #tpu.memory_space<hbm>>
        %dma_start3A_66 = arith.constant 0 : i32
        %dma_start3A_67 = arith.constant 0 : i32
        %dma_start3A_68 = tpu.memref_slice %arg3[%arg0, %arg1, %add3A_13, %dma_start3A_66, %dma_start3A_67] : memref<2x16x2x81x64xi32, #tpu.memory_space<hbm>> -> memref<1x1x1x81x64xi32, #tpu.memory_space<hbm>>
        %dma_start3A_69 = tpu.memref_squeeze %dma_start3A_68 : memref<1x1x1x81x64xi32, #tpu.memory_space<hbm>> -> memref<81x64xi32, #tpu.memory_space<hbm>>
        tpu.enqueue_dma source(%dma_start3A_69 : memref<81x64xi32, #tpu.memory_space<hbm>>) target(%arg7 : memref<81x64xi32, #tpu.memory_space<vmem>>) target_semaphore(%run_scoped3A_61 : memref<!tpu.dma_semaphore, #tpu.memory_space<semaphore_mem>>)
        %dma_wait3A_70 = arith.constant 0 : i32
        %dma_wait3A_71 = arith.constant 0 : i32
        %dma_wait3A_72 = tpu.memref_slice %arg3[%arg0, %arg1, %add3A_13, %dma_wait3A_70, %dma_wait3A_71] : memref<2x16x2x81x64xi32, #tpu.memory_space<hbm>> -> memref<1x1x1x81x64xi32, #tpu.memory_space<hbm>>
        %dma_wait3A_73 = tpu.memref_squeeze %dma_wait3A_72 : memref<1x1x1x81x64xi32, #tpu.memory_space<hbm>> -> memref<81x64xi32, #tpu.memory_space<hbm>>
        %dma_wait3A_74 = arith.constant 0 : i32
        %dma_wait3A_75 = arith.constant 0 : i32
        %dma_wait3A_76 = tpu.memref_slice %arg3[%arg0, %arg1, %add3A_13, %dma_wait3A_74, %dma_wait3A_75] : memref<2x16x2x81x64xi32, #tpu.memory_space<hbm>> -> memref<1x1x1x81x64xi32, #tpu.memory_space<hbm>>
        %dma_wait3A_77 = tpu.memref_squeeze %dma_wait3A_76 : memref<1x1x1x81x64xi32, #tpu.memory_space<hbm>> -> memref<81x64xi32, #tpu.memory_space<hbm>>
        tpu.wait_dma2 semaphore(%run_scoped3A_61 : memref<!tpu.dma_semaphore, #tpu.memory_space<semaphore_mem>>) src(%dma_wait3A_77 : memref<81x64xi32, #tpu.memory_space<hbm>>) dst(%arg7 : memref<81x64xi32, #tpu.memory_space<vmem>>)
        tpu.yield
      }) : () -> ()
      "tpu.region"() ({
        %run_scoped3A_61 = tpu.sem_alloc : memref<!tpu.dma_semaphore, #tpu.memory_space<semaphore_mem>>
        %dma_start3A_62 = arith.constant 0 : i32
        %dma_start3A_63 = arith.constant 0 : i32
        %dma_start3A_64 = tpu.memref_slice %arg4[%arg0, %arg1, %add3A_13, %dma_start3A_62, %dma_start3A_63] : memref<2x16x2x81x64xi32, #tpu.memory_space<hbm>> -> memref<1x1x1x81x64xi32, #tpu.memory_space<hbm>>
        %dma_start3A_65 = tpu.memref_squeeze %dma_start3A_64 : memref<1x1x1x81x64xi32, #tpu.memory_space<hbm>> -> memref<81x64xi32, #tpu.memory_space<hbm>>
        %dma_start3A_66 = arith.constant 0 : i32
        %dma_start3A_67 = arith.constant 0 : i32
        %dma_start3A_68 = tpu.memref_slice %arg4[%arg0, %arg1, %add3A_13, %dma_start3A_66, %dma_start3A_67] : memref<2x16x2x81x64xi32, #tpu.memory_space<hbm>> -> memref<1x1x1x81x64xi32, #tpu.memory_space<hbm>>
        %dma_start3A_69 = tpu.memref_squeeze %dma_start3A_68 : memref<1x1x1x81x64xi32, #tpu.memory_space<hbm>> -> memref<81x64xi32, #tpu.memory_space<hbm>>
        tpu.enqueue_dma source(%dma_start3A_69 : memref<81x64xi32, #tpu.memory_space<hbm>>) target(%arg8 : memref<81x64xi32, #tpu.memory_space<vmem>>) target_semaphore(%run_scoped3A_61 : memref<!tpu.dma_semaphore, #tpu.memory_space<semaphore_mem>>)
        %dma_wait3A_70 = arith.constant 0 : i32
        %dma_wait3A_71 = arith.constant 0 : i32
        %dma_wait3A_72 = tpu.memref_slice %arg4[%arg0, %arg1, %add3A_13, %dma_wait3A_70, %dma_wait3A_71] : memref<2x16x2x81x64xi32, #tpu.memory_space<hbm>> -> memref<1x1x1x81x64xi32, #tpu.memory_space<hbm>>
        %dma_wait3A_73 = tpu.memref_squeeze %dma_wait3A_72 : memref<1x1x1x81x64xi32, #tpu.memory_space<hbm>> -> memref<81x64xi32, #tpu.memory_space<hbm>>
        %dma_wait3A_74 = arith.constant 0 : i32
        %dma_wait3A_75 = arith.constant 0 : i32
        %dma_wait3A_76 = tpu.memref_slice %arg4[%arg0, %arg1, %add3A_13, %dma_wait3A_74, %dma_wait3A_75] : memref<2x16x2x81x64xi32, #tpu.memory_space<hbm>> -> memref<1x1x1x81x64xi32, #tpu.memory_space<hbm>>
        %dma_wait3A_77 = tpu.memref_squeeze %dma_wait3A_76 : memref<1x1x1x81x64xi32, #tpu.memory_space<hbm>> -> memref<81x64xi32, #tpu.memory_space<hbm>>
        tpu.wait_dma2 semaphore(%run_scoped3A_61 : memref<!tpu.dma_semaphore, #tpu.memory_space<semaphore_mem>>) src(%dma_wait3A_77 : memref<81x64xi32, #tpu.memory_space<hbm>>) dst(%arg8 : memref<81x64xi32, #tpu.memory_space<vmem>>)
        tpu.yield
      }) : () -> ()
      %dma_start3A = arith.constant 0 : i32
      %dma_start3A_14 = arith.constant 0 : i32
      %dma_start3A_15 = tpu.memref_slice %arg7[%dma_start3A, %dma_start3A_14] : memref<81x64xi32, #tpu.memory_space<vmem>> -> memref<1x64xi32, #tpu.memory_space<vmem>>
      %dma_start3A_16 = tpu.memref_squeeze %dma_start3A_15 : memref<1x64xi32, #tpu.memory_space<vmem>> -> memref<64xi32, #tpu.memory_space<vmem>>
      %dma_start3A_17 = arith.constant 0 : i32
      %dma_start3A_18 = arith.constant 0 : i32
      %dma_start3A_19 = tpu.memref_slice %arg2[%dma_start3A_17, %dma_start3A_18] : memref<10112x128xf32, #tpu.memory_space<hbm>> -> memref<10112x128xf32, #tpu.memory_space<hbm>>
      tpu.enqueue_indirect_dma source(%dma_start3A_19 : memref<10112x128xf32, #tpu.memory_space<hbm>>) target(%arg9 : memref<64x128xf32, #tpu.memory_space<vmem>>) offsets(%dma_start3A_16 : memref<64xi32, #tpu.memory_space<vmem>>) semaphore(%arg13 : memref<!tpu.dma_semaphore, #tpu.memory_space<semaphore_mem>>)
      %dma_start3A_20 = arith.constant 1 : i32
      %dma_start3A_21 = arith.constant 0 : i32
      %dma_start3A_22 = tpu.memref_slice %arg7[%dma_start3A_20, %dma_start3A_21] : memref<81x64xi32, #tpu.memory_space<vmem>> -> memref<1x64xi32, #tpu.memory_space<vmem>>
      %dma_start3A_23 = tpu.memref_squeeze %dma_start3A_22 : memref<1x64xi32, #tpu.memory_space<vmem>> -> memref<64xi32, #tpu.memory_space<vmem>>
      %dma_start3A_24 = arith.constant 0 : i32
      %dma_start3A_25 = arith.constant 0 : i32
      %dma_start3A_26 = tpu.memref_slice %arg2[%dma_start3A_24, %dma_start3A_25] : memref<10112x128xf32, #tpu.memory_space<hbm>> -> memref<10112x128xf32, #tpu.memory_space<hbm>>
      tpu.enqueue_indirect_dma source(%dma_start3A_26 : memref<10112x128xf32, #tpu.memory_space<hbm>>) target(%arg10 : memref<64x128xf32, #tpu.memory_space<vmem>>) offsets(%dma_start3A_23 : memref<64xi32, #tpu.memory_space<vmem>>) semaphore(%arg14 : memref<!tpu.dma_semaphore, #tpu.memory_space<semaphore_mem>>)
      %dma_start3A_27 = arith.constant 2 : i32
      %dma_start3A_28 = arith.constant 0 : i32
      %dma_start3A_29 = tpu.memref_slice %arg7[%dma_start3A_27, %dma_start3A_28] : memref<81x64xi32, #tpu.memory_space<vmem>> -> memref<1x64xi32, #tpu.memory_space<vmem>>
      %dma_start3A_30 = tpu.memref_squeeze %dma_start3A_29 : memref<1x64xi32, #tpu.memory_space<vmem>> -> memref<64xi32, #tpu.memory_space<vmem>>
      %dma_start3A_31 = arith.constant 0 : i32
      %dma_start3A_32 = arith.constant 0 : i32
      %dma_start3A_33 = tpu.memref_slice %arg2[%dma_start3A_31, %dma_start3A_32] : memref<10112x128xf32, #tpu.memory_space<hbm>> -> memref<10112x128xf32, #tpu.memory_space<hbm>>
      tpu.enqueue_indirect_dma source(%dma_start3A_33 : memref<10112x128xf32, #tpu.memory_space<hbm>>) target(%arg11 : memref<64x128xf32, #tpu.memory_space<vmem>>) offsets(%dma_start3A_30 : memref<64xi32, #tpu.memory_space<vmem>>) semaphore(%arg15 : memref<!tpu.dma_semaphore, #tpu.memory_space<semaphore_mem>>)
      %scan3A_34 = arith.constant 0 : i32
      %scan3A_35 = arith.constant 26 : i32
      %scan3A_36 = arith.addi %scan3A_34, %scan3A_35 : i32
      %scan3A_37 = arith.constant 1 : i32
      scf.for %scan3A_61 = %scan3A_34 to %scan3A_36 step %scan3A_37  : i32 {
        %mul3A_62 = arith.constant 3 : i32
        %mul3A_63 = arith.muli %scan3A_61, %mul3A_62 : i32
        %add3A_64 = arith.constant 0 : i32
        %add3A_65 = arith.addi %add3A_64, %mul3A_63 : i32
        %add3A_66 = arith.constant 0 : i32
        %add3A_67 = arith.addi %add3A_65, %add3A_66 : i32
        %dma_wait3A_68 = arith.constant 0 : i32
        %dma_wait3A_69 = tpu.memref_slice %arg7[%add3A_67, %dma_wait3A_68] : memref<81x64xi32, #tpu.memory_space<vmem>> -> memref<1x64xi32, #tpu.memory_space<vmem>>
        %dma_wait3A_70 = tpu.memref_squeeze %dma_wait3A_69 : memref<1x64xi32, #tpu.memory_space<vmem>> -> memref<64xi32, #tpu.memory_space<vmem>>
        %dma_wait3A_71 = arith.constant 0 : i32
        %dma_wait3A_72 = arith.constant 0 : i32
        %dma_wait3A_73 = tpu.memref_slice %arg2[%dma_wait3A_71, %dma_wait3A_72] : memref<10112x128xf32, #tpu.memory_space<hbm>> -> memref<10112x128xf32, #tpu.memory_space<hbm>>
        tpu.wait_indirect_dma semaphore(%arg13 : memref<!tpu.dma_semaphore, #tpu.memory_space<semaphore_mem>>) src(%dma_wait3A_73 : memref<10112x128xf32, #tpu.memory_space<hbm>>) dst(%arg9 : memref<64x128xf32, #tpu.memory_space<vmem>>)
        %dma_start3A_74 = arith.constant 0 : i32
        %dma_start3A_75 = tpu.memref_slice %arg8[%add3A_67, %dma_start3A_74] : memref<81x64xi32, #tpu.memory_space<vmem>> -> memref<1x64xi32, #tpu.memory_space<vmem>>
        %dma_start3A_76 = tpu.memref_squeeze %dma_start3A_75 : memref<1x64xi32, #tpu.memory_space<vmem>> -> memref<64xi32, #tpu.memory_space<vmem>>
        %dma_start3A_77 = arith.constant 0 : i32
        %dma_start3A_78 = arith.constant 0 : i32
        %dma_start3A_79 = tpu.memref_slice %arg12[%dma_start3A_77, %dma_start3A_78] : memref<10112x128xf32, #tpu.memory_space<vmem_shared>> -> memref<10112x128xf32, #tpu.memory_space<vmem_shared>>
        tpu.enqueue_indirect_dma source(%arg9 : memref<64x128xf32, #tpu.memory_space<vmem>>) target(%dma_start3A_79 : memref<10112x128xf32, #tpu.memory_space<vmem_shared>>) offsets(%dma_start3A_76 : memref<64xi32, #tpu.memory_space<vmem>>) semaphore(%arg16 : memref<!tpu.dma_semaphore, #tpu.memory_space<semaphore_mem>>) {add = true}
        %dma_wait3A_80 = arith.constant 0 : i32
        %dma_wait3A_81 = tpu.memref_slice %arg8[%add3A_67, %dma_wait3A_80] : memref<81x64xi32, #tpu.memory_space<vmem>> -> memref<1x64xi32, #tpu.memory_space<vmem>>
        %dma_wait3A_82 = tpu.memref_squeeze %dma_wait3A_81 : memref<1x64xi32, #tpu.memory_space<vmem>> -> memref<64xi32, #tpu.memory_space<vmem>>
        %dma_wait3A_83 = arith.constant 0 : i32
        %dma_wait3A_84 = arith.constant 0 : i32
        %dma_wait3A_85 = tpu.memref_slice %arg12[%dma_wait3A_83, %dma_wait3A_84] : memref<10112x128xf32, #tpu.memory_space<vmem_shared>> -> memref<10112x128xf32, #tpu.memory_space<vmem_shared>>
        tpu.wait_indirect_dma semaphore(%arg16 : memref<!tpu.dma_semaphore, #tpu.memory_space<semaphore_mem>>) src(%arg9 : memref<64x128xf32, #tpu.memory_space<vmem>>) dst(%dma_wait3A_85 : memref<10112x128xf32, #tpu.memory_space<vmem_shared>>)
        %add3A_86 = arith.constant 3 : i32
        %add3A_87 = arith.addi %add3A_67, %add3A_86 : i32
        %dma_start3A_88 = arith.constant 0 : i32
        %dma_start3A_89 = tpu.memref_slice %arg7[%add3A_87, %dma_start3A_88] : memref<81x64xi32, #tpu.memory_space<vmem>> -> memref<1x64xi32, #tpu.memory_space<vmem>>
        %dma_start3A_90 = tpu.memref_squeeze %dma_start3A_89 : memref<1x64xi32, #tpu.memory_space<vmem>> -> memref<64xi32, #tpu.memory_space<vmem>>
        %dma_start3A_91 = arith.constant 0 : i32
        %dma_start3A_92 = arith.constant 0 : i32
        %dma_start3A_93 = tpu.memref_slice %arg2[%dma_start3A_91, %dma_start3A_92] : memref<10112x128xf32, #tpu.memory_space<hbm>> -> memref<10112x128xf32, #tpu.memory_space<hbm>>
        tpu.enqueue_indirect_dma source(%dma_start3A_93 : memref<10112x128xf32, #tpu.memory_space<hbm>>) target(%arg9 : memref<64x128xf32, #tpu.memory_space<vmem>>) offsets(%dma_start3A_90 : memref<64xi32, #tpu.memory_space<vmem>>) semaphore(%arg13 : memref<!tpu.dma_semaphore, #tpu.memory_space<semaphore_mem>>)
        %add3A_94 = arith.constant 1 : i32
        %add3A_95 = arith.addi %add3A_65, %add3A_94 : i32
        %dma_wait3A_96 = arith.constant 0 : i32
        %dma_wait3A_97 = tpu.memref_slice %arg7[%add3A_95, %dma_wait3A_96] : memref<81x64xi32, #tpu.memory_space<vmem>> -> memref<1x64xi32, #tpu.memory_space<vmem>>
        %dma_wait3A_98 = tpu.memref_squeeze %dma_wait3A_97 : memref<1x64xi32, #tpu.memory_space<vmem>> -> memref<64xi32, #tpu.memory_space<vmem>>
        %dma_wait3A_99 = arith.constant 0 : i32
        %dma_wait3A_100 = arith.constant 0 : i32
        %dma_wait3A_101 = tpu.memref_slice %arg2[%dma_wait3A_99, %dma_wait3A_100] : memref<10112x128xf32, #tpu.memory_space<hbm>> -> memref<10112x128xf32, #tpu.memory_space<hbm>>
        tpu.wait_indirect_dma semaphore(%arg14 : memref<!tpu.dma_semaphore, #tpu.memory_space<semaphore_mem>>) src(%dma_wait3A_101 : memref<10112x128xf32, #tpu.memory_space<hbm>>) dst(%arg10 : memref<64x128xf32, #tpu.memory_space<vmem>>)
        %dma_start3A_102 = arith.constant 0 : i32
        %dma_start3A_103 = tpu.memref_slice %arg8[%add3A_95, %dma_start3A_102] : memref<81x64xi32, #tpu.memory_space<vmem>> -> memref<1x64xi32, #tpu.memory_space<vmem>>
        %dma_start3A_104 = tpu.memref_squeeze %dma_start3A_103 : memref<1x64xi32, #tpu.memory_space<vmem>> -> memref<64xi32, #tpu.memory_space<vmem>>
        %dma_start3A_105 = arith.constant 0 : i32
        %dma_start3A_106 = arith.constant 0 : i32
        %dma_start3A_107 = tpu.memref_slice %arg12[%dma_start3A_105, %dma_start3A_106] : memref<10112x128xf32, #tpu.memory_space<vmem_shared>> -> memref<10112x128xf32, #tpu.memory_space<vmem_shared>>
        tpu.enqueue_indirect_dma source(%arg10 : memref<64x128xf32, #tpu.memory_space<vmem>>) target(%dma_start3A_107 : memref<10112x128xf32, #tpu.memory_space<vmem_shared>>) offsets(%dma_start3A_104 : memref<64xi32, #tpu.memory_space<vmem>>) semaphore(%arg17 : memref<!tpu.dma_semaphore, #tpu.memory_space<semaphore_mem>>) {add = true}
        %dma_wait3A_108 = arith.constant 0 : i32
        %dma_wait3A_109 = tpu.memref_slice %arg8[%add3A_95, %dma_wait3A_108] : memref<81x64xi32, #tpu.memory_space<vmem>> -> memref<1x64xi32, #tpu.memory_space<vmem>>
        %dma_wait3A_110 = tpu.memref_squeeze %dma_wait3A_109 : memref<1x64xi32, #tpu.memory_space<vmem>> -> memref<64xi32, #tpu.memory_space<vmem>>
        %dma_wait3A_111 = arith.constant 0 : i32
        %dma_wait3A_112 = arith.constant 0 : i32
        %dma_wait3A_113 = tpu.memref_slice %arg12[%dma_wait3A_111, %dma_wait3A_112] : memref<10112x128xf32, #tpu.memory_space<vmem_shared>> -> memref<10112x128xf32, #tpu.memory_space<vmem_shared>>
        tpu.wait_indirect_dma semaphore(%arg17 : memref<!tpu.dma_semaphore, #tpu.memory_space<semaphore_mem>>) src(%arg10 : memref<64x128xf32, #tpu.memory_space<vmem>>) dst(%dma_wait3A_113 : memref<10112x128xf32, #tpu.memory_space<vmem_shared>>)
        %add3A_114 = arith.constant 3 : i32
        %add3A_115 = arith.addi %add3A_95, %add3A_114 : i32
        %dma_start3A_116 = arith.constant 0 : i32
        %dma_start3A_117 = tpu.memref_slice %arg7[%add3A_115, %dma_start3A_116] : memref<81x64xi32, #tpu.memory_space<vmem>> -> memref<1x64xi32, #tpu.memory_space<vmem>>
        %dma_start3A_118 = tpu.memref_squeeze %dma_start3A_117 : memref<1x64xi32, #tpu.memory_space<vmem>> -> memref<64xi32, #tpu.memory_space<vmem>>
        %dma_start3A_119 = arith.constant 0 : i32
        %dma_start3A_120 = arith.constant 0 : i32
        %dma_start3A_121 = tpu.memref_slice %arg2[%dma_start3A_119, %dma_start3A_120] : memref<10112x128xf32, #tpu.memory_space<hbm>> -> memref<10112x128xf32, #tpu.memory_space<hbm>>
        tpu.enqueue_indirect_dma source(%dma_start3A_121 : memref<10112x128xf32, #tpu.memory_space<hbm>>) target(%arg10 : memref<64x128xf32, #tpu.memory_space<vmem>>) offsets(%dma_start3A_118 : memref<64xi32, #tpu.memory_space<vmem>>) semaphore(%arg14 : memref<!tpu.dma_semaphore, #tpu.memory_space<semaphore_mem>>)
        %add3A_122 = arith.constant 2 : i32
        %add3A_123 = arith.addi %add3A_65, %add3A_122 : i32
        %dma_wait3A_124 = arith.constant 0 : i32
        %dma_wait3A_125 = tpu.memref_slice %arg7[%add3A_123, %dma_wait3A_124] : memref<81x64xi32, #tpu.memory_space<vmem>> -> memref<1x64xi32, #tpu.memory_space<vmem>>
        %dma_wait3A_126 = tpu.memref_squeeze %dma_wait3A_125 : memref<1x64xi32, #tpu.memory_space<vmem>> -> memref<64xi32, #tpu.memory_space<vmem>>
        %dma_wait3A_127 = arith.constant 0 : i32
        %dma_wait3A_128 = arith.constant 0 : i32
        %dma_wait3A_129 = tpu.memref_slice %arg2[%dma_wait3A_127, %dma_wait3A_128] : memref<10112x128xf32, #tpu.memory_space<hbm>> -> memref<10112x128xf32, #tpu.memory_space<hbm>>
        tpu.wait_indirect_dma semaphore(%arg15 : memref<!tpu.dma_semaphore, #tpu.memory_space<semaphore_mem>>) src(%dma_wait3A_129 : memref<10112x128xf32, #tpu.memory_space<hbm>>) dst(%arg11 : memref<64x128xf32, #tpu.memory_space<vmem>>)
        %dma_start3A_130 = arith.constant 0 : i32
        %dma_start3A_131 = tpu.memref_slice %arg8[%add3A_123, %dma_start3A_130] : memref<81x64xi32, #tpu.memory_space<vmem>> -> memref<1x64xi32, #tpu.memory_space<vmem>>
        %dma_start3A_132 = tpu.memref_squeeze %dma_start3A_131 : memref<1x64xi32, #tpu.memory_space<vmem>> -> memref<64xi32, #tpu.memory_space<vmem>>
        %dma_start3A_133 = arith.constant 0 : i32
        %dma_start3A_134 = arith.constant 0 : i32
        %dma_start3A_135 = tpu.memref_slice %arg12[%dma_start3A_133, %dma_start3A_134] : memref<10112x128xf32, #tpu.memory_space<vmem_shared>> -> memref<10112x128xf32, #tpu.memory_space<vmem_shared>>
        tpu.enqueue_indirect_dma source(%arg11 : memref<64x128xf32, #tpu.memory_space<vmem>>) target(%dma_start3A_135 : memref<10112x128xf32, #tpu.memory_space<vmem_shared>>) offsets(%dma_start3A_132 : memref<64xi32, #tpu.memory_space<vmem>>) semaphore(%arg18 : memref<!tpu.dma_semaphore, #tpu.memory_space<semaphore_mem>>) {add = true}
        %dma_wait3A_136 = arith.constant 0 : i32
        %dma_wait3A_137 = tpu.memref_slice %arg8[%add3A_123, %dma_wait3A_136] : memref<81x64xi32, #tpu.memory_space<vmem>> -> memref<1x64xi32, #tpu.memory_space<vmem>>
        %dma_wait3A_138 = tpu.memref_squeeze %dma_wait3A_137 : memref<1x64xi32, #tpu.memory_space<vmem>> -> memref<64xi32, #tpu.memory_space<vmem>>
        %dma_wait3A_139 = arith.constant 0 : i32
        %dma_wait3A_140 = arith.constant 0 : i32
        %dma_wait3A_141 = tpu.memref_slice %arg12[%dma_wait3A_139, %dma_wait3A_140] : memref<10112x128xf32, #tpu.memory_space<vmem_shared>> -> memref<10112x128xf32, #tpu.memory_space<vmem_shared>>
        tpu.wait_indirect_dma semaphore(%arg18 : memref<!tpu.dma_semaphore, #tpu.memory_space<semaphore_mem>>) src(%arg11 : memref<64x128xf32, #tpu.memory_space<vmem>>) dst(%dma_wait3A_141 : memref<10112x128xf32, #tpu.memory_space<vmem_shared>>)
        %add3A_142 = arith.constant 3 : i32
        %add3A_143 = arith.addi %add3A_123, %add3A_142 : i32
        %dma_start3A_144 = arith.constant 0 : i32
        %dma_start3A_145 = tpu.memref_slice %arg7[%add3A_143, %dma_start3A_144] : memref<81x64xi32, #tpu.memory_space<vmem>> -> memref<1x64xi32, #tpu.memory_space<vmem>>
        %dma_start3A_146 = tpu.memref_squeeze %dma_start3A_145 : memref<1x64xi32, #tpu.memory_space<vmem>> -> memref<64xi32, #tpu.memory_space<vmem>>
        %dma_start3A_147 = arith.constant 0 : i32
        %dma_start3A_148 = arith.constant 0 : i32
        %dma_start3A_149 = tpu.memref_slice %arg2[%dma_start3A_147, %dma_start3A_148] : memref<10112x128xf32, #tpu.memory_space<hbm>> -> memref<10112x128xf32, #tpu.memory_space<hbm>>
        tpu.enqueue_indirect_dma source(%dma_start3A_149 : memref<10112x128xf32, #tpu.memory_space<hbm>>) target(%arg11 : memref<64x128xf32, #tpu.memory_space<vmem>>) offsets(%dma_start3A_146 : memref<64xi32, #tpu.memory_space<vmem>>) semaphore(%arg15 : memref<!tpu.dma_semaphore, #tpu.memory_space<semaphore_mem>>)
      }
      %scan3A_38 = arith.constant 26 : i32
      %dma_wait3A = arith.constant 0 : i32
      %dma_wait3A_39 = arith.constant 0 : i32
      %dma_wait3A_40 = tpu.memref_slice %arg7[%dma_wait3A, %dma_wait3A_39] : memref<81x64xi32, #tpu.memory_space<vmem>> -> memref<1x64xi32, #tpu.memory_space<vmem>>
      %dma_wait3A_41 = tpu.memref_squeeze %dma_wait3A_40 : memref<1x64xi32, #tpu.memory_space<vmem>> -> memref<64xi32, #tpu.memory_space<vmem>>
      %dma_wait3A_42 = arith.constant 0 : i32
      %dma_wait3A_43 = arith.constant 0 : i32
      %dma_wait3A_44 = tpu.memref_slice %arg2[%dma_wait3A_42, %dma_wait3A_43] : memref<10112x128xf32, #tpu.memory_space<hbm>> -> memref<10112x128xf32, #tpu.memory_space<hbm>>
      tpu.wait_indirect_dma semaphore(%arg13 : memref<!tpu.dma_semaphore, #tpu.memory_space<semaphore_mem>>) src(%dma_wait3A_44 : memref<10112x128xf32, #tpu.memory_space<hbm>>) dst(%arg9 : memref<64x128xf32, #tpu.memory_space<vmem>>)
      %run_scoped3A = arith.constant 78 : i32
      "tpu.region"() ({
        %run_scoped3A_61 = tpu.sem_alloc : memref<!tpu.dma_semaphore, #tpu.memory_space<semaphore_mem>>
        %dma_start3A_62 = arith.constant 0 : i32
        %dma_start3A_63 = tpu.memref_slice %arg8[%run_scoped3A, %dma_start3A_62] : memref<81x64xi32, #tpu.memory_space<vmem>> -> memref<1x64xi32, #tpu.memory_space<vmem>>
        %dma_start3A_64 = tpu.memref_squeeze %dma_start3A_63 : memref<1x64xi32, #tpu.memory_space<vmem>> -> memref<64xi32, #tpu.memory_space<vmem>>
        %dma_start3A_65 = arith.constant 0 : i32
        %dma_start3A_66 = arith.constant 0 : i32
        %dma_start3A_67 = tpu.memref_slice %arg12[%dma_start3A_65, %dma_start3A_66] : memref<10112x128xf32, #tpu.memory_space<vmem_shared>> -> memref<10112x128xf32, #tpu.memory_space<vmem_shared>>
        tpu.enqueue_indirect_dma source(%arg9 : memref<64x128xf32, #tpu.memory_space<vmem>>) target(%dma_start3A_67 : memref<10112x128xf32, #tpu.memory_space<vmem_shared>>) offsets(%dma_start3A_64 : memref<64xi32, #tpu.memory_space<vmem>>) semaphore(%run_scoped3A_61 : memref<!tpu.dma_semaphore, #tpu.memory_space<semaphore_mem>>) {add = true}
        %dma_wait3A_68 = arith.constant 0 : i32
        %dma_wait3A_69 = tpu.memref_slice %arg8[%run_scoped3A, %dma_wait3A_68] : memref<81x64xi32, #tpu.memory_space<vmem>> -> memref<1x64xi32, #tpu.memory_space<vmem>>
        %dma_wait3A_70 = tpu.memref_squeeze %dma_wait3A_69 : memref<1x64xi32, #tpu.memory_space<vmem>> -> memref<64xi32, #tpu.memory_space<vmem>>
        %dma_wait3A_71 = arith.constant 0 : i32
        %dma_wait3A_72 = arith.constant 0 : i32
        %dma_wait3A_73 = tpu.memref_slice %arg12[%dma_wait3A_71, %dma_wait3A_72] : memref<10112x128xf32, #tpu.memory_space<vmem_shared>> -> memref<10112x128xf32, #tpu.memory_space<vmem_shared>>
        tpu.wait_indirect_dma semaphore(%run_scoped3A_61 : memref<!tpu.dma_semaphore, #tpu.memory_space<semaphore_mem>>) src(%arg9 : memref<64x128xf32, #tpu.memory_space<vmem>>) dst(%dma_wait3A_73 : memref<10112x128xf32, #tpu.memory_space<vmem_shared>>)
        tpu.yield
      }) : () -> ()
      %dma_wait3A_45 = arith.constant 1 : i32
      %dma_wait3A_46 = arith.constant 0 : i32
      %dma_wait3A_47 = tpu.memref_slice %arg7[%dma_wait3A_45, %dma_wait3A_46] : memref<81x64xi32, #tpu.memory_space<vmem>> -> memref<1x64xi32, #tpu.memory_space<vmem>>
      %dma_wait3A_48 = tpu.memref_squeeze %dma_wait3A_47 : memref<1x64xi32, #tpu.memory_space<vmem>> -> memref<64xi32, #tpu.memory_space<vmem>>
      %dma_wait3A_49 = arith.constant 0 : i32
      %dma_wait3A_50 = arith.constant 0 : i32
      %dma_wait3A_51 = tpu.memref_slice %arg2[%dma_wait3A_49, %dma_wait3A_50] : memref<10112x128xf32, #tpu.memory_space<hbm>> -> memref<10112x128xf32, #tpu.memory_space<hbm>>
      tpu.wait_indirect_dma semaphore(%arg14 : memref<!tpu.dma_semaphore, #tpu.memory_space<semaphore_mem>>) src(%dma_wait3A_51 : memref<10112x128xf32, #tpu.memory_space<hbm>>) dst(%arg10 : memref<64x128xf32, #tpu.memory_space<vmem>>)
      %run_scoped3A_52 = arith.constant 79 : i32
      "tpu.region"() ({
        %run_scoped3A_61 = tpu.sem_alloc : memref<!tpu.dma_semaphore, #tpu.memory_space<semaphore_mem>>
        %dma_start3A_62 = arith.constant 0 : i32
        %dma_start3A_63 = tpu.memref_slice %arg8[%run_scoped3A_52, %dma_start3A_62] : memref<81x64xi32, #tpu.memory_space<vmem>> -> memref<1x64xi32, #tpu.memory_space<vmem>>
        %dma_start3A_64 = tpu.memref_squeeze %dma_start3A_63 : memref<1x64xi32, #tpu.memory_space<vmem>> -> memref<64xi32, #tpu.memory_space<vmem>>
        %dma_start3A_65 = arith.constant 0 : i32
        %dma_start3A_66 = arith.constant 0 : i32
        %dma_start3A_67 = tpu.memref_slice %arg12[%dma_start3A_65, %dma_start3A_66] : memref<10112x128xf32, #tpu.memory_space<vmem_shared>> -> memref<10112x128xf32, #tpu.memory_space<vmem_shared>>
        tpu.enqueue_indirect_dma source(%arg10 : memref<64x128xf32, #tpu.memory_space<vmem>>) target(%dma_start3A_67 : memref<10112x128xf32, #tpu.memory_space<vmem_shared>>) offsets(%dma_start3A_64 : memref<64xi32, #tpu.memory_space<vmem>>) semaphore(%run_scoped3A_61 : memref<!tpu.dma_semaphore, #tpu.memory_space<semaphore_mem>>) {add = true}
        %dma_wait3A_68 = arith.constant 0 : i32
        %dma_wait3A_69 = tpu.memref_slice %arg8[%run_scoped3A_52, %dma_wait3A_68] : memref<81x64xi32, #tpu.memory_space<vmem>> -> memref<1x64xi32, #tpu.memory_space<vmem>>
        %dma_wait3A_70 = tpu.memref_squeeze %dma_wait3A_69 : memref<1x64xi32, #tpu.memory_space<vmem>> -> memref<64xi32, #tpu.memory_space<vmem>>
        %dma_wait3A_71 = arith.constant 0 : i32
        %dma_wait3A_72 = arith.constant 0 : i32
        %dma_wait3A_73 = tpu.memref_slice %arg12[%dma_wait3A_71, %dma_wait3A_72] : memref<10112x128xf32, #tpu.memory_space<vmem_shared>> -> memref<10112x128xf32, #tpu.memory_space<vmem_shared>>
        tpu.wait_indirect_dma semaphore(%run_scoped3A_61 : memref<!tpu.dma_semaphore, #tpu.memory_space<semaphore_mem>>) src(%arg10 : memref<64x128xf32, #tpu.memory_space<vmem>>) dst(%dma_wait3A_73 : memref<10112x128xf32, #tpu.memory_space<vmem_shared>>)
        tpu.yield
      }) : () -> ()
      %dma_wait3A_53 = arith.constant 2 : i32
      %dma_wait3A_54 = arith.constant 0 : i32
      %dma_wait3A_55 = tpu.memref_slice %arg7[%dma_wait3A_53, %dma_wait3A_54] : memref<81x64xi32, #tpu.memory_space<vmem>> -> memref<1x64xi32, #tpu.memory_space<vmem>>
      %dma_wait3A_56 = tpu.memref_squeeze %dma_wait3A_55 : memref<1x64xi32, #tpu.memory_space<vmem>> -> memref<64xi32, #tpu.memory_space<vmem>>
      %dma_wait3A_57 = arith.constant 0 : i32
      %dma_wait3A_58 = arith.constant 0 : i32
      %dma_wait3A_59 = tpu.memref_slice %arg2[%dma_wait3A_57, %dma_wait3A_58] : memref<10112x128xf32, #tpu.memory_space<hbm>> -> memref<10112x128xf32, #tpu.memory_space<hbm>>
      tpu.wait_indirect_dma semaphore(%arg15 : memref<!tpu.dma_semaphore, #tpu.memory_space<semaphore_mem>>) src(%dma_wait3A_59 : memref<10112x128xf32, #tpu.memory_space<hbm>>) dst(%arg11 : memref<64x128xf32, #tpu.memory_space<vmem>>)
      %run_scoped3A_60 = arith.constant 80 : i32
      "tpu.region"() ({
        %run_scoped3A_61 = tpu.sem_alloc : memref<!tpu.dma_semaphore, #tpu.memory_space<semaphore_mem>>
        %dma_start3A_62 = arith.constant 0 : i32
        %dma_start3A_63 = tpu.memref_slice %arg8[%run_scoped3A_60, %dma_start3A_62] : memref<81x64xi32, #tpu.memory_space<vmem>> -> memref<1x64xi32, #tpu.memory_space<vmem>>
        %dma_start3A_64 = tpu.memref_squeeze %dma_start3A_63 : memref<1x64xi32, #tpu.memory_space<vmem>> -> memref<64xi32, #tpu.memory_space<vmem>>
        %dma_start3A_65 = arith.constant 0 : i32
        %dma_start3A_66 = arith.constant 0 : i32
        %dma_start3A_67 = tpu.memref_slice %arg12[%dma_start3A_65, %dma_start3A_66] : memref<10112x128xf32, #tpu.memory_space<vmem_shared>> -> memref<10112x128xf32, #tpu.memory_space<vmem_shared>>
        tpu.enqueue_indirect_dma source(%arg11 : memref<64x128xf32, #tpu.memory_space<vmem>>) target(%dma_start3A_67 : memref<10112x128xf32, #tpu.memory_space<vmem_shared>>) offsets(%dma_start3A_64 : memref<64xi32, #tpu.memory_space<vmem>>) semaphore(%run_scoped3A_61 : memref<!tpu.dma_semaphore, #tpu.memory_space<semaphore_mem>>) {add = true}
        %dma_wait3A_68 = arith.constant 0 : i32
        %dma_wait3A_69 = tpu.memref_slice %arg8[%run_scoped3A_60, %dma_wait3A_68] : memref<81x64xi32, #tpu.memory_space<vmem>> -> memref<1x64xi32, #tpu.memory_space<vmem>>
        %dma_wait3A_70 = tpu.memref_squeeze %dma_wait3A_69 : memref<1x64xi32, #tpu.memory_space<vmem>> -> memref<64xi32, #tpu.memory_space<vmem>>
        %dma_wait3A_71 = arith.constant 0 : i32
        %dma_wait3A_72 = arith.constant 0 : i32
        %dma_wait3A_73 = tpu.memref_slice %arg12[%dma_wait3A_71, %dma_wait3A_72] : memref<10112x128xf32, #tpu.memory_space<vmem_shared>> -> memref<10112x128xf32, #tpu.memory_space<vmem_shared>>
        tpu.wait_indirect_dma semaphore(%run_scoped3A_61 : memref<!tpu.dma_semaphore, #tpu.memory_space<semaphore_mem>>) src(%arg11 : memref<64x128xf32, #tpu.memory_space<vmem>>) dst(%dma_wait3A_73 : memref<10112x128xf32, #tpu.memory_space<vmem_shared>>)
        tpu.yield
      }) : () -> ()
    }
    %scan3A_4 = arith.constant 2 : i32
    %barrier3A_5 = arith.constant 0 : index
    tpu.barrier barrier_id(%barrier3A_5)
    %mul3A_6 = arith.constant 632 : i32
    %mul3A_7 = arith.muli %arg1, %mul3A_6 : i32
    %mul3A_8 = arith.constant 632 : i32
    %mul3A_9 = arith.muli %arg1, %mul3A_8 : i32
    "tpu.region"() ({
      %run_scoped3A = tpu.sem_alloc : memref<!tpu.dma_semaphore, #tpu.memory_space<semaphore_mem>>
      %dma_start3A = arith.constant 0 : i32
      %dma_start3A_10 = tpu.memref_slice %arg6[%arg0, %mul3A_9, %dma_start3A] : memref<2x10112x128xf32, #tpu.memory_space<hbm>> -> memref<1x632x128xf32, #tpu.memory_space<hbm>>
      %dma_start3A_11 = tpu.memref_squeeze %dma_start3A_10 : memref<1x632x128xf32, #tpu.memory_space<hbm>> -> memref<632x128xf32, #tpu.memory_space<hbm>>
      %dma_start3A_12 = arith.constant 0 : i32
      %dma_start3A_13 = tpu.memref_slice %arg12[%mul3A_7, %dma_start3A_12] : memref<10112x128xf32, #tpu.memory_space<vmem_shared>> -> memref<632x128xf32, #tpu.memory_space<vmem_shared>>
      tpu.enqueue_dma source(%dma_start3A_13 : memref<632x128xf32, #tpu.memory_space<vmem_shared>>) target(%dma_start3A_11 : memref<632x128xf32, #tpu.memory_space<hbm>>) target_semaphore(%run_scoped3A : memref<!tpu.dma_semaphore, #tpu.memory_space<semaphore_mem>>)
      %dma_wait3A = arith.constant 0 : i32
      %dma_wait3A_14 = tpu.memref_slice %arg6[%arg0, %mul3A_9, %dma_wait3A] : memref<2x10112x128xf32, #tpu.memory_space<hbm>> -> memref<1x632x128xf32, #tpu.memory_space<hbm>>
      %dma_wait3A_15 = tpu.memref_squeeze %dma_wait3A_14 : memref<1x632x128xf32, #tpu.memory_space<hbm>> -> memref<632x128xf32, #tpu.memory_space<hbm>>
      %dma_wait3A_16 = arith.constant 0 : i32
      %dma_wait3A_17 = tpu.memref_slice %arg12[%mul3A_7, %dma_wait3A_16] : memref<10112x128xf32, #tpu.memory_space<vmem_shared>> -> memref<632x128xf32, #tpu.memory_space<vmem_shared>>
      tpu.wait_dma2 semaphore(%run_scoped3A : memref<!tpu.dma_semaphore, #tpu.memory_space<semaphore_mem>>) src(%dma_wait3A_17 : memref<632x128xf32, #tpu.memory_space<vmem_shared>>) dst(%dma_wait3A_15 : memref<632x128xf32, #tpu.memory_space<hbm>>)
      tpu.yield
    }) : () -> ()
    return
  }
}

#map = affine_map<(d0, d1) -> (0, 0)>
#map1 = affine_map<(d0, d1) -> (0, 0, 0, 0, 0)>
#map2 = affine_map<(d0, d1) -> (0, 0, 0)>
module attributes {stable_mosaic.version = 14 : i64} {
  func.func @_agg_kernel(%arg0: i32, %arg1: i32, %arg2: memref<10112x128xf32, #tpu.memory_space<hbm>>, %arg3: memref<2x16x2x81x64xi32, #tpu.memory_space<hbm>>, %arg4: memref<2x16x2x81x64xi32, #tpu.memory_space<hbm>>, %arg5: memref<632x128xf32, #tpu.memory_space<hbm>>, %arg6: memref<2x10112x128xf32, #tpu.memory_space<hbm>>, %arg7: memref<81x64xi32, #tpu.memory_space<vmem>>, %arg8: memref<81x64xi32, #tpu.memory_space<vmem>>, %arg9: memref<64x128xf32, #tpu.memory_space<vmem>>, %arg10: memref<64x128xf32, #tpu.memory_space<vmem>>, %arg11: memref<64x128xf32, #tpu.memory_space<vmem>>, %arg12: memref<10112x128xf32, #tpu.memory_space<vmem_shared>>, %arg13: memref<!tpu.dma_semaphore, #tpu.memory_space<semaphore_mem>>, %arg14: memref<!tpu.dma_semaphore, #tpu.memory_space<semaphore_mem>>, %arg15: memref<!tpu.dma_semaphore, #tpu.memory_space<semaphore_mem>>, %arg16: memref<!tpu.dma_semaphore, #tpu.memory_space<semaphore_mem>>, %arg17: memref<!tpu.dma_semaphore, #tpu.memory_space<semaphore_mem>>, %arg18: memref<!tpu.dma_semaphore, #tpu.memory_space<semaphore_mem>>) attributes {dimension_semantics = [#tpu.dimension_semantics<core_parallel>, #tpu.dimension_semantics<subcore_parallel>], iteration_bounds = array<i64: 2, 16>, scalar_prefetch = 0 : i64, scratch_operands = 12 : i64, tpu.core_type = #tpu.core_type<sc_vector_subcore>, window_params = [{transform_indices = #map}, {transform_indices = #map1}, {transform_indices = #map1}, {transform_indices = #map}, {transform_indices = #map2}]} {
    %mul3A = arith.constant 632 : i32
    %mul3A_0 = arith.muli %arg1, %mul3A : i32
    "tpu.region"() ({
      %run_scoped3A = tpu.sem_alloc : memref<!tpu.dma_semaphore, #tpu.memory_space<semaphore_mem>>
      %dma_start3A = arith.constant 0 : i32
      %dma_start3A_10 = tpu.memref_slice %arg12[%mul3A_0, %dma_start3A] : memref<10112x128xf32, #tpu.memory_space<vmem_shared>> -> memref<632x128xf32, #tpu.memory_space<vmem_shared>>
      tpu.enqueue_dma source(%arg5 : memref<632x128xf32, #tpu.memory_space<hbm>>) target(%dma_start3A_10 : memref<632x128xf32, #tpu.memory_space<vmem_shared>>) target_semaphore(%run_scoped3A : memref<!tpu.dma_semaphore, #tpu.memory_space<semaphore_mem>>)
      %dma_wait3A = arith.constant 0 : i32
      %dma_wait3A_11 = tpu.memref_slice %arg12[%mul3A_0, %dma_wait3A] : memref<10112x128xf32, #tpu.memory_space<vmem_shared>> -> memref<632x128xf32, #tpu.memory_space<vmem_shared>>
      tpu.wait_dma2 semaphore(%run_scoped3A : memref<!tpu.dma_semaphore, #tpu.memory_space<semaphore_mem>>) src(%arg5 : memref<632x128xf32, #tpu.memory_space<hbm>>) dst(%dma_wait3A_11 : memref<632x128xf32, #tpu.memory_space<vmem_shared>>)
      tpu.yield
    }) : () -> ()
    %barrier3A = arith.constant 0 : index
    tpu.barrier barrier_id(%barrier3A)
    %scan3A = arith.constant 0 : i32
    %scan3A_1 = arith.constant 2 : i32
    %scan3A_2 = arith.addi %scan3A, %scan3A_1 : i32
    %scan3A_3 = arith.constant 1 : i32
    scf.for %scan3A_10 = %scan3A to %scan3A_2 step %scan3A_3  : i32 {
      %mul3A_11 = arith.constant 1 : i32
      %mul3A_12 = arith.muli %scan3A_10, %mul3A_11 : i32
      %add3A = arith.constant 0 : i32
      %add3A_13 = arith.addi %add3A, %mul3A_12 : i32
      "tpu.region"() ({
        %run_scoped3A_61 = tpu.sem_alloc : memref<!tpu.dma_semaphore, #tpu.memory_space<semaphore_mem>>
        %dma_start3A_62 = arith.constant 0 : i32
        %dma_start3A_63 = arith.constant 0 : i32
        %dma_start3A_64 = tpu.memref_slice %arg3[%arg0, %arg1, %add3A_13, %dma_start3A_62, %dma_start3A_63] : memref<2x16x2x81x64xi32, #tpu.memory_space<hbm>> -> memref<1x1x1x81x64xi32, #tpu.memory_space<hbm>>
        %dma_start3A_65 = tpu.memref_squeeze %dma_start3A_64 : memref<1x1x1x81x64xi32, #tpu.memory_space<hbm>> -> memref<81x64xi32, #tpu.memory_space<hbm>>
        %dma_start3A_66 = arith.constant 0 : i32
        %dma_start3A_67 = arith.constant 0 : i32
        %dma_start3A_68 = tpu.memref_slice %arg3[%arg0, %arg1, %add3A_13, %dma_start3A_66, %dma_start3A_67] : memref<2x16x2x81x64xi32, #tpu.memory_space<hbm>> -> memref<1x1x1x81x64xi32, #tpu.memory_space<hbm>>
        %dma_start3A_69 = tpu.memref_squeeze %dma_start3A_68 : memref<1x1x1x81x64xi32, #tpu.memory_space<hbm>> -> memref<81x64xi32, #tpu.memory_space<hbm>>
        tpu.enqueue_dma source(%dma_start3A_69 : memref<81x64xi32, #tpu.memory_space<hbm>>) target(%arg7 : memref<81x64xi32, #tpu.memory_space<vmem>>) target_semaphore(%run_scoped3A_61 : memref<!tpu.dma_semaphore, #tpu.memory_space<semaphore_mem>>)
        %dma_wait3A_70 = arith.constant 0 : i32
        %dma_wait3A_71 = arith.constant 0 : i32
        %dma_wait3A_72 = tpu.memref_slice %arg3[%arg0, %arg1, %add3A_13, %dma_wait3A_70, %dma_wait3A_71] : memref<2x16x2x81x64xi32, #tpu.memory_space<hbm>> -> memref<1x1x1x81x64xi32, #tpu.memory_space<hbm>>
        %dma_wait3A_73 = tpu.memref_squeeze %dma_wait3A_72 : memref<1x1x1x81x64xi32, #tpu.memory_space<hbm>> -> memref<81x64xi32, #tpu.memory_space<hbm>>
        %dma_wait3A_74 = arith.constant 0 : i32
        %dma_wait3A_75 = arith.constant 0 : i32
        %dma_wait3A_76 = tpu.memref_slice %arg3[%arg0, %arg1, %add3A_13, %dma_wait3A_74, %dma_wait3A_75] : memref<2x16x2x81x64xi32, #tpu.memory_space<hbm>> -> memref<1x1x1x81x64xi32, #tpu.memory_space<hbm>>
        %dma_wait3A_77 = tpu.memref_squeeze %dma_wait3A_76 : memref<1x1x1x81x64xi32, #tpu.memory_space<hbm>> -> memref<81x64xi32, #tpu.memory_space<hbm>>
        tpu.wait_dma2 semaphore(%run_scoped3A_61 : memref<!tpu.dma_semaphore, #tpu.memory_space<semaphore_mem>>) src(%dma_wait3A_77 : memref<81x64xi32, #tpu.memory_space<hbm>>) dst(%arg7 : memref<81x64xi32, #tpu.memory_space<vmem>>)
        tpu.yield
      }) : () -> ()
      "tpu.region"() ({
        %run_scoped3A_61 = tpu.sem_alloc : memref<!tpu.dma_semaphore, #tpu.memory_space<semaphore_mem>>
        %dma_start3A_62 = arith.constant 0 : i32
        %dma_start3A_63 = arith.constant 0 : i32
        %dma_start3A_64 = tpu.memref_slice %arg4[%arg0, %arg1, %add3A_13, %dma_start3A_62, %dma_start3A_63] : memref<2x16x2x81x64xi32, #tpu.memory_space<hbm>> -> memref<1x1x1x81x64xi32, #tpu.memory_space<hbm>>
        %dma_start3A_65 = tpu.memref_squeeze %dma_start3A_64 : memref<1x1x1x81x64xi32, #tpu.memory_space<hbm>> -> memref<81x64xi32, #tpu.memory_space<hbm>>
        %dma_start3A_66 = arith.constant 0 : i32
        %dma_start3A_67 = arith.constant 0 : i32
        %dma_start3A_68 = tpu.memref_slice %arg4[%arg0, %arg1, %add3A_13, %dma_start3A_66, %dma_start3A_67] : memref<2x16x2x81x64xi32, #tpu.memory_space<hbm>> -> memref<1x1x1x81x64xi32, #tpu.memory_space<hbm>>
        %dma_start3A_69 = tpu.memref_squeeze %dma_start3A_68 : memref<1x1x1x81x64xi32, #tpu.memory_space<hbm>> -> memref<81x64xi32, #tpu.memory_space<hbm>>
        tpu.enqueue_dma source(%dma_start3A_69 : memref<81x64xi32, #tpu.memory_space<hbm>>) target(%arg8 : memref<81x64xi32, #tpu.memory_space<vmem>>) target_semaphore(%run_scoped3A_61 : memref<!tpu.dma_semaphore, #tpu.memory_space<semaphore_mem>>)
        %dma_wait3A_70 = arith.constant 0 : i32
        %dma_wait3A_71 = arith.constant 0 : i32
        %dma_wait3A_72 = tpu.memref_slice %arg4[%arg0, %arg1, %add3A_13, %dma_wait3A_70, %dma_wait3A_71] : memref<2x16x2x81x64xi32, #tpu.memory_space<hbm>> -> memref<1x1x1x81x64xi32, #tpu.memory_space<hbm>>
        %dma_wait3A_73 = tpu.memref_squeeze %dma_wait3A_72 : memref<1x1x1x81x64xi32, #tpu.memory_space<hbm>> -> memref<81x64xi32, #tpu.memory_space<hbm>>
        %dma_wait3A_74 = arith.constant 0 : i32
        %dma_wait3A_75 = arith.constant 0 : i32
        %dma_wait3A_76 = tpu.memref_slice %arg4[%arg0, %arg1, %add3A_13, %dma_wait3A_74, %dma_wait3A_75] : memref<2x16x2x81x64xi32, #tpu.memory_space<hbm>> -> memref<1x1x1x81x64xi32, #tpu.memory_space<hbm>>
        %dma_wait3A_77 = tpu.memref_squeeze %dma_wait3A_76 : memref<1x1x1x81x64xi32, #tpu.memory_space<hbm>> -> memref<81x64xi32, #tpu.memory_space<hbm>>
        tpu.wait_dma2 semaphore(%run_scoped3A_61 : memref<!tpu.dma_semaphore, #tpu.memory_space<semaphore_mem>>) src(%dma_wait3A_77 : memref<81x64xi32, #tpu.memory_space<hbm>>) dst(%arg8 : memref<81x64xi32, #tpu.memory_space<vmem>>)
        tpu.yield
      }) : () -> ()
      %dma_start3A = arith.constant 0 : i32
      %dma_start3A_14 = arith.constant 0 : i32
      %dma_start3A_15 = tpu.memref_slice %arg7[%dma_start3A, %dma_start3A_14] : memref<81x64xi32, #tpu.memory_space<vmem>> -> memref<1x64xi32, #tpu.memory_space<vmem>>
      %dma_start3A_16 = tpu.memref_squeeze %dma_start3A_15 : memref<1x64xi32, #tpu.memory_space<vmem>> -> memref<64xi32, #tpu.memory_space<vmem>>
      %dma_start3A_17 = arith.constant 0 : i32
      %dma_start3A_18 = arith.constant 0 : i32
      %dma_start3A_19 = tpu.memref_slice %arg2[%dma_start3A_17, %dma_start3A_18] : memref<10112x128xf32, #tpu.memory_space<hbm>> -> memref<10112x128xf32, #tpu.memory_space<hbm>>
      tpu.enqueue_indirect_dma source(%dma_start3A_19 : memref<10112x128xf32, #tpu.memory_space<hbm>>) target(%arg9 : memref<64x128xf32, #tpu.memory_space<vmem>>) offsets(%dma_start3A_16 : memref<64xi32, #tpu.memory_space<vmem>>) semaphore(%arg13 : memref<!tpu.dma_semaphore, #tpu.memory_space<semaphore_mem>>)
      %dma_start3A_20 = arith.constant 1 : i32
      %dma_start3A_21 = arith.constant 0 : i32
      %dma_start3A_22 = tpu.memref_slice %arg7[%dma_start3A_20, %dma_start3A_21] : memref<81x64xi32, #tpu.memory_space<vmem>> -> memref<1x64xi32, #tpu.memory_space<vmem>>
      %dma_start3A_23 = tpu.memref_squeeze %dma_start3A_22 : memref<1x64xi32, #tpu.memory_space<vmem>> -> memref<64xi32, #tpu.memory_space<vmem>>
      %dma_start3A_24 = arith.constant 0 : i32
      %dma_start3A_25 = arith.constant 0 : i32
      %dma_start3A_26 = tpu.memref_slice %arg2[%dma_start3A_24, %dma_start3A_25] : memref<10112x128xf32, #tpu.memory_space<hbm>> -> memref<10112x128xf32, #tpu.memory_space<hbm>>
      tpu.enqueue_indirect_dma source(%dma_start3A_26 : memref<10112x128xf32, #tpu.memory_space<hbm>>) target(%arg10 : memref<64x128xf32, #tpu.memory_space<vmem>>) offsets(%dma_start3A_23 : memref<64xi32, #tpu.memory_space<vmem>>) semaphore(%arg14 : memref<!tpu.dma_semaphore, #tpu.memory_space<semaphore_mem>>)
      %dma_start3A_27 = arith.constant 2 : i32
      %dma_start3A_28 = arith.constant 0 : i32
      %dma_start3A_29 = tpu.memref_slice %arg7[%dma_start3A_27, %dma_start3A_28] : memref<81x64xi32, #tpu.memory_space<vmem>> -> memref<1x64xi32, #tpu.memory_space<vmem>>
      %dma_start3A_30 = tpu.memref_squeeze %dma_start3A_29 : memref<1x64xi32, #tpu.memory_space<vmem>> -> memref<64xi32, #tpu.memory_space<vmem>>
      %dma_start3A_31 = arith.constant 0 : i32
      %dma_start3A_32 = arith.constant 0 : i32
      %dma_start3A_33 = tpu.memref_slice %arg2[%dma_start3A_31, %dma_start3A_32] : memref<10112x128xf32, #tpu.memory_space<hbm>> -> memref<10112x128xf32, #tpu.memory_space<hbm>>
      tpu.enqueue_indirect_dma source(%dma_start3A_33 : memref<10112x128xf32, #tpu.memory_space<hbm>>) target(%arg11 : memref<64x128xf32, #tpu.memory_space<vmem>>) offsets(%dma_start3A_30 : memref<64xi32, #tpu.memory_space<vmem>>) semaphore(%arg15 : memref<!tpu.dma_semaphore, #tpu.memory_space<semaphore_mem>>)
      %scan3A_34 = arith.constant 0 : i32
      %scan3A_35 = arith.constant 26 : i32
      %scan3A_36 = arith.addi %scan3A_34, %scan3A_35 : i32
      %scan3A_37 = arith.constant 1 : i32
      scf.for %scan3A_61 = %scan3A_34 to %scan3A_36 step %scan3A_37  : i32 {
        %mul3A_62 = arith.constant 3 : i32
        %mul3A_63 = arith.muli %scan3A_61, %mul3A_62 : i32
        %add3A_64 = arith.constant 0 : i32
        %add3A_65 = arith.addi %add3A_64, %mul3A_63 : i32
        %add3A_66 = arith.constant 0 : i32
        %add3A_67 = arith.addi %add3A_65, %add3A_66 : i32
        %dma_wait3A_68 = arith.constant 0 : i32
        %dma_wait3A_69 = tpu.memref_slice %arg7[%add3A_67, %dma_wait3A_68] : memref<81x64xi32, #tpu.memory_space<vmem>> -> memref<1x64xi32, #tpu.memory_space<vmem>>
        %dma_wait3A_70 = tpu.memref_squeeze %dma_wait3A_69 : memref<1x64xi32, #tpu.memory_space<vmem>> -> memref<64xi32, #tpu.memory_space<vmem>>
        %dma_wait3A_71 = arith.constant 0 : i32
        %dma_wait3A_72 = arith.constant 0 : i32
        %dma_wait3A_73 = tpu.memref_slice %arg2[%dma_wait3A_71, %dma_wait3A_72] : memref<10112x128xf32, #tpu.memory_space<hbm>> -> memref<10112x128xf32, #tpu.memory_space<hbm>>
        tpu.wait_indirect_dma semaphore(%arg13 : memref<!tpu.dma_semaphore, #tpu.memory_space<semaphore_mem>>) src(%dma_wait3A_73 : memref<10112x128xf32, #tpu.memory_space<hbm>>) dst(%arg9 : memref<64x128xf32, #tpu.memory_space<vmem>>)
        %dma_start3A_74 = arith.constant 0 : i32
        %dma_start3A_75 = tpu.memref_slice %arg8[%add3A_67, %dma_start3A_74] : memref<81x64xi32, #tpu.memory_space<vmem>> -> memref<1x64xi32, #tpu.memory_space<vmem>>
        %dma_start3A_76 = tpu.memref_squeeze %dma_start3A_75 : memref<1x64xi32, #tpu.memory_space<vmem>> -> memref<64xi32, #tpu.memory_space<vmem>>
        %dma_start3A_77 = arith.constant 0 : i32
        %dma_start3A_78 = arith.constant 0 : i32
        %dma_start3A_79 = tpu.memref_slice %arg12[%dma_start3A_77, %dma_start3A_78] : memref<10112x128xf32, #tpu.memory_space<vmem_shared>> -> memref<10112x128xf32, #tpu.memory_space<vmem_shared>>
        tpu.enqueue_indirect_dma source(%arg9 : memref<64x128xf32, #tpu.memory_space<vmem>>) target(%dma_start3A_79 : memref<10112x128xf32, #tpu.memory_space<vmem_shared>>) offsets(%dma_start3A_76 : memref<64xi32, #tpu.memory_space<vmem>>) semaphore(%arg16 : memref<!tpu.dma_semaphore, #tpu.memory_space<semaphore_mem>>) {add = true}
        %dma_wait3A_80 = arith.constant 0 : i32
        %dma_wait3A_81 = tpu.memref_slice %arg8[%add3A_67, %dma_wait3A_80] : memref<81x64xi32, #tpu.memory_space<vmem>> -> memref<1x64xi32, #tpu.memory_space<vmem>>
        %dma_wait3A_82 = tpu.memref_squeeze %dma_wait3A_81 : memref<1x64xi32, #tpu.memory_space<vmem>> -> memref<64xi32, #tpu.memory_space<vmem>>
        %dma_wait3A_83 = arith.constant 0 : i32
        %dma_wait3A_84 = arith.constant 0 : i32
        %dma_wait3A_85 = tpu.memref_slice %arg12[%dma_wait3A_83, %dma_wait3A_84] : memref<10112x128xf32, #tpu.memory_space<vmem_shared>> -> memref<10112x128xf32, #tpu.memory_space<vmem_shared>>
        tpu.wait_indirect_dma semaphore(%arg16 : memref<!tpu.dma_semaphore, #tpu.memory_space<semaphore_mem>>) src(%arg9 : memref<64x128xf32, #tpu.memory_space<vmem>>) dst(%dma_wait3A_85 : memref<10112x128xf32, #tpu.memory_space<vmem_shared>>)
        %add3A_86 = arith.constant 3 : i32
        %add3A_87 = arith.addi %add3A_67, %add3A_86 : i32
        %dma_start3A_88 = arith.constant 0 : i32
        %dma_start3A_89 = tpu.memref_slice %arg7[%add3A_87, %dma_start3A_88] : memref<81x64xi32, #tpu.memory_space<vmem>> -> memref<1x64xi32, #tpu.memory_space<vmem>>
        %dma_start3A_90 = tpu.memref_squeeze %dma_start3A_89 : memref<1x64xi32, #tpu.memory_space<vmem>> -> memref<64xi32, #tpu.memory_space<vmem>>
        %dma_start3A_91 = arith.constant 0 : i32
        %dma_start3A_92 = arith.constant 0 : i32
        %dma_start3A_93 = tpu.memref_slice %arg2[%dma_start3A_91, %dma_start3A_92] : memref<10112x128xf32, #tpu.memory_space<hbm>> -> memref<10112x128xf32, #tpu.memory_space<hbm>>
        tpu.enqueue_indirect_dma source(%dma_start3A_93 : memref<10112x128xf32, #tpu.memory_space<hbm>>) target(%arg9 : memref<64x128xf32, #tpu.memory_space<vmem>>) offsets(%dma_start3A_90 : memref<64xi32, #tpu.memory_space<vmem>>) semaphore(%arg13 : memref<!tpu.dma_semaphore, #tpu.memory_space<semaphore_mem>>)
        %add3A_94 = arith.constant 1 : i32
        %add3A_95 = arith.addi %add3A_65, %add3A_94 : i32
        %dma_wait3A_96 = arith.constant 0 : i32
        %dma_wait3A_97 = tpu.memref_slice %arg7[%add3A_95, %dma_wait3A_96] : memref<81x64xi32, #tpu.memory_space<vmem>> -> memref<1x64xi32, #tpu.memory_space<vmem>>
        %dma_wait3A_98 = tpu.memref_squeeze %dma_wait3A_97 : memref<1x64xi32, #tpu.memory_space<vmem>> -> memref<64xi32, #tpu.memory_space<vmem>>
        %dma_wait3A_99 = arith.constant 0 : i32
        %dma_wait3A_100 = arith.constant 0 : i32
        %dma_wait3A_101 = tpu.memref_slice %arg2[%dma_wait3A_99, %dma_wait3A_100] : memref<10112x128xf32, #tpu.memory_space<hbm>> -> memref<10112x128xf32, #tpu.memory_space<hbm>>
        tpu.wait_indirect_dma semaphore(%arg14 : memref<!tpu.dma_semaphore, #tpu.memory_space<semaphore_mem>>) src(%dma_wait3A_101 : memref<10112x128xf32, #tpu.memory_space<hbm>>) dst(%arg10 : memref<64x128xf32, #tpu.memory_space<vmem>>)
        %dma_start3A_102 = arith.constant 0 : i32
        %dma_start3A_103 = tpu.memref_slice %arg8[%add3A_95, %dma_start3A_102] : memref<81x64xi32, #tpu.memory_space<vmem>> -> memref<1x64xi32, #tpu.memory_space<vmem>>
        %dma_start3A_104 = tpu.memref_squeeze %dma_start3A_103 : memref<1x64xi32, #tpu.memory_space<vmem>> -> memref<64xi32, #tpu.memory_space<vmem>>
        %dma_start3A_105 = arith.constant 0 : i32
        %dma_start3A_106 = arith.constant 0 : i32
        %dma_start3A_107 = tpu.memref_slice %arg12[%dma_start3A_105, %dma_start3A_106] : memref<10112x128xf32, #tpu.memory_space<vmem_shared>> -> memref<10112x128xf32, #tpu.memory_space<vmem_shared>>
        tpu.enqueue_indirect_dma source(%arg10 : memref<64x128xf32, #tpu.memory_space<vmem>>) target(%dma_start3A_107 : memref<10112x128xf32, #tpu.memory_space<vmem_shared>>) offsets(%dma_start3A_104 : memref<64xi32, #tpu.memory_space<vmem>>) semaphore(%arg17 : memref<!tpu.dma_semaphore, #tpu.memory_space<semaphore_mem>>) {add = true}
        %dma_wait3A_108 = arith.constant 0 : i32
        %dma_wait3A_109 = tpu.memref_slice %arg8[%add3A_95, %dma_wait3A_108] : memref<81x64xi32, #tpu.memory_space<vmem>> -> memref<1x64xi32, #tpu.memory_space<vmem>>
        %dma_wait3A_110 = tpu.memref_squeeze %dma_wait3A_109 : memref<1x64xi32, #tpu.memory_space<vmem>> -> memref<64xi32, #tpu.memory_space<vmem>>
        %dma_wait3A_111 = arith.constant 0 : i32
        %dma_wait3A_112 = arith.constant 0 : i32
        %dma_wait3A_113 = tpu.memref_slice %arg12[%dma_wait3A_111, %dma_wait3A_112] : memref<10112x128xf32, #tpu.memory_space<vmem_shared>> -> memref<10112x128xf32, #tpu.memory_space<vmem_shared>>
        tpu.wait_indirect_dma semaphore(%arg17 : memref<!tpu.dma_semaphore, #tpu.memory_space<semaphore_mem>>) src(%arg10 : memref<64x128xf32, #tpu.memory_space<vmem>>) dst(%dma_wait3A_113 : memref<10112x128xf32, #tpu.memory_space<vmem_shared>>)
        %add3A_114 = arith.constant 3 : i32
        %add3A_115 = arith.addi %add3A_95, %add3A_114 : i32
        %dma_start3A_116 = arith.constant 0 : i32
        %dma_start3A_117 = tpu.memref_slice %arg7[%add3A_115, %dma_start3A_116] : memref<81x64xi32, #tpu.memory_space<vmem>> -> memref<1x64xi32, #tpu.memory_space<vmem>>
        %dma_start3A_118 = tpu.memref_squeeze %dma_start3A_117 : memref<1x64xi32, #tpu.memory_space<vmem>> -> memref<64xi32, #tpu.memory_space<vmem>>
        %dma_start3A_119 = arith.constant 0 : i32
        %dma_start3A_120 = arith.constant 0 : i32
        %dma_start3A_121 = tpu.memref_slice %arg2[%dma_start3A_119, %dma_start3A_120] : memref<10112x128xf32, #tpu.memory_space<hbm>> -> memref<10112x128xf32, #tpu.memory_space<hbm>>
        tpu.enqueue_indirect_dma source(%dma_start3A_121 : memref<10112x128xf32, #tpu.memory_space<hbm>>) target(%arg10 : memref<64x128xf32, #tpu.memory_space<vmem>>) offsets(%dma_start3A_118 : memref<64xi32, #tpu.memory_space<vmem>>) semaphore(%arg14 : memref<!tpu.dma_semaphore, #tpu.memory_space<semaphore_mem>>)
        %add3A_122 = arith.constant 2 : i32
        %add3A_123 = arith.addi %add3A_65, %add3A_122 : i32
        %dma_wait3A_124 = arith.constant 0 : i32
        %dma_wait3A_125 = tpu.memref_slice %arg7[%add3A_123, %dma_wait3A_124] : memref<81x64xi32, #tpu.memory_space<vmem>> -> memref<1x64xi32, #tpu.memory_space<vmem>>
        %dma_wait3A_126 = tpu.memref_squeeze %dma_wait3A_125 : memref<1x64xi32, #tpu.memory_space<vmem>> -> memref<64xi32, #tpu.memory_space<vmem>>
        %dma_wait3A_127 = arith.constant 0 : i32
        %dma_wait3A_128 = arith.constant 0 : i32
        %dma_wait3A_129 = tpu.memref_slice %arg2[%dma_wait3A_127, %dma_wait3A_128] : memref<10112x128xf32, #tpu.memory_space<hbm>> -> memref<10112x128xf32, #tpu.memory_space<hbm>>
        tpu.wait_indirect_dma semaphore(%arg15 : memref<!tpu.dma_semaphore, #tpu.memory_space<semaphore_mem>>) src(%dma_wait3A_129 : memref<10112x128xf32, #tpu.memory_space<hbm>>) dst(%arg11 : memref<64x128xf32, #tpu.memory_space<vmem>>)
        %dma_start3A_130 = arith.constant 0 : i32
        %dma_start3A_131 = tpu.memref_slice %arg8[%add3A_123, %dma_start3A_130] : memref<81x64xi32, #tpu.memory_space<vmem>> -> memref<1x64xi32, #tpu.memory_space<vmem>>
        %dma_start3A_132 = tpu.memref_squeeze %dma_start3A_131 : memref<1x64xi32, #tpu.memory_space<vmem>> -> memref<64xi32, #tpu.memory_space<vmem>>
        %dma_start3A_133 = arith.constant 0 : i32
        %dma_start3A_134 = arith.constant 0 : i32
        %dma_start3A_135 = tpu.memref_slice %arg12[%dma_start3A_133, %dma_start3A_134] : memref<10112x128xf32, #tpu.memory_space<vmem_shared>> -> memref<10112x128xf32, #tpu.memory_space<vmem_shared>>
        tpu.enqueue_indirect_dma source(%arg11 : memref<64x128xf32, #tpu.memory_space<vmem>>) target(%dma_start3A_135 : memref<10112x128xf32, #tpu.memory_space<vmem_shared>>) offsets(%dma_start3A_132 : memref<64xi32, #tpu.memory_space<vmem>>) semaphore(%arg18 : memref<!tpu.dma_semaphore, #tpu.memory_space<semaphore_mem>>) {add = true}
        %dma_wait3A_136 = arith.constant 0 : i32
        %dma_wait3A_137 = tpu.memref_slice %arg8[%add3A_123, %dma_wait3A_136] : memref<81x64xi32, #tpu.memory_space<vmem>> -> memref<1x64xi32, #tpu.memory_space<vmem>>
        %dma_wait3A_138 = tpu.memref_squeeze %dma_wait3A_137 : memref<1x64xi32, #tpu.memory_space<vmem>> -> memref<64xi32, #tpu.memory_space<vmem>>
        %dma_wait3A_139 = arith.constant 0 : i32
        %dma_wait3A_140 = arith.constant 0 : i32
        %dma_wait3A_141 = tpu.memref_slice %arg12[%dma_wait3A_139, %dma_wait3A_140] : memref<10112x128xf32, #tpu.memory_space<vmem_shared>> -> memref<10112x128xf32, #tpu.memory_space<vmem_shared>>
        tpu.wait_indirect_dma semaphore(%arg18 : memref<!tpu.dma_semaphore, #tpu.memory_space<semaphore_mem>>) src(%arg11 : memref<64x128xf32, #tpu.memory_space<vmem>>) dst(%dma_wait3A_141 : memref<10112x128xf32, #tpu.memory_space<vmem_shared>>)
        %add3A_142 = arith.constant 3 : i32
        %add3A_143 = arith.addi %add3A_123, %add3A_142 : i32
        %dma_start3A_144 = arith.constant 0 : i32
        %dma_start3A_145 = tpu.memref_slice %arg7[%add3A_143, %dma_start3A_144] : memref<81x64xi32, #tpu.memory_space<vmem>> -> memref<1x64xi32, #tpu.memory_space<vmem>>
        %dma_start3A_146 = tpu.memref_squeeze %dma_start3A_145 : memref<1x64xi32, #tpu.memory_space<vmem>> -> memref<64xi32, #tpu.memory_space<vmem>>
        %dma_start3A_147 = arith.constant 0 : i32
        %dma_start3A_148 = arith.constant 0 : i32
        %dma_start3A_149 = tpu.memref_slice %arg2[%dma_start3A_147, %dma_start3A_148] : memref<10112x128xf32, #tpu.memory_space<hbm>> -> memref<10112x128xf32, #tpu.memory_space<hbm>>
        tpu.enqueue_indirect_dma source(%dma_start3A_149 : memref<10112x128xf32, #tpu.memory_space<hbm>>) target(%arg11 : memref<64x128xf32, #tpu.memory_space<vmem>>) offsets(%dma_start3A_146 : memref<64xi32, #tpu.memory_space<vmem>>) semaphore(%arg15 : memref<!tpu.dma_semaphore, #tpu.memory_space<semaphore_mem>>)
      }
      %scan3A_38 = arith.constant 26 : i32
      %dma_wait3A = arith.constant 0 : i32
      %dma_wait3A_39 = arith.constant 0 : i32
      %dma_wait3A_40 = tpu.memref_slice %arg7[%dma_wait3A, %dma_wait3A_39] : memref<81x64xi32, #tpu.memory_space<vmem>> -> memref<1x64xi32, #tpu.memory_space<vmem>>
      %dma_wait3A_41 = tpu.memref_squeeze %dma_wait3A_40 : memref<1x64xi32, #tpu.memory_space<vmem>> -> memref<64xi32, #tpu.memory_space<vmem>>
      %dma_wait3A_42 = arith.constant 0 : i32
      %dma_wait3A_43 = arith.constant 0 : i32
      %dma_wait3A_44 = tpu.memref_slice %arg2[%dma_wait3A_42, %dma_wait3A_43] : memref<10112x128xf32, #tpu.memory_space<hbm>> -> memref<10112x128xf32, #tpu.memory_space<hbm>>
      tpu.wait_indirect_dma semaphore(%arg13 : memref<!tpu.dma_semaphore, #tpu.memory_space<semaphore_mem>>) src(%dma_wait3A_44 : memref<10112x128xf32, #tpu.memory_space<hbm>>) dst(%arg9 : memref<64x128xf32, #tpu.memory_space<vmem>>)
      %run_scoped3A = arith.constant 78 : i32
      "tpu.region"() ({
        %run_scoped3A_61 = tpu.sem_alloc : memref<!tpu.dma_semaphore, #tpu.memory_space<semaphore_mem>>
        %dma_start3A_62 = arith.constant 0 : i32
        %dma_start3A_63 = tpu.memref_slice %arg8[%run_scoped3A, %dma_start3A_62] : memref<81x64xi32, #tpu.memory_space<vmem>> -> memref<1x64xi32, #tpu.memory_space<vmem>>
        %dma_start3A_64 = tpu.memref_squeeze %dma_start3A_63 : memref<1x64xi32, #tpu.memory_space<vmem>> -> memref<64xi32, #tpu.memory_space<vmem>>
        %dma_start3A_65 = arith.constant 0 : i32
        %dma_start3A_66 = arith.constant 0 : i32
        %dma_start3A_67 = tpu.memref_slice %arg12[%dma_start3A_65, %dma_start3A_66] : memref<10112x128xf32, #tpu.memory_space<vmem_shared>> -> memref<10112x128xf32, #tpu.memory_space<vmem_shared>>
        tpu.enqueue_indirect_dma source(%arg9 : memref<64x128xf32, #tpu.memory_space<vmem>>) target(%dma_start3A_67 : memref<10112x128xf32, #tpu.memory_space<vmem_shared>>) offsets(%dma_start3A_64 : memref<64xi32, #tpu.memory_space<vmem>>) semaphore(%run_scoped3A_61 : memref<!tpu.dma_semaphore, #tpu.memory_space<semaphore_mem>>) {add = true}
        %dma_wait3A_68 = arith.constant 0 : i32
        %dma_wait3A_69 = tpu.memref_slice %arg8[%run_scoped3A, %dma_wait3A_68] : memref<81x64xi32, #tpu.memory_space<vmem>> -> memref<1x64xi32, #tpu.memory_space<vmem>>
        %dma_wait3A_70 = tpu.memref_squeeze %dma_wait3A_69 : memref<1x64xi32, #tpu.memory_space<vmem>> -> memref<64xi32, #tpu.memory_space<vmem>>
        %dma_wait3A_71 = arith.constant 0 : i32
        %dma_wait3A_72 = arith.constant 0 : i32
        %dma_wait3A_73 = tpu.memref_slice %arg12[%dma_wait3A_71, %dma_wait3A_72] : memref<10112x128xf32, #tpu.memory_space<vmem_shared>> -> memref<10112x128xf32, #tpu.memory_space<vmem_shared>>
        tpu.wait_indirect_dma semaphore(%run_scoped3A_61 : memref<!tpu.dma_semaphore, #tpu.memory_space<semaphore_mem>>) src(%arg9 : memref<64x128xf32, #tpu.memory_space<vmem>>) dst(%dma_wait3A_73 : memref<10112x128xf32, #tpu.memory_space<vmem_shared>>)
        tpu.yield
      }) : () -> ()
      %dma_wait3A_45 = arith.constant 1 : i32
      %dma_wait3A_46 = arith.constant 0 : i32
      %dma_wait3A_47 = tpu.memref_slice %arg7[%dma_wait3A_45, %dma_wait3A_46] : memref<81x64xi32, #tpu.memory_space<vmem>> -> memref<1x64xi32, #tpu.memory_space<vmem>>
      %dma_wait3A_48 = tpu.memref_squeeze %dma_wait3A_47 : memref<1x64xi32, #tpu.memory_space<vmem>> -> memref<64xi32, #tpu.memory_space<vmem>>
      %dma_wait3A_49 = arith.constant 0 : i32
      %dma_wait3A_50 = arith.constant 0 : i32
      %dma_wait3A_51 = tpu.memref_slice %arg2[%dma_wait3A_49, %dma_wait3A_50] : memref<10112x128xf32, #tpu.memory_space<hbm>> -> memref<10112x128xf32, #tpu.memory_space<hbm>>
      tpu.wait_indirect_dma semaphore(%arg14 : memref<!tpu.dma_semaphore, #tpu.memory_space<semaphore_mem>>) src(%dma_wait3A_51 : memref<10112x128xf32, #tpu.memory_space<hbm>>) dst(%arg10 : memref<64x128xf32, #tpu.memory_space<vmem>>)
      %run_scoped3A_52 = arith.constant 79 : i32
      "tpu.region"() ({
        %run_scoped3A_61 = tpu.sem_alloc : memref<!tpu.dma_semaphore, #tpu.memory_space<semaphore_mem>>
        %dma_start3A_62 = arith.constant 0 : i32
        %dma_start3A_63 = tpu.memref_slice %arg8[%run_scoped3A_52, %dma_start3A_62] : memref<81x64xi32, #tpu.memory_space<vmem>> -> memref<1x64xi32, #tpu.memory_space<vmem>>
        %dma_start3A_64 = tpu.memref_squeeze %dma_start3A_63 : memref<1x64xi32, #tpu.memory_space<vmem>> -> memref<64xi32, #tpu.memory_space<vmem>>
        %dma_start3A_65 = arith.constant 0 : i32
        %dma_start3A_66 = arith.constant 0 : i32
        %dma_start3A_67 = tpu.memref_slice %arg12[%dma_start3A_65, %dma_start3A_66] : memref<10112x128xf32, #tpu.memory_space<vmem_shared>> -> memref<10112x128xf32, #tpu.memory_space<vmem_shared>>
        tpu.enqueue_indirect_dma source(%arg10 : memref<64x128xf32, #tpu.memory_space<vmem>>) target(%dma_start3A_67 : memref<10112x128xf32, #tpu.memory_space<vmem_shared>>) offsets(%dma_start3A_64 : memref<64xi32, #tpu.memory_space<vmem>>) semaphore(%run_scoped3A_61 : memref<!tpu.dma_semaphore, #tpu.memory_space<semaphore_mem>>) {add = true}
        %dma_wait3A_68 = arith.constant 0 : i32
        %dma_wait3A_69 = tpu.memref_slice %arg8[%run_scoped3A_52, %dma_wait3A_68] : memref<81x64xi32, #tpu.memory_space<vmem>> -> memref<1x64xi32, #tpu.memory_space<vmem>>
        %dma_wait3A_70 = tpu.memref_squeeze %dma_wait3A_69 : memref<1x64xi32, #tpu.memory_space<vmem>> -> memref<64xi32, #tpu.memory_space<vmem>>
        %dma_wait3A_71 = arith.constant 0 : i32
        %dma_wait3A_72 = arith.constant 0 : i32
        %dma_wait3A_73 = tpu.memref_slice %arg12[%dma_wait3A_71, %dma_wait3A_72] : memref<10112x128xf32, #tpu.memory_space<vmem_shared>> -> memref<10112x128xf32, #tpu.memory_space<vmem_shared>>
        tpu.wait_indirect_dma semaphore(%run_scoped3A_61 : memref<!tpu.dma_semaphore, #tpu.memory_space<semaphore_mem>>) src(%arg10 : memref<64x128xf32, #tpu.memory_space<vmem>>) dst(%dma_wait3A_73 : memref<10112x128xf32, #tpu.memory_space<vmem_shared>>)
        tpu.yield
      }) : () -> ()
      %dma_wait3A_53 = arith.constant 2 : i32
      %dma_wait3A_54 = arith.constant 0 : i32
      %dma_wait3A_55 = tpu.memref_slice %arg7[%dma_wait3A_53, %dma_wait3A_54] : memref<81x64xi32, #tpu.memory_space<vmem>> -> memref<1x64xi32, #tpu.memory_space<vmem>>
      %dma_wait3A_56 = tpu.memref_squeeze %dma_wait3A_55 : memref<1x64xi32, #tpu.memory_space<vmem>> -> memref<64xi32, #tpu.memory_space<vmem>>
      %dma_wait3A_57 = arith.constant 0 : i32
      %dma_wait3A_58 = arith.constant 0 : i32
      %dma_wait3A_59 = tpu.memref_slice %arg2[%dma_wait3A_57, %dma_wait3A_58] : memref<10112x128xf32, #tpu.memory_space<hbm>> -> memref<10112x128xf32, #tpu.memory_space<hbm>>
      tpu.wait_indirect_dma semaphore(%arg15 : memref<!tpu.dma_semaphore, #tpu.memory_space<semaphore_mem>>) src(%dma_wait3A_59 : memref<10112x128xf32, #tpu.memory_space<hbm>>) dst(%arg11 : memref<64x128xf32, #tpu.memory_space<vmem>>)
      %run_scoped3A_60 = arith.constant 80 : i32
      "tpu.region"() ({
        %run_scoped3A_61 = tpu.sem_alloc : memref<!tpu.dma_semaphore, #tpu.memory_space<semaphore_mem>>
        %dma_start3A_62 = arith.constant 0 : i32
        %dma_start3A_63 = tpu.memref_slice %arg8[%run_scoped3A_60, %dma_start3A_62] : memref<81x64xi32, #tpu.memory_space<vmem>> -> memref<1x64xi32, #tpu.memory_space<vmem>>
        %dma_start3A_64 = tpu.memref_squeeze %dma_start3A_63 : memref<1x64xi32, #tpu.memory_space<vmem>> -> memref<64xi32, #tpu.memory_space<vmem>>
        %dma_start3A_65 = arith.constant 0 : i32
        %dma_start3A_66 = arith.constant 0 : i32
        %dma_start3A_67 = tpu.memref_slice %arg12[%dma_start3A_65, %dma_start3A_66] : memref<10112x128xf32, #tpu.memory_space<vmem_shared>> -> memref<10112x128xf32, #tpu.memory_space<vmem_shared>>
        tpu.enqueue_indirect_dma source(%arg11 : memref<64x128xf32, #tpu.memory_space<vmem>>) target(%dma_start3A_67 : memref<10112x128xf32, #tpu.memory_space<vmem_shared>>) offsets(%dma_start3A_64 : memref<64xi32, #tpu.memory_space<vmem>>) semaphore(%run_scoped3A_61 : memref<!tpu.dma_semaphore, #tpu.memory_space<semaphore_mem>>) {add = true}
        %dma_wait3A_68 = arith.constant 0 : i32
        %dma_wait3A_69 = tpu.memref_slice %arg8[%run_scoped3A_60, %dma_wait3A_68] : memref<81x64xi32, #tpu.memory_space<vmem>> -> memref<1x64xi32, #tpu.memory_space<vmem>>
        %dma_wait3A_70 = tpu.memref_squeeze %dma_wait3A_69 : memref<1x64xi32, #tpu.memory_space<vmem>> -> memref<64xi32, #tpu.memory_space<vmem>>
        %dma_wait3A_71 = arith.constant 0 : i32
        %dma_wait3A_72 = arith.constant 0 : i32
        %dma_wait3A_73 = tpu.memref_slice %arg12[%dma_wait3A_71, %dma_wait3A_72] : memref<10112x128xf32, #tpu.memory_space<vmem_shared>> -> memref<10112x128xf32, #tpu.memory_space<vmem_shared>>
        tpu.wait_indirect_dma semaphore(%run_scoped3A_61 : memref<!tpu.dma_semaphore, #tpu.memory_space<semaphore_mem>>) src(%arg11 : memref<64x128xf32, #tpu.memory_space<vmem>>) dst(%dma_wait3A_73 : memref<10112x128xf32, #tpu.memory_space<vmem_shared>>)
        tpu.yield
      }) : () -> ()
    }
    %scan3A_4 = arith.constant 2 : i32
    %barrier3A_5 = arith.constant 0 : index
    tpu.barrier barrier_id(%barrier3A_5)
    %mul3A_6 = arith.constant 632 : i32
    %mul3A_7 = arith.muli %arg1, %mul3A_6 : i32
    %mul3A_8 = arith.constant 632 : i32
    %mul3A_9 = arith.muli %arg1, %mul3A_8 : i32
    "tpu.region"() ({
      %run_scoped3A = tpu.sem_alloc : memref<!tpu.dma_semaphore, #tpu.memory_space<semaphore_mem>>
      %dma_start3A = arith.constant 0 : i32
      %dma_start3A_10 = tpu.memref_slice %arg6[%arg0, %mul3A_9, %dma_start3A] : memref<2x10112x128xf32, #tpu.memory_space<hbm>> -> memref<1x632x128xf32, #tpu.memory_space<hbm>>
      %dma_start3A_11 = tpu.memref_squeeze %dma_start3A_10 : memref<1x632x128xf32, #tpu.memory_space<hbm>> -> memref<632x128xf32, #tpu.memory_space<hbm>>
      %dma_start3A_12 = arith.constant 0 : i32
      %dma_start3A_13 = tpu.memref_slice %arg12[%mul3A_7, %dma_start3A_12] : memref<10112x128xf32, #tpu.memory_space<vmem_shared>> -> memref<632x128xf32, #tpu.memory_space<vmem_shared>>
      tpu.enqueue_dma source(%dma_start3A_13 : memref<632x128xf32, #tpu.memory_space<vmem_shared>>) target(%dma_start3A_11 : memref<632x128xf32, #tpu.memory_space<hbm>>) target_semaphore(%run_scoped3A : memref<!tpu.dma_semaphore, #tpu.memory_space<semaphore_mem>>)
      %dma_wait3A = arith.constant 0 : i32
      %dma_wait3A_14 = tpu.memref_slice %arg6[%arg0, %mul3A_9, %dma_wait3A] : memref<2x10112x128xf32, #tpu.memory_space<hbm>> -> memref<1x632x128xf32, #tpu.memory_space<hbm>>
      %dma_wait3A_15 = tpu.memref_squeeze %dma_wait3A_14 : memref<1x632x128xf32, #tpu.memory_space<hbm>> -> memref<632x128xf32, #tpu.memory_space<hbm>>
      %dma_wait3A_16 = arith.constant 0 : i32
      %dma_wait3A_17 = tpu.memref_slice %arg12[%mul3A_7, %dma_wait3A_16] : memref<10112x128xf32, #tpu.memory_space<vmem_shared>> -> memref<632x128xf32, #tpu.memory_space<vmem_shared>>
      tpu.wait_dma2 semaphore(%run_scoped3A : memref<!tpu.dma_semaphore, #tpu.memory_space<semaphore_mem>>) src(%dma_wait3A_17 : memref<632x128xf32, #tpu.memory_space<vmem_shared>>) dst(%dma_wait3A_15 : memref<632x128xf32, #tpu.memory_space<hbm>>)
      tpu.yield
    }) : () -> ()
    return
  }
}

module attributes {stable_mosaic.version = 14 : i64} {
  func.func @_prep_body(%arg0: i32, %arg1: memref<1264x128xf32, #tpu.memory_space<vmem>>, %arg2: memref<1264x128xf32, #tpu.memory_space<vmem>>, %arg3: memref<1264x128xf32, #tpu.memory_space<vmem>>, %arg4: memref<1264x128xf32, #tpu.memory_space<vmem>>, %arg5: memref<1264x128xf32, #tpu.memory_space<vmem>>, %arg6: memref<1264x128xf32, #tpu.memory_space<vmem>>) attributes {dimension_semantics = [#tpu.dimension_semantics<arbitrary>], iteration_bounds = array<i64: 8>, scalar_prefetch = 0 : i64, scratch_operands = 0 : i64, tpu.core_type = #tpu.core_type<tc>, window_params = [{transform_indices = @transform_0, window_bounds = array<i64: 1264, 128>}, {transform_indices = @transform_1, window_bounds = array<i64: 1264, 128>}, {transform_indices = @transform_2, window_bounds = array<i64: 1264, 128>}, {transform_indices = @transform_3, window_bounds = array<i64: 1264, 128>}, {transform_indices = @transform_4, window_bounds = array<i64: 1264, 128>}, {transform_indices = @transform_5, window_bounds = array<i64: 1264, 128>}]} {
    %get3A = arith.constant 0 : index
    %get3A_0 = arith.constant 0 : index
    %get3A_1 = vector.load %arg1[%get3A, %get3A_0] : memref<1264x128xf32, #tpu.memory_space<vmem>>, vector<1264x128xf32>
    %max3A = arith.constant 1.000000e+00 : f32
    %max3A_2 = vector.broadcast %max3A : f32 to vector<1264x128xf32>
    %max3A_3 = arith.maximumf %get3A_1, %max3A_2 : vector<1264x128xf32>
    %rsqrt3A = math.rsqrt %max3A_3 : vector<1264x128xf32>
    %swap3A = arith.constant 0 : index
    %swap3A_4 = arith.constant 0 : index
    %swap3A_5 = vector.load %arg4[%swap3A, %swap3A_4] : memref<1264x128xf32, #tpu.memory_space<vmem>>, vector<1264x128xf32>
    tpu.vector_store %arg4[%swap3A, %swap3A_4], %rsqrt3A {strides = array<i32>} : memref<1264x128xf32, #tpu.memory_space<vmem>>, vector<1264x128xf32>,
    %get3A_6 = arith.constant 0 : index
    %get3A_7 = arith.constant 0 : index
    %get3A_8 = vector.load %arg2[%get3A_6, %get3A_7] : memref<1264x128xf32, #tpu.memory_space<vmem>>, vector<1264x128xf32>
    %max3A_9 = arith.constant 1.000000e+00 : f32
    %max3A_10 = vector.broadcast %max3A_9 : f32 to vector<1264x128xf32>
    %max3A_11 = arith.maximumf %get3A_8, %max3A_10 : vector<1264x128xf32>
    %rsqrt3A_12 = math.rsqrt %max3A_11 : vector<1264x128xf32>
    %swap3A_13 = arith.constant 0 : index
    %swap3A_14 = arith.constant 0 : index
    %swap3A_15 = vector.load %arg5[%swap3A_13, %swap3A_14] : memref<1264x128xf32, #tpu.memory_space<vmem>>, vector<1264x128xf32>
    tpu.vector_store %arg5[%swap3A_13, %swap3A_14], %rsqrt3A_12 {strides = array<i32>} : memref<1264x128xf32, #tpu.memory_space<vmem>>, vector<1264x128xf32>,
    %get3A_16 = arith.constant 0 : index
    %get3A_17 = arith.constant 0 : index
    %get3A_18 = vector.load %arg3[%get3A_16, %get3A_17] : memref<1264x128xf32, #tpu.memory_space<vmem>>, vector<1264x128xf32>
    %mul3A = arith.mulf %get3A_18, %rsqrt3A : vector<1264x128xf32>
    %swap3A_19 = arith.constant 0 : index
    %swap3A_20 = arith.constant 0 : index
    %swap3A_21 = vector.load %arg6[%swap3A_19, %swap3A_20] : memref<1264x128xf32, #tpu.memory_space<vmem>>, vector<1264x128xf32>
    tpu.vector_store %arg6[%swap3A_19, %swap3A_20], %mul3A {strides = array<i32>} : memref<1264x128xf32, #tpu.memory_space<vmem>>, vector<1264x128xf32>,
    return
  }
  func.func @transform_0(%arg0: i32) -> (i32, i32) {
    %c0_i32 = arith.constant 0 : i32
    %c0_i32_0 = arith.constant 0 : i32
    return %arg0, %c0_i32 : i32, i32
  }
  func.func @transform_1(%arg0: i32) -> (i32, i32) {
    %c0_i32 = arith.constant 0 : i32
    %c0_i32_0 = arith.constant 0 : i32
    return %arg0, %c0_i32 : i32, i32
  }
  func.func @transform_2(%arg0: i32) -> (i32, i32) {
    %c0_i32 = arith.constant 0 : i32
    %c0_i32_0 = arith.constant 0 : i32
    return %arg0, %c0_i32 : i32, i32
  }
  func.func @transform_3(%arg0: i32) -> (i32, i32) {
    %c0_i32 = arith.constant 0 : i32
    %c0_i32_0 = arith.constant 0 : i32
    return %arg0, %c0_i32 : i32, i32
  }
  func.func @transform_4(%arg0: i32) -> (i32, i32) {
    %c0_i32 = arith.constant 0 : i32
    %c0_i32_0 = arith.constant 0 : i32
    return %arg0, %c0_i32 : i32, i32
  }
  func.func @transform_5(%arg0: i32) -> (i32, i32) {
    %c0_i32 = arith.constant 0 : i32
    %c0_i32_0 = arith.constant 0 : i32
    return %arg0, %c0_i32 : i32, i32
  }
}

module attributes {stable_mosaic.version = 14 : i64} {
  func.func @_layer_body(%arg0: i32, %arg1: memref<2x1264x128xf32, #tpu.memory_space<vmem>>, %arg2: memref<1264x128xf32, #tpu.memory_space<vmem>>, %arg3: memref<1264x128xf32, #tpu.memory_space<vmem>>, %arg4: memref<1264x128xf32, #tpu.memory_space<vmem>>, %arg5: memref<128x128xf32, #tpu.memory_space<vmem>>, %arg6: memref<8x128xf32, #tpu.memory_space<vmem>>, %arg7: memref<1264x128xf32, #tpu.memory_space<vmem>>, %arg8: memref<1264x128xf32, #tpu.memory_space<vmem>>) attributes {dimension_semantics = [#tpu.dimension_semantics<arbitrary>], iteration_bounds = array<i64: 8>, scalar_prefetch = 0 : i64, scratch_operands = 0 : i64, tpu.core_type = #tpu.core_type<tc>, window_params = [{transform_indices = @transform_0, window_bounds = array<i64: 2, 1264, 128>}, {transform_indices = @transform_1, window_bounds = array<i64: 1264, 128>}, {transform_indices = @transform_2, window_bounds = array<i64: 1264, 128>}, {transform_indices = @transform_3, window_bounds = array<i64: 1264, 128>}, {pipeline_mode = #tpu.pipeline_mode<synchronous>, transform_indices = @transform_4, window_bounds = array<i64: 128, 128>}, {pipeline_mode = #tpu.pipeline_mode<synchronous>, transform_indices = @transform_5, window_bounds = array<i64: 8, 128>}, {transform_indices = @transform_6, window_bounds = array<i64: 1264, 128>}, {transform_indices = @transform_7, window_bounds = array<i64: 1264, 128>}]} {
    %get3A = arith.constant 0 : index
    %get3A_0 = arith.constant 0 : index
    %get3A_1 = arith.constant 0 : index
    %get3A_2 = vector.load %arg1[%get3A, %get3A_0, %get3A_1] : memref<2x1264x128xf32, #tpu.memory_space<vmem>>, vector<1x1264x128xf32>
    %get3A_3 = vector.shape_cast %get3A_2 : vector<1x1264x128xf32> to vector<1264x128xf32>
    %get3A_4 = arith.constant 1 : index
    %get3A_5 = arith.constant 0 : index
    %get3A_6 = arith.constant 0 : index
    %get3A_7 = vector.load %arg1[%get3A_4, %get3A_5, %get3A_6] : memref<2x1264x128xf32, #tpu.memory_space<vmem>>, vector<1x1264x128xf32>
    %get3A_8 = vector.shape_cast %get3A_7 : vector<1x1264x128xf32> to vector<1264x128xf32>
    %add3A = arith.addf %get3A_3, %get3A_8 : vector<1264x128xf32>
    %get3A_9 = arith.constant 0 : index
    %get3A_10 = arith.constant 0 : index
    %get3A_11 = vector.load %arg2[%get3A_9, %get3A_10] : memref<1264x128xf32, #tpu.memory_space<vmem>>, vector<1264x128xf32>
    %mul3A = arith.mulf %add3A, %get3A_11 : vector<1264x128xf32>
    %get3A_12 = arith.constant 0 : index
    %get3A_13 = arith.constant 0 : index
    %get3A_14 = vector.load %arg5[%get3A_12, %get3A_13] : memref<128x128xf32, #tpu.memory_space<vmem>>, vector<128x128xf32>
    %dot_general3A = arith.constant dense<0.000000e+00> : vector<1264x128xf32>
    %dot_general3A_15 = tpu.matmul %mul3A, %get3A_14, %dot_general3A {dimension_numbers = #tpu.dot_dimension_numbers<[1], [0], [0], [1], [0, 0, 1, 1], [], []>, transpose_lhs_hint = false} : vector<1264x128xf32>, vector<128x128xf32>, vector<1264x128xf32> -> vector<1264x128xf32>
    %get3A_16 = arith.constant 0 : index
    %get3A_17 = arith.constant 0 : index
    %get3A_18 = vector.load %arg6[%get3A_16, %get3A_17] : memref<8x128xf32, #tpu.memory_space<vmem>>, vector<1x128xf32>
    %get3A_19 = arith.constant 1 : index
    %get3A_20 = arith.constant 0 : index
    %get3A_21 = vector.load %arg6[%get3A_19, %get3A_20] : memref<8x128xf32, #tpu.memory_space<vmem>>, vector<1x128xf32>
    %get3A_22 = arith.constant 0 : index
    %get3A_23 = arith.constant 0 : index
    %get3A_24 = vector.load %arg3[%get3A_22, %get3A_23] : memref<1264x128xf32, #tpu.memory_space<vmem>>, vector<1264x128xf32>
    %add3A_25 = arith.addf %dot_general3A_15, %get3A_24 : vector<1264x128xf32>
    %mul3A_26 = vector.broadcast %get3A_18 : vector<1x128xf32> to vector<1264x128xf32>
    %mul3A_27 = arith.mulf %add3A_25, %mul3A_26 : vector<1264x128xf32>
    %add3A_28 = vector.broadcast %get3A_21 : vector<1x128xf32> to vector<1264x128xf32>
    %add3A_29 = arith.addf %mul3A_27, %add3A_28 : vector<1264x128xf32>
    %max3A = arith.constant 0.000000e+00 : f32
    %max3A_30 = vector.broadcast %max3A : f32 to vector<1264x128xf32>
    %max3A_31 = arith.maximumf %add3A_29, %max3A_30 : vector<1264x128xf32>
    %swap3A = arith.constant 0 : index
    %swap3A_32 = arith.constant 0 : index
    %swap3A_33 = vector.load %arg7[%swap3A, %swap3A_32] : memref<1264x128xf32, #tpu.memory_space<vmem>>, vector<1264x128xf32>
    tpu.vector_store %arg7[%swap3A, %swap3A_32], %max3A_31 {strides = array<i32>} : memref<1264x128xf32, #tpu.memory_space<vmem>>, vector<1264x128xf32>,
    %get3A_34 = arith.constant 0 : index
    %get3A_35 = arith.constant 0 : index
    %get3A_36 = vector.load %arg4[%get3A_34, %get3A_35] : memref<1264x128xf32, #tpu.memory_space<vmem>>, vector<1264x128xf32>
    %mul3A_37 = arith.mulf %max3A_31, %get3A_36 : vector<1264x128xf32>
    %swap3A_38 = arith.constant 0 : index
    %swap3A_39 = arith.constant 0 : index
    %swap3A_40 = vector.load %arg8[%swap3A_38, %swap3A_39] : memref<1264x128xf32, #tpu.memory_space<vmem>>, vector<1264x128xf32>
    tpu.vector_store %arg8[%swap3A_38, %swap3A_39], %mul3A_37 {strides = array<i32>} : memref<1264x128xf32, #tpu.memory_space<vmem>>, vector<1264x128xf32>,
    return
  }
  func.func @transform_0(%arg0: i32) -> (i32, i32, i32) {
    %c0_i32 = arith.constant 0 : i32
    %c0_i32_0 = arith.constant 0 : i32
    %c0_i32_1 = arith.constant 0 : i32
    return %c0_i32, %arg0, %c0_i32_0 : i32, i32, i32
  }
  func.func @transform_1(%arg0: i32) -> (i32, i32) {
    %c0_i32 = arith.constant 0 : i32
    %c0_i32_0 = arith.constant 0 : i32
    return %arg0, %c0_i32 : i32, i32
  }
  func.func @transform_2(%arg0: i32) -> (i32, i32) {
    %c0_i32 = arith.constant 0 : i32
    %c0_i32_0 = arith.constant 0 : i32
    return %arg0, %c0_i32 : i32, i32
  }
  func.func @transform_3(%arg0: i32) -> (i32, i32) {
    %c0_i32 = arith.constant 0 : i32
    %c0_i32_0 = arith.constant 0 : i32
    return %arg0, %c0_i32 : i32, i32
  }
  func.func @transform_4(%arg0: i32) -> (i32, i32) {
    %c0_i32 = arith.constant 0 : i32
    %c0_i32_0 = arith.constant 0 : i32
    %c0_i32_1 = arith.constant 0 : i32
    return %c0_i32, %c0_i32_0 : i32, i32
  }
  func.func @transform_5(%arg0: i32) -> (i32, i32) {
    %c0_i32 = arith.constant 0 : i32
    %c0_i32_0 = arith.constant 0 : i32
    %c0_i32_1 = arith.constant 0 : i32
    return %c0_i32, %c0_i32_0 : i32, i32
  }
  func.func @transform_6(%arg0: i32) -> (i32, i32) {
    %c0_i32 = arith.constant 0 : i32
    %c0_i32_0 = arith.constant 0 : i32
    return %arg0, %c0_i32 : i32, i32
  }
  func.func @transform_7(%arg0: i32) -> (i32, i32) {
    %c0_i32 = arith.constant 0 : i32
    %c0_i32_0 = arith.constant 0 : i32
    return %arg0, %c0_i32 : i32, i32
  }
}

module attributes {stable_mosaic.version = 14 : i64} {
  func.func @_layer_body(%arg0: i32, %arg1: memref<2x1264x128xf32, #tpu.memory_space<vmem>>, %arg2: memref<1264x128xf32, #tpu.memory_space<vmem>>, %arg3: memref<1264x128xf32, #tpu.memory_space<vmem>>, %arg4: memref<1264x128xf32, #tpu.memory_space<vmem>>, %arg5: memref<128x128xf32, #tpu.memory_space<vmem>>, %arg6: memref<8x128xf32, #tpu.memory_space<vmem>>, %arg7: memref<1264x128xf32, #tpu.memory_space<vmem>>) attributes {dimension_semantics = [#tpu.dimension_semantics<arbitrary>], iteration_bounds = array<i64: 8>, scalar_prefetch = 0 : i64, scratch_operands = 0 : i64, tpu.core_type = #tpu.core_type<tc>, window_params = [{transform_indices = @transform_0, window_bounds = array<i64: 2, 1264, 128>}, {transform_indices = @transform_1, window_bounds = array<i64: 1264, 128>}, {transform_indices = @transform_2, window_bounds = array<i64: 1264, 128>}, {transform_indices = @transform_3, window_bounds = array<i64: 1264, 128>}, {pipeline_mode = #tpu.pipeline_mode<synchronous>, transform_indices = @transform_4, window_bounds = array<i64: 128, 128>}, {pipeline_mode = #tpu.pipeline_mode<synchronous>, transform_indices = @transform_5, window_bounds = array<i64: 8, 128>}, {transform_indices = @transform_6, window_bounds = array<i64: 1264, 128>}]} {
    %get3A = arith.constant 0 : index
    %get3A_0 = arith.constant 0 : index
    %get3A_1 = arith.constant 0 : index
    %get3A_2 = vector.load %arg1[%get3A, %get3A_0, %get3A_1] : memref<2x1264x128xf32, #tpu.memory_space<vmem>>, vector<1x1264x128xf32>
    %get3A_3 = vector.shape_cast %get3A_2 : vector<1x1264x128xf32> to vector<1264x128xf32>
    %get3A_4 = arith.constant 1 : index
    %get3A_5 = arith.constant 0 : index
    %get3A_6 = arith.constant 0 : index
    %get3A_7 = vector.load %arg1[%get3A_4, %get3A_5, %get3A_6] : memref<2x1264x128xf32, #tpu.memory_space<vmem>>, vector<1x1264x128xf32>
    %get3A_8 = vector.shape_cast %get3A_7 : vector<1x1264x128xf32> to vector<1264x128xf32>
    %add3A = arith.addf %get3A_3, %get3A_8 : vector<1264x128xf32>
    %get3A_9 = arith.constant 0 : index
    %get3A_10 = arith.constant 0 : index
    %get3A_11 = vector.load %arg2[%get3A_9, %get3A_10] : memref<1264x128xf32, #tpu.memory_space<vmem>>, vector<1264x128xf32>
    %mul3A = arith.mulf %add3A, %get3A_11 : vector<1264x128xf32>
    %get3A_12 = arith.constant 0 : index
    %get3A_13 = arith.constant 0 : index
    %get3A_14 = vector.load %arg5[%get3A_12, %get3A_13] : memref<128x128xf32, #tpu.memory_space<vmem>>, vector<128x128xf32>
    %dot_general3A = arith.constant dense<0.000000e+00> : vector<1264x128xf32>
    %dot_general3A_15 = tpu.matmul %mul3A, %get3A_14, %dot_general3A {dimension_numbers = #tpu.dot_dimension_numbers<[1], [0], [0], [1], [0, 0, 1, 1], [], []>, transpose_lhs_hint = false} : vector<1264x128xf32>, vector<128x128xf32>, vector<1264x128xf32> -> vector<1264x128xf32>
    %get3A_16 = arith.constant 0 : index
    %get3A_17 = arith.constant 0 : index
    %get3A_18 = vector.load %arg6[%get3A_16, %get3A_17] : memref<8x128xf32, #tpu.memory_space<vmem>>, vector<1x128xf32>
    %get3A_19 = arith.constant 1 : index
    %get3A_20 = arith.constant 0 : index
    %get3A_21 = vector.load %arg6[%get3A_19, %get3A_20] : memref<8x128xf32, #tpu.memory_space<vmem>>, vector<1x128xf32>
    %get3A_22 = arith.constant 0 : index
    %get3A_23 = arith.constant 0 : index
    %get3A_24 = vector.load %arg3[%get3A_22, %get3A_23] : memref<1264x128xf32, #tpu.memory_space<vmem>>, vector<1264x128xf32>
    %add3A_25 = arith.addf %dot_general3A_15, %get3A_24 : vector<1264x128xf32>
    %mul3A_26 = vector.broadcast %get3A_18 : vector<1x128xf32> to vector<1264x128xf32>
    %mul3A_27 = arith.mulf %add3A_25, %mul3A_26 : vector<1264x128xf32>
    %add3A_28 = vector.broadcast %get3A_21 : vector<1x128xf32> to vector<1264x128xf32>
    %add3A_29 = arith.addf %mul3A_27, %add3A_28 : vector<1264x128xf32>
    %swap3A = arith.constant 0 : index
    %swap3A_30 = arith.constant 0 : index
    %swap3A_31 = vector.load %arg7[%swap3A, %swap3A_30] : memref<1264x128xf32, #tpu.memory_space<vmem>>, vector<1264x128xf32>
    tpu.vector_store %arg7[%swap3A, %swap3A_30], %add3A_29 {strides = array<i32>} : memref<1264x128xf32, #tpu.memory_space<vmem>>, vector<1264x128xf32>,
    return
  }
  func.func @transform_0(%arg0: i32) -> (i32, i32, i32) {
    %c0_i32 = arith.constant 0 : i32
    %c0_i32_0 = arith.constant 0 : i32
    %c0_i32_1 = arith.constant 0 : i32
    return %c0_i32, %arg0, %c0_i32_0 : i32, i32, i32
  }
  func.func @transform_1(%arg0: i32) -> (i32, i32) {
    %c0_i32 = arith.constant 0 : i32
    %c0_i32_0 = arith.constant 0 : i32
    return %arg0, %c0_i32 : i32, i32
  }
  func.func @transform_2(%arg0: i32) -> (i32, i32) {
    %c0_i32 = arith.constant 0 : i32
    %c0_i32_0 = arith.constant 0 : i32
    return %arg0, %c0_i32 : i32, i32
  }
  func.func @transform_3(%arg0: i32) -> (i32, i32) {
    %c0_i32 = arith.constant 0 : i32
    %c0_i32_0 = arith.constant 0 : i32
    return %arg0, %c0_i32 : i32, i32
  }
  func.func @transform_4(%arg0: i32) -> (i32, i32) {
    %c0_i32 = arith.constant 0 : i32
    %c0_i32_0 = arith.constant 0 : i32
    %c0_i32_1 = arith.constant 0 : i32
    return %c0_i32, %c0_i32_0 : i32, i32
  }
  func.func @transform_5(%arg0: i32) -> (i32, i32) {
    %c0_i32 = arith.constant 0 : i32
    %c0_i32_0 = arith.constant 0 : i32
    %c0_i32_1 = arith.constant 0 : i32
    return %c0_i32, %c0_i32_0 : i32, i32
  }
  func.func @transform_6(%arg0: i32) -> (i32, i32) {
    %c0_i32 = arith.constant 0 : i32
    %c0_i32_0 = arith.constant 0 : i32
    return %arg0, %c0_i32 : i32, i32
  }
}

</mosaic_0001>

<sc_bundles>
// kernel: kernel.10.cloned.1.call-start
scs
__scs_entry_jumppad:
0x0: {  	(pc) =	sbr.rel $0x88, $3  }
0x1: {  	(tag) =	ssettag $0x0;
	lr =	simm.s32 $0x1  }
0x2: {  	[smem:$0x3F95] =	sst lr;
	_ =	strace $0xD0000000  }
0x3: {  	_ = 	snop  }
0x4: {  	_ = 	snop  }
0x5: {  	_ = 	snop  }
0x6: {  	_ = 	snop  }
0x7: {  	_ = 	snop  }
__scs_overlays_trampoline_lowered:
0x8: {  	[smem:$0x3FA4] =	sst s0  }
0x9: {  	[smem:$0x3FA5] =	sst s1  }
0xa: {  	[smem:$0x3FA6] =	sst s2  }
0xb: {  	[smem:$0x3FA7] =	sst s3  }
0xc: {  	[smem:$0x3FA8] =	sst s4  }
0xd: {  	[smem:$0x3FA9] =	sst s5  }
0xe: {  	[smem:$0x3FAA] =	sst s6  }
0xf: {  	[smem:$0x3FAB] =	sst s7  }
0x10: {  	[smem:$0x3FAC] =	sst s8  }
0x11: {  	[smem:$0x3FAD] =	sst s9;
	s0 =	simm.s32 @!p0 $0x0  }
0x12: {  	s1 =	sld [smem:$0x3F93];
	s0 =	simm.s32 @p0 $0x1  }
0x13: {  	[smem:$0x3FAE] =	sst s0;
	s0 =	simm.s32 @!p1 $0x0  }
0x14: {  	s2 =	sld [smem:$0x3F92];
	s0 =	simm.s32 @p1 $0x1  }
0x15: {  	[smem:$0x3FAF] =	sst s0;
	s0 =	simm.s32 @!p2 $0x0  }
0x16: {  	s3 =	sld [smem:$0x3FDB];
	s0 =	simm.s32 @p2 $0x1  }
0x17: {  	s4 =	simm.s32 $0x1BF5;
	[smem:$0x3FB1] =	sst s0  }
0x18: {  	s0 =	sld [smem:$0x3F94];
	_ =	swait.ge [sflag:s4], $0x0  }
0x19: {  	s7 =	sld [smem:$0x3F95]  }
0x1a: {  	s8 =	sadd.s32 $0xFFFFE003, lr  }
0x1b: {  	s9 =	sadd.s32 $0xFFFFFEF7, lr;
	s5 =	simm.s32 $0xFFFFFFFF;
	p2 =	slt.u32 s8, $0xFFFFF086  }
0x1c: {  	p1 =	slt.u32 s9, $0xF7A;
	s5 =	simm.s32 @!p2 $0x0  }
0x1d: {  	s5 =	simm.s32 @p1 $0x1;
	p0 =	seq.s32 s7, s2  }
0x1e: {  	s7 =	smul.u32 @!p0 $0xF7A, s2;
	p2 =	seq.s32 @!p0 s5, $0x0  }
0x1f: {  	s9 =	smul.u32 $0xF7A, s1;
	s8 =	simm.s32 @!p0 $0x1BF5;
	p2 =	por !p2, p0  }
0x20: {  	[sflag:s8] =	ssyncset.s32 @!p0 $0xFFFFF086;
	s6 =	sadd.s32 @!p0 s3, s7;
	s7 =	simm.s32 @!p0 $0x108  }
0x21: {  	s3 =	sadd.s32 s3, s9;
	s6 =	sadd.s32 @!p0 $0x88, s6;
	s7 =	simm.s32 @p2 $0x1082  }
0x22: {  	[simem:s7], [sflag:s8] =	dma.local @!p0 [hbm:s6], $0xF7A  }
0x23: {  	s9 =	sor.u32 $0xD0000000, s2;
	s6 =	simm.s32 $0x108;
	_ =	swait.ge @!p0 [sflag:s8], $0x0  }
0x24: {  	s3 =	sadd.s32 $0x88, s3;
	s6 =	simm.s32 @!p1 $0x1082;
	[sflag:s4] =	ssyncset.s32 $0xFFFFF086  }
0x25: {  	[simem:s6], [sflag:s4] =	dma.local [hbm:s3], $0xF7A  }
0x26: {  	[smem:$0x3F95] =	sst s1;
	(tag) =	ssettag s2;
	_ =	strace s9  }
0x27: {  	s1 =	sld [smem:$0x3FA5]  }
0x28: {  	s2 =	sld [smem:$0x3FA6]  }
0x29: {  	s4 =	sld [smem:$0x3FA8]  }
0x2a: {  	p0 =	seq.s32 s5, $0x0;
	s5 =	sld [smem:$0x3FA9]  }
0x2b: {  	s6 =	sld [smem:$0x3FAA]  }
0x2c: {  	s7 =	sld [smem:$0x3FAB]  }
0x2d: {  	s3 =	simm.s32 $0x108;
	s8 =	sld [smem:$0x3FAC]  }
0x2e: {  	s3 =	simm.s32 @!p0 $0x1082;
	s9 =	sld [smem:$0x3FAD]  }
0x2f: {  	lr =	sadd.s32 s0, s3;
	s0 =	sld [smem:$0x3FA4]  }
0x30: {  	s3 =	sld [smem:$0x3FA7]  }
0x31: {  	[smem:$0x3FB0] =	sst s10  }
0x32: {  	s10 =	sld [smem:$0x3FAE];
	_ =	sdelay $0x3  }
0x33: {  	p0 =	seq.s32 s10, $0x1;
	s10 =	sld [smem:$0x3FB0];
	_ =	sdelay $0x3  }
0x34: {  	[smem:$0x3FB0] =	sst s10  }
0x35: {  	s10 =	sld [smem:$0x3FAF];
	_ =	sdelay $0x3  }
0x36: {  	p1 =	seq.s32 s10, $0x1;
	s10 =	sld [smem:$0x3FB0];
	_ =	sdelay $0x3  }
0x37: {  	[smem:$0x3FB0] =	sst s10  }
0x38: {  	s10 =	sld [smem:$0x3FB1]  }
0x39: {  	_ = 	snop;
	(pc) =	sbr.ind lr, $3  }
0x3a: {  	_ = 	snop  }
0x3b: {  	_ = 	snop  }
0x3c: {  	p2 =	seq.s32 s10, $0x1;
	s10 =	sld [smem:$0x3FB0]  }
0x3d: {  	_ =	shalt  }
0x3e: {  	_ =	shalt  }
0x3f: {  	_ =	shalt  }
0x40: {  	_ =	shalt  }
0x41: {  	_ =	shalt  }
0x42: {  	_ =	shalt  }
0x43: {  	_ =	shalt  }
0x44: {  	_ =	shalt  }
0x45: {  	_ =	shalt  }
0x46: {  	_ =	shalt  }
0x47: {  	_ =	shalt  }
0x48: {  	_ =	shalt  }
0x49: {  	_ =	shalt  }
0x4a: {  	_ =	shalt  }
0x4b: {  	_ =	shalt  }
0x4c: {  	_ =	shalt  }
0x4d: {  	_ =	shalt  }
0x4e: {  	_ =	shalt  }
0x4f: {  	_ =	shalt  }
0x50: {  	_ =	shalt  }
0x51: {  	_ =	shalt  }
0x52: {  	_ =	shalt  }
0x53: {  	_ =	shalt  }
0x54: {  	_ =	shalt  }
0x55: {  	_ =	shalt  }
0x56: {  	_ =	shalt  }
0x57: {  	_ =	shalt  }
0x58: {  	_ =	shalt  }
0x59: {  	_ =	shalt  }
0x5a: {  	_ =	shalt  }
0x5b: {  	_ =	shalt  }
0x5c: {  	_ =	shalt  }
0x5d: {  	_ =	shalt  }
0x5e: {  	_ =	shalt  }
0x5f: {  	_ =	shalt  }
0x60: {  	_ =	shalt  }
0x61: {  	_ =	shalt  }
0x62: {  	_ =	shalt  }
0x63: {  	_ =	shalt  }
0x64: {  	_ =	shalt  }
0x65: {  	_ =	shalt  }
0x66: {  	_ =	shalt  }
0x67: {  	_ =	shalt  }
0x68: {  	_ =	shalt  }
0x69: {  	_ =	shalt  }
0x6a: {  	_ =	shalt  }
0x6b: {  	_ =	shalt  }
0x6c: {  	_ =	shalt  }
0x6d: {  	_ =	shalt  }
0x6e: {  	_ =	shalt  }
0x6f: {  	_ =	shalt  }
0x70: {  	_ =	shalt  }
0x71: {  	_ =	shalt  }
0x72: {  	_ =	shalt  }
0x73: {  	_ =	shalt  }
0x74: {  	_ =	shalt  }
0x75: {  	_ =	shalt  }
0x76: {  	_ =	shalt  }
0x77: {  	_ =	shalt  }
0x78: {  	_ =	shalt  }
0x79: {  	_ =	shalt  }
0x7a: {  	_ =	shalt  }
0x7b: {  	_ =	shalt  }
0x7c: {  	_ =	shalt  }
0x7d: {  	_ =	shalt  }
0x7e: {  	_ =	shalt  }
0x7f: {  	_ =	shalt  }
0x80: {  	_ =	shalt  }
0x81: {  	_ =	shalt  }
0x82: {  	_ =	shalt  }
0x83: {  	_ =	shalt  }
0x84: {  	_ =	shalt  }
0x85: {  	_ =	shalt  }
0x86: {  	_ =	shalt  }
0x87: {  	_ =	shalt  }
.Lfunc_end0:
.L_simem_size_0:
called_computation_lowered:
.L_overlay_start_0:
0x88: {  	s2 =	sld [smem:$0x3FD9]  }
0x89: {  	s3 =	sld [smem:$0x3FFE];
	_ =	sdelay $0x1  }
0x8a: {  	s1 =	srdreg.scid  }
0x8b: {  	s0 =	sand.u32 $0x1, s1  }
0x8c: {  	s16 =	sshll.u32 s0, $0xA;
	s2 =	sadd.s32 s3, s2  }
0x8d: {  	s2 =	sadd.s32 s2, s16  }
0x8e: {  	[smem:$0x3FBC] =	sst s2  }
0x8f: {  	_ = 	snop  }
0x90: {  	(tm) =	ssettm $0x1  }
0x91: {  	s17 =	sld [smem:$0x3FFB];
	_ =	sdelay $0x3  }
0x92: {  	_ =	strace s17  }
0x93: {  	s2 =	sld [smem:$0x3FFC];
	_ =	sdelay $0x3  }
0x94: {  	_ =	strace s2  }
0x95: {  	s2 =	sld [smem:$0x3FFD];
	_ =	sdelay $0x3  }
0x96: {  	_ =	strace s2  }
0x97: {  	_ =	strace $0x8FFFFFFF  }
0x98: {  	s18 =	sld [smem:$0x3FDB];
	_ =	sdelay $0x1  }
0x99: {  	s19 =	simm.s32 $_scs_section_size  }
0x9a: {  	s4 =	simm.s32 $_size__tile_overlayer_lowered;
	s5 =	simm.s32 $_tile_overlayer_lowered  }
0x9b: {  	s22 =	simm.s32 $0x1BFF;
	s21 =	sshll.u32 s5, $0x1;
	s2 =	sadd.s32 s19, s18  }
0x9c: {  	s6 =	simm.s32 $0x0;
	s20 =	sshll.u32 s4, $0x1;
	s4 =	sadd.s32 s21, s2  }
0x9d: {  	[timem:s6], [sflag:s22] =	dma.local [hbm:s4], s20  }
0x9e: {  	_ =	swait.ge [sflag:s22], s20  }
0x9f: {  	s3 =	ssub.s32 $0x0, s20;
	[sflag:s22] =	ssyncset.done $0x0  }
0xa0: {  	[sflag:s22] =	ssyncadd.s32 s3;
	_ =	sdelay $0x1  }
0xa1: {  	s23 =	simm.s32 $0x1B8B  }
0xa2: {  	_ =	swait.ge [sflag:s23], $0x1  }
0xa3: {  	[sflag:s23] =	ssyncset.done $0x0  }
0xa4: {  	s25 =	simm.s32 $0x1B8E;
	s24 =	sld [smem:$0x3FFE];
	[sflag:s23] =	ssyncadd.s32 $0xFFFFFFFF  }
0xa5: {  	s26 =	simm.s32 $execute0_lowered;
	[smem:$0x3FD2] =	sst s25  }
0xa6: {  	s4 =	sshll.u32 s26, $0x1;
	_ =	strace $0x80000046;
	[dreg:$0x1] =	wrdreg $0xFFFFFFFF  }
0xa7: {  	s28 =	simm.s32 $_size_execute0_lowered;
	s2 =	sadd.s32 s2, s4;
	[dreg:$0x0] =	wrdreg $0x0  }
0xa8: {  	s4 =	sshll.u32 s28, $0x1;
	[dreg:$0x2] =	wrdreg s2  }
0xa9: {  	[dreg:$0x3] =	wrdreg s4  }
0xaa: {  	[dreg:$0x4] =	wrdreg $0xC0  }
0xab: {  	_ =	task [dreg:s6], $0x5FFFF  }
0xac: {  	[dreg:$0x1] =	wrdreg $0xFFFFFFFF  }
0xad: {  	[dreg:$0x0] =	wrdreg $0x60  }
0xae: {  	[dreg:$0x2] =	wrdreg s24  }
0xaf: {  	[dreg:$0x3] =	wrdreg $0x94000  }
0xb0: {  	[dreg:$0x4] =	wrdreg $0x9  }
0xb1: {  	_ =	task.clear_ibuf [dreg:s6], $0x5FFFF;
	_ =	strace $0x90000046  }
0xb2: {  	s29 =	simm.s32 $0x9;
	_ =	strace $0x80000048  }
0xb3: {  	_ =	swait.ge [sflag:s29], $0x1  }
0xb4: {  	[sflag:s29] =	ssyncadd.s32 $0xFFFFFFFF  }
0xb5: {  	_ =	strace $0x90000048  }
0xb6: {  	_ =	sfence  }
0xb7: {  	s30 =	sld [smem:$0x0];
	_ =	sdelay $0x2  }
0xb8: {  	s31 =	sshll.u32 s1, $0xD;
	s1 =	sshrl.u32 s1, $0x2  }
0xb9: {  	s3 =	sand.u32 $0x4000, s31;
	s1 =	sadd.s32 s1, s30  }
0xba: {  	s0 =	sor.u32 s3, s0;
	s1 =	sshll.u32 s1, $0x11  }
0xbb: {  	s0 =	sor.u32 s1, s0  }
0xbc: {  	s0 =	sadd.s32 $0x8F2B, s0  }
0xbd: {  	[sflag:s0] =	ssyncadd.remote.s32 $0x1  }
0xbe: {  	_ =	sfence.sel $0xFFFF  }
0xbf: {  	[dreg:$0x0] =	wrdreg $0xFFFFFFFF;
	(pc) =	sbr.abs _section_cstart, $3  }
0xc0: {  	[dreg:$0x1] =	wrdreg $0xFFFFFFFF  }
0xc1: {  	_ =	task.clear_ibuf [dreg:s6], $0x2FFFF;
	_ =	strace $0x9FFFFFFF  }
0xc2: {  	(tm) =	ssettm $0x7FFFFFFF  }
0xc3: {  	_ =	shalt  }
tec
execute0_lowered:
.L_overlay_start_1:
0x0: {  	(tag) =	ssettag $0x1  }
0x1: {  	s6 =	rddreg [dreg:$0x0]  }
0x2: {  	s0 =	srdreg.scid;
	s2 =	rddreg [dreg:$0x1]  }
0x3: {  	s1 =	rddreg [dreg:$0x2];
	s7 =	sand.u32 $0x1, s0  }
0x4: {  	s3 =	simm.s32 $0x0;
	s0 =	stileid.u32;
	s4 =	smul.u32 $0x54000, s7  }
0x5: {  	s13 =	simm.s32 $0x80;
	s14 =	simm.s32 $0x100;
	s5 =	smul.u32 $0x5400, s0  }
0x6: {  	s15 =	simm.s32 $0x1;
	s16 =	simm.s32 $0x2;
	s8 =	smul.u32 $0x13C000, s7  }
0x7: {  	s17 =	simm.s32 $0x3;
	s18 =	simm.s32 $0x0;
	s30 =	smul.u32 $0x13C00, s0  }
0x8: {  	[smem:$0x7FF] =	sst s3;
	s10 =	smul.u32 $0x4F000, s0;
	s31 =	ssub.s32 $0x2, s7  }
0x9: {  	_ =	strace $0x80000047;
	s11 =	sshll.u32 s0, $0x6;
	s7 =	sshrl.u32 s31, $0x1  }
0xa: {  	s4 =	sadd.s32 s5, s4;
	s5 =	sadd.s32 s30, s8;
	s10 =	sshrl.u32 s10, $0x2  }
0xb: {  	s12 =	ssub.s32 s31, s7;
	s4 =	sshrl.u32 s4, $0x3;
	s8 =	sshrl.u32 s5, $0x3  }
0xc: {  	s5 =	sadd.s32 $0x1C200, s6;
	s10 =	sadd.s32 s10, s2;
	s9 =	sadd.s32 s4, s6  }
0xd: {  	s4 =	sadd.s32 $0x19A00, s6;
	s8 =	sadd.s32 s8, s6;
	s6 =	sor.u32 $0x1C04, s11  }
0xe: {  	s10 =	sshrl.u32 s10, $0x3;
	s11 =	simm.s32 $0x4;
	s7 =	sadd.s32 $0x4A00, s9  }
0xf: {  	s8 =	sadd.s32 $0x1CA00, s8;
	s9 =	smax.u32 s12, $0x1;
	s12 =	simm.s32 $0x5400  }
.LBB2_1:
0x10: {  	[spmem:s10], [sflag:s6] =	dma.local [hbm:s4], $0x2780  }
0x11: {  	_ =	swait.ge [sflag:s11], $0x2780  }
0x12: {  	[sflag:s11] =	ssyncset.done $0x0  }
0x13: {  	[sflag:s11] =	ssyncadd.s32 $0xFFFFD880  }
0x14: {  	[tilespmem:s3], [sflag:$0x4] =	stream.linear.gather [hbm4b:s7+s3], $0x5100, $0x38;
	[tilespmem:$0x1D000] =	vst v63  }
0x15: {  	_ =	swait.ge [sflag:s11], $0x5100  }
0x16: {  	[sflag:s11] =	ssyncset.done $0x0  }
0x17: {  	[sflag:s11] =	ssyncadd.s32 $0xFFFFAF00  }
0x18: {  	[tilespmem:s12], [sflag:$0x4] =	stream.linear.gather [hbm4b:s5+s3], $0x4000, $0x38;
	[tilespmem:$0x1D000] =	vst v63  }
0x19: {  	_ =	swait.ge [sflag:s11], $0x4000  }
0x1a: {  	[sflag:s11] =	ssyncset.done $0x0  }
0x1b: {  	[sflag:s11] =	ssyncadd.s32 $0xFFFFC000  }
0x1c: {  	[bflag:$0x0] =	sbarrier.arrive $0xFFFF  }
0x1d: {  	[spmem:s2] =	stream.indirect.scatter.add.f32 [tilespmem:s12], [sflag:$0x1], $0x80, s3, s13, $0xb8;
	[tilespmem:$0x1D000] =	vst v63  }
0x1e: {  	_ = 	snop  }
0x1f: {  	[spmem:s2] =	stream.indirect.scatter.add.f32 [tilespmem:s12], [sflag:$0x2], $0x80, s13, s13, $0xb8;
	[tilespmem:$0x1D000] =	vst v63  }
0x20: {  	_ = 	snop  }
0x21: {  	[spmem:s2] =	stream.indirect.scatter.add.f32 [tilespmem:s12], [sflag:$0x3], $0x80, s14, s13, $0xb8;
	[tilespmem:$0x1D000] =	vst v63  }
0x22: {  	_ =	swait.ge [sflag:s15], $0x4000  }
0x23: {  	[sflag:s15] =	ssyncset.done $0x0  }
0x24: {  	s19 =	simm.s32 $0x180;
	[sflag:s15] =	ssyncadd.s32 $0xFFFFC000  }
0x25: {  	[spmem:s2] =	stream.indirect.scatter.add.f32 [tilespmem:s12], [sflag:$0x1], $0x80, s19, s13, $0xb8;
	[tilespmem:$0x1D000] =	vst v63  }
0x26: {  	_ =	swait.ge [sflag:s16], $0x4000  }
0x27: {  	[sflag:s16] =	ssyncset.done $0x0  }
0x28: {  	s31 =	simm.s32 $0x200;
	[sflag:s16] =	ssyncadd.s32 $0xFFFFC000  }
0x29: {  	[spmem:s2] =	stream.indirect.scatter.add.f32 [tilespmem:s12], [sflag:$0x2], $0x80, s31, s13, $0xb8;
	[tilespmem:$0x1D000] =	vst v63  }
0x2a: {  	_ =	swait.ge [sflag:s17], $0x4000  }
0x2b: {  	[sflag:s17] =	ssyncset.done $0x0  }
0x2c: {  	s20 =	simm.s32 $0x280;
	s19 =	simm.s32 $0xFFFEC800;
	[sflag:s17] =	ssyncadd.s32 $0xFFFFC000  }
.LBB2_2:
0x2d: {  	[spmem:s2] =	stream.indirect.scatter.add.f32 [tilespmem:s12], [sflag:$0x3], $0x80, s20, s13, $0xb8;
	[tilespmem:$0x1D000] =	vst v63  }
0x2e: {  	s20 =	smov.u32 s19  }
0x2f: {  	p0 =	sne.s32 s19, $0xFFFFFA00;
	s19 =	sadd.s32 $0x600, s19;
	_ =	swait.ge [sflag:s15], $0x4000  }
0x30: {  	s20 =	sshra.s32 s20, $0x2;
	[sflag:s15] =	ssyncset.done $0x0  }
0x31: {  	s21 =	sadd.s32 $0x5100, s20;
	[sflag:s15] =	ssyncadd.s32 $0xFFFFC000  }
0x32: {  	[spmem:s2] =	stream.indirect.scatter.add.f32 [tilespmem:s12], [sflag:$0x1], $0x80, s21, s13, $0xb8;
	[tilespmem:$0x1D000] =	vst v63  }
0x33: {  	_ =	swait.ge [sflag:s16], $0x4000  }
0x34: {  	[sflag:s16] =	ssyncset.done $0x0  }
.Ltmp0:
0x35: {  	s21 =	sadd.s32 $0x5180, s20;
	[sflag:s16] =	ssyncadd.s32 $0xFFFFC000;
	(pc) =	sbr.rel @p0 .LBB2_2-.Ltmp0, $4  }
0x36: {  	[spmem:s2] =	stream.indirect.scatter.add.f32 [tilespmem:s12], [sflag:$0x2], $0x80, s21, s13, $0xb8;
	[tilespmem:$0x1D000] =	vst v63  }
0x37: {  	_ =	swait.ge [sflag:s17], $0x4000  }
0x38: {  	[sflag:s17] =	ssyncset.done $0x0  }
0x39: {  	s20 =	sadd.s32 $0x5200, s20;
	[sflag:s17] =	ssyncadd.s32 $0xFFFFC000  }
0x3a: {  	[spmem:s2] =	stream.indirect.scatter.add.f32 [tilespmem:s12], [sflag:$0x3], $0x80, s20, s13, $0xb8;
	[tilespmem:$0x1D000] =	vst v63  }
0x3b: {  	_ =	swait.ge [sflag:s15], $0x4000  }
0x3c: {  	[sflag:s15] =	ssyncset.done $0x0  }
0x3d: {  	[sflag:s15] =	ssyncadd.s32 $0xFFFFC000  }
0x3e: {  	_ =	swait.ge [sflag:s16], $0x4000  }
0x3f: {  	[sflag:s16] =	ssyncset.done $0x0  }
0x40: {  	[sflag:s16] =	ssyncadd.s32 $0xFFFFC000  }
0x41: {  	_ =	swait.ge [sflag:s17], $0x4000  }
0x42: {  	s18 =	sadd.s32 $0x1, s18;
	[sflag:s17] =	ssyncset.done $0x0  }
0x43: {  	p0 =	sne.s32 s18, s9;
	[sflag:s17] =	ssyncadd.s32 $0xFFFFC000  }
.Ltmp1:
0x44: {  	[bflag:$0x0] =	sbarrier.arrive $0xFFFF;
	(pc) =	sbr.rel @p0 .LBB2_1-.Ltmp1, $4  }
0x45: {  	[hbm:s8], [sflag:s6] =	dma.local [spmem:s10], $0x2780  }
0x46: {  	_ =	swait.ge [sflag:s11], $0x2780  }
0x47: {  	[sflag:s11] =	ssyncset.done $0x0  }
0x48: {  	[sflag:s11] =	ssyncadd.s32 $0xFFFFD880  }
0x49: {  	_ =	sfence.sel $0x180000  }
0x4a: {  	[bflag:$0x0] =	sbarrier.arrive $0xFFFF  }
0x4b: {  	p0 =	sne.s32 s0, $0x0;
	_ =	strace $0x90000047  }
0x4c: {  	s0 =	sadd.s32 @!p0 $0x100000, s1;
	[bflag:$0x2] =	sbarrier.arrive $0xFFFF  }
0x4d: {  	[sflag:s0] =	ssyncadd.tile.s32 @!p0 $0x1;
	_ =	shalt  }
.Lfunc_end2:
_tile_overlayer_lowered:
.L_overlay_start_2:
0x4e: {  	(tag) =	ssettag $0x2  }
0x4f: {  	s0 =	rddreg [dreg:$0x0];
	s2 =	stileid.u32  }
0x50: {  	s1 =	rddreg [dreg:$0x1];
	p0 =	sne.s32 s2, $0x0  }
0x51: {  	s3 =	rddreg [dreg:$0x2];
	[bflag:$0x3] =	sbarrier.arrive $0xFFFF;
	s2 =	simm.s32 @!p0 $0x1C04  }
0x52: {  	[timem:s3], [sflag:s2] =	dma.local @!p0 [hbm:s0], s1  }
0x53: {  	s0 =	simm.s32 @!p0 $0x4  }
0x54: {  	_ =	swait.ge @!p0 [sflag:s0], s1  }
0x55: {  	s1 =	ssub.s32 @!p0 $0x0, s1;
	[sflag:s0] =	ssyncset.done @!p0 $0x0  }
0x56: {  	[sflag:s0] =	ssyncadd.s32 @!p0 s1  }
0x57: {  	[bflag:$0x3] =	sbarrier.arrive $0xFFFF  }
0x58: {  	_ =	shalt  }

// kernel: kernel.13.cloned.1.call-start
scs
__scs_entry_jumppad:
0x0: {  	(pc) =	sbr.rel $0x88, $3  }
0x1: {  	(tag) =	ssettag $0x0;
	lr =	simm.s32 $0x1  }
0x2: {  	[smem:$0x3F95] =	sst lr;
	_ =	strace $0xD0000000  }
0x3: {  	_ = 	snop  }
0x4: {  	_ = 	snop  }
0x5: {  	_ = 	snop  }
0x6: {  	_ = 	snop  }
0x7: {  	_ = 	snop  }
__scs_overlays_trampoline_lowered:
0x8: {  	[smem:$0x3FA4] =	sst s0  }
0x9: {  	[smem:$0x3FA5] =	sst s1  }
0xa: {  	[smem:$0x3FA6] =	sst s2  }
0xb: {  	[smem:$0x3FA7] =	sst s3  }
0xc: {  	[smem:$0x3FA8] =	sst s4  }
0xd: {  	[smem:$0x3FA9] =	sst s5  }
0xe: {  	[smem:$0x3FAA] =	sst s6  }
0xf: {  	[smem:$0x3FAB] =	sst s7  }
0x10: {  	[smem:$0x3FAC] =	sst s8  }
0x11: {  	[smem:$0x3FAD] =	sst s9;
	s0 =	simm.s32 @!p0 $0x0  }
0x12: {  	s1 =	sld [smem:$0x3F93];
	s0 =	simm.s32 @p0 $0x1  }
0x13: {  	[smem:$0x3FAE] =	sst s0;
	s0 =	simm.s32 @!p1 $0x0  }
0x14: {  	s2 =	sld [smem:$0x3F92];
	s0 =	simm.s32 @p1 $0x1  }
0x15: {  	[smem:$0x3FAF] =	sst s0;
	s0 =	simm.s32 @!p2 $0x0  }
0x16: {  	s3 =	sld [smem:$0x3FDB];
	s0 =	simm.s32 @p2 $0x1  }
0x17: {  	s4 =	simm.s32 $0x1BF5;
	[smem:$0x3FB1] =	sst s0  }
0x18: {  	s0 =	sld [smem:$0x3F94];
	_ =	swait.ge [sflag:s4], $0x0  }
0x19: {  	s7 =	sld [smem:$0x3F95]  }
0x1a: {  	s8 =	sadd.s32 $0xFFFFE003, lr  }
0x1b: {  	s9 =	sadd.s32 $0xFFFFFEF7, lr;
	s5 =	simm.s32 $0xFFFFFFFF;
	p2 =	slt.u32 s8, $0xFFFFF086  }
0x1c: {  	p1 =	slt.u32 s9, $0xF7A;
	s5 =	simm.s32 @!p2 $0x0  }
0x1d: {  	s5 =	simm.s32 @p1 $0x1;
	p0 =	seq.s32 s7, s2  }
0x1e: {  	s7 =	smul.u32 @!p0 $0xF7A, s2;
	p2 =	seq.s32 @!p0 s5, $0x0  }
0x1f: {  	s9 =	smul.u32 $0xF7A, s1;
	s8 =	simm.s32 @!p0 $0x1BF5;
	p2 =	por !p2, p0  }
0x20: {  	[sflag:s8] =	ssyncset.s32 @!p0 $0xFFFFF086;
	s6 =	sadd.s32 @!p0 s3, s7;
	s7 =	simm.s32 @!p0 $0x108  }
0x21: {  	s3 =	sadd.s32 s3, s9;
	s6 =	sadd.s32 @!p0 $0x88, s6;
	s7 =	simm.s32 @p2 $0x1082  }
0x22: {  	[simem:s7], [sflag:s8] =	dma.local @!p0 [hbm:s6], $0xF7A  }
0x23: {  	s9 =	sor.u32 $0xD0000000, s2;
	s6 =	simm.s32 $0x108;
	_ =	swait.ge @!p0 [sflag:s8], $0x0  }
0x24: {  	s3 =	sadd.s32 $0x88, s3;
	s6 =	simm.s32 @!p1 $0x1082;
	[sflag:s4] =	ssyncset.s32 $0xFFFFF086  }
0x25: {  	[simem:s6], [sflag:s4] =	dma.local [hbm:s3], $0xF7A  }
0x26: {  	[smem:$0x3F95] =	sst s1;
	(tag) =	ssettag s2;
	_ =	strace s9  }
0x27: {  	s1 =	sld [smem:$0x3FA5]  }
0x28: {  	s2 =	sld [smem:$0x3FA6]  }
0x29: {  	s4 =	sld [smem:$0x3FA8]  }
0x2a: {  	p0 =	seq.s32 s5, $0x0;
	s5 =	sld [smem:$0x3FA9]  }
0x2b: {  	s6 =	sld [smem:$0x3FAA]  }
0x2c: {  	s7 =	sld [smem:$0x3FAB]  }
0x2d: {  	s3 =	simm.s32 $0x108;
	s8 =	sld [smem:$0x3FAC]  }
0x2e: {  	s3 =	simm.s32 @!p0 $0x1082;
	s9 =	sld [smem:$0x3FAD]  }
0x2f: {  	lr =	sadd.s32 s0, s3;
	s0 =	sld [smem:$0x3FA4]  }
0x30: {  	s3 =	sld [smem:$0x3FA7]  }
0x31: {  	[smem:$0x3FB0] =	sst s10  }
0x32: {  	s10 =	sld [smem:$0x3FAE];
	_ =	sdelay $0x3  }
0x33: {  	p0 =	seq.s32 s10, $0x1;
	s10 =	sld [smem:$0x3FB0];
	_ =	sdelay $0x3  }
0x34: {  	[smem:$0x3FB0] =	sst s10  }
0x35: {  	s10 =	sld [smem:$0x3FAF];
	_ =	sdelay $0x3  }
0x36: {  	p1 =	seq.s32 s10, $0x1;
	s10 =	sld [smem:$0x3FB0];
	_ =	sdelay $0x3  }
0x37: {  	[smem:$0x3FB0] =	sst s10  }
0x38: {  	s10 =	sld [smem:$0x3FB1]  }
0x39: {  	_ = 	snop;
	(pc) =	sbr.ind lr, $3  }
0x3a: {  	_ = 	snop  }
0x3b: {  	_ = 	snop  }
0x3c: {  	p2 =	seq.s32 s10, $0x1;
	s10 =	sld [smem:$0x3FB0]  }
0x3d: {  	_ =	shalt  }
0x3e: {  	_ =	shalt  }
0x3f: {  	_ =	shalt  }
0x40: {  	_ =	shalt  }
0x41: {  	_ =	shalt  }
0x42: {  	_ =	shalt  }
0x43: {  	_ =	shalt  }
0x44: {  	_ =	shalt  }
0x45: {  	_ =	shalt  }
0x46: {  	_ =	shalt  }
0x47: {  	_ =	shalt  }
0x48: {  	_ =	shalt  }
0x49: {  	_ =	shalt  }
0x4a: {  	_ =	shalt  }
0x4b: {  	_ =	shalt  }
0x4c: {  	_ =	shalt  }
0x4d: {  	_ =	shalt  }
0x4e: {  	_ =	shalt  }
0x4f: {  	_ =	shalt  }
0x50: {  	_ =	shalt  }
0x51: {  	_ =	shalt  }
0x52: {  	_ =	shalt  }
0x53: {  	_ =	shalt  }
0x54: {  	_ =	shalt  }
0x55: {  	_ =	shalt  }
0x56: {  	_ =	shalt  }
0x57: {  	_ =	shalt  }
0x58: {  	_ =	shalt  }
0x59: {  	_ =	shalt  }
0x5a: {  	_ =	shalt  }
0x5b: {  	_ =	shalt  }
0x5c: {  	_ =	shalt  }
0x5d: {  	_ =	shalt  }
0x5e: {  	_ =	shalt  }
0x5f: {  	_ =	shalt  }
0x60: {  	_ =	shalt  }
0x61: {  	_ =	shalt  }
0x62: {  	_ =	shalt  }
0x63: {  	_ =	shalt  }
0x64: {  	_ =	shalt  }
0x65: {  	_ =	shalt  }
0x66: {  	_ =	shalt  }
0x67: {  	_ =	shalt  }
0x68: {  	_ =	shalt  }
0x69: {  	_ =	shalt  }
0x6a: {  	_ =	shalt  }
0x6b: {  	_ =	shalt  }
0x6c: {  	_ =	shalt  }
0x6d: {  	_ =	shalt  }
0x6e: {  	_ =	shalt  }
0x6f: {  	_ =	shalt  }
0x70: {  	_ =	shalt  }
0x71: {  	_ =	shalt  }
0x72: {  	_ =	shalt  }
0x73: {  	_ =	shalt  }
0x74: {  	_ =	shalt  }
0x75: {  	_ =	shalt  }
0x76: {  	_ =	shalt  }
0x77: {  	_ =	shalt  }
0x78: {  	_ =	shalt  }
0x79: {  	_ =	shalt  }
0x7a: {  	_ =	shalt  }
0x7b: {  	_ =	shalt  }
0x7c: {  	_ =	shalt  }
0x7d: {  	_ =	shalt  }
0x7e: {  	_ =	shalt  }
0x7f: {  	_ =	shalt  }
0x80: {  	_ =	shalt  }
0x81: {  	_ =	shalt  }
0x82: {  	_ =	shalt  }
0x83: {  	_ =	shalt  }
0x84: {  	_ =	shalt  }
0x85: {  	_ =	shalt  }
0x86: {  	_ =	shalt  }
0x87: {  	_ =	shalt  }
.Lfunc_end0:
.L_simem_size_0:
called_computation.1_lowered:
.L_overlay_start_0:
0x88: {  	s2 =	sld [smem:$0x3FD9]  }
0x89: {  	s3 =	sld [smem:$0x3FFE];
	_ =	sdelay $0x1  }
0x8a: {  	s1 =	srdreg.scid  }
0x8b: {  	s0 =	sand.u32 $0x1, s1  }
0x8c: {  	s17 =	sshll.u32 s0, $0xA;
	s2 =	sadd.s32 s3, s2  }
0x8d: {  	s2 =	sadd.s32 s2, s17  }
0x8e: {  	[smem:$0x3FBC] =	sst s2  }
0x8f: {  	_ = 	snop  }
0x90: {  	s2 =	sld [smem:$0x3FD0];
	(tm) =	ssettm $0x1  }
0x91: {  	s18 =	sld [smem:$0x3FFB];
	_ =	sdelay $0x3  }
0x92: {  	_ =	strace s18  }
0x93: {  	s3 =	sld [smem:$0x3FFC];
	_ =	sdelay $0x3  }
0x94: {  	_ =	strace s3  }
0x95: {  	s3 =	sld [smem:$0x3FFD];
	_ =	sdelay $0x3  }
0x96: {  	_ =	strace s3  }
0x97: {  	_ =	strace $0x8FFFFFFF  }
0x98: {  	s19 =	sld [smem:$0x3FDB];
	_ =	sdelay $0x1  }
0x99: {  	s4 =	simm.s32 $_scs_section_size  }
0x9a: {  	s5 =	simm.s32 $_size__tile_overlayer_lowered;
	s6 =	simm.s32 $_tile_overlayer_lowered  }
0x9b: {  	s22 =	simm.s32 $0x1BFF;
	s21 =	sshll.u32 s6, $0x1;
	s3 =	sadd.s32 s4, s19  }
0x9c: {  	s7 =	simm.s32 $0x0;
	s20 =	sshll.u32 s5, $0x1;
	s5 =	sadd.s32 s21, s3  }
0x9d: {  	[timem:s7], [sflag:s22] =	dma.local [hbm:s5], s20  }
0x9e: {  	_ =	swait.ge [sflag:s22], s20  }
0x9f: {  	s4 =	ssub.s32 $0x0, s20;
	[sflag:s22] =	ssyncset.done $0x0  }
0xa0: {  	[sflag:s22] =	ssyncadd.s32 s4;
	_ =	sdelay $0x1  }
0xa1: {  	s23 =	simm.s32 $0x1B8B  }
0xa2: {  	_ =	swait.ge [sflag:s23], $0x1  }
0xa3: {  	[sflag:s23] =	ssyncset.done $0x0  }
0xa4: {  	s25 =	simm.s32 $0x1B8E;
	s24 =	sld [smem:$0x3FFE];
	[sflag:s23] =	ssyncadd.s32 $0xFFFFFFFF  }
0xa5: {  	s26 =	simm.s32 $execute0_lowered;
	[smem:$0x3FD2] =	sst s25  }
0xa6: {  	s5 =	sshll.u32 s26, $0x1;
	_ =	strace $0x80000049;
	[dreg:$0x1] =	wrdreg $0xFFFFFFFF  }
0xa7: {  	s28 =	simm.s32 $_size_execute0_lowered;
	s3 =	sadd.s32 s3, s5;
	[dreg:$0x0] =	wrdreg $0x0  }
0xa8: {  	s5 =	sshll.u32 s28, $0x1;
	[dreg:$0x2] =	wrdreg s3  }
0xa9: {  	[dreg:$0x3] =	wrdreg s5  }
0xaa: {  	[dreg:$0x4] =	wrdreg $0xC0  }
0xab: {  	_ =	task [dreg:s7], $0x5FFFF  }
0xac: {  	[dreg:$0x1] =	wrdreg $0xFFFFFFFF  }
0xad: {  	[dreg:$0x0] =	wrdreg $0x60  }
0xae: {  	[dreg:$0x2] =	wrdreg s24  }
0xaf: {  	[dreg:$0x3] =	wrdreg s2  }
0xb0: {  	[dreg:$0x4] =	wrdreg $0xB8000  }
0xb1: {  	[dreg:$0x5] =	wrdreg $0x9  }
0xb2: {  	_ =	task.clear_ibuf [dreg:s7], $0x6FFFF;
	_ =	strace $0x90000049  }
0xb3: {  	s29 =	simm.s32 $0x9;
	_ =	strace $0x8000004B  }
0xb4: {  	_ =	swait.ge [sflag:s29], $0x1  }
0xb5: {  	[sflag:s29] =	ssyncadd.s32 $0xFFFFFFFF  }
0xb6: {  	_ =	strace $0x9000004B  }
0xb7: {  	_ =	sfence  }
0xb8: {  	s30 =	sld [smem:$0x0];
	_ =	sdelay $0x2  }
0xb9: {  	s31 =	sshll.u32 s1, $0xD;
	s1 =	sshrl.u32 s1, $0x2  }
0xba: {  	s3 =	sand.u32 $0x4000, s31;
	s1 =	sadd.s32 s1, s30  }
0xbb: {  	s0 =	sor.u32 s3, s0;
	s1 =	sshll.u32 s1, $0x11  }
0xbc: {  	s0 =	sor.u32 s1, s0  }
0xbd: {  	s0 =	sadd.s32 $0x8F2B, s0  }
0xbe: {  	[sflag:s0] =	ssyncadd.remote.s32 $0x1  }
0xbf: {  	_ =	sfence.sel $0xFFFF  }
0xc0: {  	[dreg:$0x0] =	wrdreg $0xFFFFFFFF;
	(pc) =	sbr.abs _section_cstart, $3  }
0xc1: {  	[dreg:$0x1] =	wrdreg $0xFFFFFFFF  }
0xc2: {  	_ =	task.clear_ibuf [dreg:s7], $0x2FFFF;
	_ =	strace $0x9FFFFFFF  }
0xc3: {  	(tm) =	ssettm $0x7FFFFFFF  }
tec
execute0_lowered:
.L_overlay_start_1:
0x0: {  	(tag) =	ssettag $0x1  }
0x1: {  	s0 =	rddreg [dreg:$0x0]  }
0x2: {  	s2 =	rddreg [dreg:$0x1]  }
0x3: {  	s1 =	rddreg [dreg:$0x2]  }
0x4: {  	s3 =	srdreg.scid;
	s10 =	stileid.u32;
	s14 =	simm.s32 $0x7  }
0x5: {  	s15 =	simm.s32 $0x2C00;
	s16 =	simm.s32 $0x40;
	s17 =	simm.s32 $0x5800  }
0x6: {  	s18 =	simm.s32 $0x80;
	s19 =	simm.s32 $0x7800;
	s20 =	simm.s32 $0x100  }
0x7: {  	s28 =	simm.s32 $0x6;
	s29 =	simm.s32 $0x5300;
	s30 =	simm.s32 $0x5380  }
0x8: {  	s31 =	simm.s32 $0x5400;
	s5 =	sand.u32 $0x1, s3;
	s7 =	smul.u32 $0x13C00, s10  }
0x9: {  	s3 =	simm.s32 $0x0;
	s4 =	sadd.s32 $0x1C200, s0;
	s21 =	smul.u32 $0x4F000, s10  }
0xa: {  	s12 =	sadd.s32 $0x6BA00, s0;
	s8 =	sadd.s32 $0x19A00, s0;
	s9 =	smul.u32 $0x5800, s10  }
0xb: {  	s25 =	sshll.u32 s10, $0x6;
	s6 =	smul.u32 $0x13C000, s5;
	[smem:$0x7FF] =	sst s3  }
0xc: {  	s22 =	ssub.s32 $0x2, s5;
	s5 =	smul.u32 $0x58000, s5;
	_ =	strace $0x8000004A  }
0xd: {  	[dreg:$0x4] =	wrdreg s8;
	s23 =	sshrl.u32 s22, $0x1;
	s24 =	sshrl.u32 s21, $0x2  }
0xe: {  	s21 =	simm.s32 $0x9800;
	s6 =	sadd.s32 s7, s6;
	s8 =	ssub.s32 s22, s23  }
0xf: {  	s13 =	sadd.s32 s24, s1;
	s5 =	sadd.s32 s9, s5;
	s22 =	simm.s32 $0x1  }
0x10: {  	s23 =	simm.s32 $0x4;
	s24 =	simm.s32 $0x2;
	s6 =	sshrl.u32 s6, $0x3  }
0x11: {  	s8 =	smax.u32 s8, $0x1;
	s26 =	sshrl.u32 s5, $0x3;
	s13 =	sshrl.u32 s13, $0x3  }
0x12: {  	s0 =	sadd.s32 s6, s0;
	s6 =	sor.u32 $0x1C07, s25;
	s9 =	sadd.s32 s2, s26  }
0x13: {  	s10 =	sadd.s32 s12, s26;
	s25 =	simm.s32 $0x5;
	s0 =	sadd.s32 $0xA9200, s0  }
0x14: {  	[dreg:$0x5] =	wrdreg s0;
	s0 =	sadd.s32 $0x580, s26;
	s26 =	simm.s32 $0x3  }
0x15: {  	s11 =	sadd.s32 s2, s0;
	s12 =	sadd.s32 s12, s0;
	s0 =	simm.s32 $0x0  }
.LBB2_1:
0x16: {  	s2 =	rddreg [dreg:$0x4]  }
0x17: {  	[spmem:s13], [sflag:s6] =	dma.local [hbm:s2], $0x2780  }
0x18: {  	_ =	swait.ge [sflag:s14], $0x2780  }
0x19: {  	[sflag:s14] =	ssyncset.done $0x0  }
0x1a: {  	[sflag:s14] =	ssyncadd.s32 $0xFFFFD880  }
0x1b: {  	[bflag:$0x0] =	sbarrier.arrive $0xFFFF  }
0x1c: {  	[tilespmem:s3], [sflag:$0x7] =	stream.linear.gather [hbm4b:s9+s3], $0x2880, $0x38;
	[tilespmem:$0x1F400] =	vst v63  }
0x1d: {  	_ =	swait.ge [sflag:s14], $0x2880  }
0x1e: {  	[sflag:s14] =	ssyncset.done $0x0  }
0x1f: {  	[sflag:s14] =	ssyncadd.s32 $0xFFFFD780  }
0x20: {  	[tilespmem:s15], [sflag:$0x7] =	stream.linear.gather [hbm4b:s10+s3], $0x2880, $0x38;
	[tilespmem:$0x1F400] =	vst v63  }
0x21: {  	_ =	swait.ge [sflag:s14], $0x2880  }
0x22: {  	[sflag:s14] =	ssyncset.done $0x0  }
0x23: {  	[sflag:s14] =	ssyncadd.s32 $0xFFFFD780  }
0x24: {  	[tilespmem:s17], [sflag:$0x1] =	stream.indirect.gather [hbm4b:s4+s16], $0x80, s3, s16, $0xb8;
	[tilespmem:$0x1F400] =	vst v63  }
0x25: {  	_ = 	snop  }
0x26: {  	[tilespmem:s19], [sflag:$0x2] =	stream.indirect.gather [hbm4b:s4+s16], $0x80, s18, s16, $0xb8;
	[tilespmem:$0x1F400] =	vst v63  }
0x27: {  	_ = 	snop  }
0x28: {  	[tilespmem:s21], [sflag:$0x3] =	stream.indirect.gather [hbm4b:s4+s16], $0x80, s20, s16, $0xb8;
	[tilespmem:$0x1F400] =	vst v63  }
0x29: {  	_ =	swait.ge [sflag:s22], $0x2000  }
0x2a: {  	[sflag:s22] =	ssyncset.done $0x0  }
0x2b: {  	s7 =	simm.s32 $0x2C00;
	[sflag:s22] =	ssyncadd.s32 $0xFFFFE000  }
0x2c: {  	[spmem:s1] =	stream.indirect.scatter.add.f32 [tilespmem:s17], [sflag:$0x4], $0x80, s7, s16, $0xb8;
	[tilespmem:$0x1F400] =	vst v63  }
0x2d: {  	_ =	swait.ge [sflag:s23], $0x2000  }
0x2e: {  	[sflag:s23] =	ssyncset.done $0x0  }
0x2f: {  	s5 =	simm.s32 $0x180;
	[sflag:s23] =	ssyncadd.s32 $0xFFFFE000  }
0x30: {  	[tilespmem:s17], [sflag:$0x1] =	stream.indirect.gather [hbm4b:s4+s16], $0x80, s5, s16, $0xb8;
	[tilespmem:$0x1F400] =	vst v63  }
0x31: {  	_ =	swait.ge [sflag:s24], $0x2000  }
0x32: {  	[sflag:s24] =	ssyncset.done $0x0  }
0x33: {  	s7 =	simm.s32 $0x2C80;
	[sflag:s24] =	ssyncadd.s32 $0xFFFFE000  }
0x34: {  	[spmem:s1] =	stream.indirect.scatter.add.f32 [tilespmem:s19], [sflag:$0x5], $0x80, s7, s16, $0xb8;
	[tilespmem:$0x1F400] =	vst v63  }
0x35: {  	_ =	swait.ge [sflag:s25], $0x2000  }
0x36: {  	[sflag:s25] =	ssyncset.done $0x0  }
0x37: {  	s5 =	simm.s32 $0x200;
	[sflag:s25] =	ssyncadd.s32 $0xFFFFE000  }
0x38: {  	[tilespmem:s19], [sflag:$0x2] =	stream.indirect.gather [hbm4b:s4+s16], $0x80, s5, s16, $0xb8;
	[tilespmem:$0x1F400] =	vst v63  }
0x39: {  	_ =	swait.ge [sflag:s26], $0x2000  }
0x3a: {  	[sflag:s26] =	ssyncset.done $0x0  }
0x3b: {  	s7 =	simm.s32 $0x2D00;
	[sflag:s26] =	ssyncadd.s32 $0xFFFFE000  }
0x3c: {  	[spmem:s1] =	stream.indirect.scatter.add.f32 [tilespmem:s21], [sflag:$0x6], $0x80, s7, s16, $0xb8;
	[tilespmem:$0x1F400] =	vst v63  }
0x3d: {  	_ =	swait.ge [sflag:s28], $0x2000  }
0x3e: {  	[sflag:s28] =	ssyncset.done $0x0  }
0x3f: {  	s2 =	simm.s32 $0x600;
	s5 =	simm.s32 $0x280;
	[sflag:s28] =	ssyncadd.s32 $0xFFFFE000  }
.LBB2_2:
0x40: {  	[tilespmem:s21], [sflag:$0x3] =	stream.indirect.gather [hbm4b:s4+s16], $0x80, s5, s16, $0xb8;
	[tilespmem:$0x1F400] =	vst v63  }
0x41: {  	s5 =	smov.u32 s2  }
0x42: {  	p0 =	sne.s32 s2, $0x9600;
	s2 =	sadd.s32 $0x600, s2;
	_ =	swait.ge [sflag:s22], $0x2000  }
0x43: {  	s5 =	sshra.s32 s5, $0x2;
	[sflag:s22] =	ssyncset.done $0x0  }
0x44: {  	s7 =	sadd.s32 $0x2C00, s5;
	[sflag:s22] =	ssyncadd.s32 $0xFFFFE000  }
0x45: {  	[spmem:s1] =	stream.indirect.scatter.add.f32 [tilespmem:s17], [sflag:$0x4], $0x80, s7, s16, $0xb8;
	[tilespmem:$0x1F400] =	vst v63  }
0x46: {  	_ =	swait.ge [sflag:s23], $0x2000  }
0x47: {  	[sflag:s23] =	ssyncset.done $0x0  }
0x48: {  	s7 =	sadd.s32 $0x180, s5;
	[sflag:s23] =	ssyncadd.s32 $0xFFFFE000  }
0x49: {  	[tilespmem:s17], [sflag:$0x1] =	stream.indirect.gather [hbm4b:s4+s16], $0x80, s7, s16, $0xb8;
	[tilespmem:$0x1F400] =	vst v63  }
0x4a: {  	_ =	swait.ge [sflag:s24], $0x2000  }
0x4b: {  	[sflag:s24] =	ssyncset.done $0x0  }
0x4c: {  	s7 =	sadd.s32 $0x2C80, s5;
	[sflag:s24] =	ssyncadd.s32 $0xFFFFE000  }
0x4d: {  	[spmem:s1] =	stream.indirect.scatter.add.f32 [tilespmem:s19], [sflag:$0x5], $0x80, s7, s16, $0xb8;
	[tilespmem:$0x1F400] =	vst v63  }
0x4e: {  	_ =	swait.ge [sflag:s25], $0x2000  }
0x4f: {  	[sflag:s25] =	ssyncset.done $0x0  }
0x50: {  	s7 =	sadd.s32 $0x200, s5;
	[sflag:s25] =	ssyncadd.s32 $0xFFFFE000  }
0x51: {  	[tilespmem:s19], [sflag:$0x2] =	stream.indirect.gather [hbm4b:s4+s16], $0x80, s7, s16, $0xb8;
	[tilespmem:$0x1F400] =	vst v63  }
0x52: {  	_ =	swait.ge [sflag:s26], $0x2000  }
0x53: {  	[sflag:s26] =	ssyncset.done $0x0  }
.Ltmp0:
0x54: {  	s7 =	sadd.s32 $0x2D00, s5;
	[sflag:s26] =	ssyncadd.s32 $0xFFFFE000;
	(pc) =	sbr.rel @p0 .LBB2_2-.Ltmp0, $4  }
0x55: {  	[spmem:s1] =	stream.indirect.scatter.add.f32 [tilespmem:s21], [sflag:$0x6], $0x80, s7, s16, $0xb8;
	[tilespmem:$0x1F400] =	vst v63  }
0x56: {  	_ =	swait.ge [sflag:s28], $0x2000  }
0x57: {  	[sflag:s28] =	ssyncset.done $0x0  }
0x58: {  	s5 =	sadd.s32 $0x280, s5;
	[sflag:s28] =	ssyncadd.s32 $0xFFFFE000  }
0x59: {  	[tilespmem:s21], [sflag:$0x3] =	stream.indirect.gather [hbm4b:s4+s16], $0x80, s5, s16, $0xb8;
	[tilespmem:$0x1F400] =	vst v63  }
0x5a: {  	_ =	swait.ge [sflag:s22], $0x2000  }
0x5b: {  	[sflag:s22] =	ssyncset.done $0x0  }
0x5c: {  	[sflag:s22] =	ssyncadd.s32 $0xFFFFE000  }
0x5d: {  	[spmem:s1] =	stream.indirect.scatter.add.f32 [tilespmem:s17], [sflag:$0x7], $0x80, s29, s16, $0xb8;
	[tilespmem:$0x1F400] =	vst v63  }
0x5e: {  	_ =	swait.ge [sflag:s14], $0x2000  }
0x5f: {  	[sflag:s14] =	ssyncset.done $0x0  }
0x60: {  	[sflag:s14] =	ssyncadd.s32 $0xFFFFE000  }
0x61: {  	_ =	swait.ge [sflag:s24], $0x2000  }
0x62: {  	[sflag:s24] =	ssyncset.done $0x0  }
0x63: {  	[sflag:s24] =	ssyncadd.s32 $0xFFFFE000  }
0x64: {  	[spmem:s1] =	stream.indirect.scatter.add.f32 [tilespmem:s19], [sflag:$0x7], $0x80, s30, s16, $0xb8;
	[tilespmem:$0x1F400] =	vst v63  }
0x65: {  	_ =	swait.ge [sflag:s14], $0x2000  }
0x66: {  	[sflag:s14] =	ssyncset.done $0x0  }
0x67: {  	[sflag:s14] =	ssyncadd.s32 $0xFFFFE000  }
0x68: {  	_ =	swait.ge [sflag:s26], $0x2000  }
0x69: {  	[sflag:s26] =	ssyncset.done $0x0  }
0x6a: {  	[sflag:s26] =	ssyncadd.s32 $0xFFFFE000  }
0x6b: {  	[spmem:s1] =	stream.indirect.scatter.add.f32 [tilespmem:s21], [sflag:$0x7], $0x80, s31, s16, $0xb8;
	[tilespmem:$0x1F400] =	vst v63  }
0x6c: {  	_ =	swait.ge [sflag:s14], $0x2000  }
0x6d: {  	[sflag:s14] =	ssyncset.done $0x0  }
0x6e: {  	s2 =	simm.s32 $0x0;
	[sflag:s14] =	ssyncadd.s32 $0xFFFFE000  }
0x6f: {  	[tilespmem:s2], [sflag:$0x7] =	stream.linear.gather [hbm4b:s11+s2], $0x2880, $0x38;
	[tilespmem:$0x1F400] =	vst v63  }
0x70: {  	_ =	swait.ge [sflag:s14], $0x2880  }
0x71: {  	[sflag:s14] =	ssyncset.done $0x0  }
0x72: {  	[sflag:s14] =	ssyncadd.s32 $0xFFFFD780  }
0x73: {  	[tilespmem:s15], [sflag:$0x7] =	stream.linear.gather [hbm4b:s12+s2], $0x2880, $0x38;
	[tilespmem:$0x1F400] =	vst v63  }
0x74: {  	_ =	swait.ge [sflag:s14], $0x2880  }
0x75: {  	[sflag:s14] =	ssyncset.done $0x0  }
0x76: {  	[sflag:s14] =	ssyncadd.s32 $0xFFFFD780  }
0x77: {  	[tilespmem:s17], [sflag:$0x1] =	stream.indirect.gather [hbm4b:s4+s16], $0x80, s2, s16, $0xb8;
	[tilespmem:$0x1F400] =	vst v63  }
0x78: {  	_ = 	snop  }
0x79: {  	[tilespmem:s19], [sflag:$0x2] =	stream.indirect.gather [hbm4b:s4+s16], $0x80, s18, s16, $0xb8;
	[tilespmem:$0x1F400] =	vst v63  }
0x7a: {  	_ = 	snop  }
0x7b: {  	[tilespmem:s21], [sflag:$0x3] =	stream.indirect.gather [hbm4b:s4+s16], $0x80, s20, s16, $0xb8;
	[tilespmem:$0x1F400] =	vst v63  }
0x7c: {  	_ =	swait.ge [sflag:s22], $0x2000  }
0x7d: {  	[sflag:s22] =	ssyncset.done $0x0  }
0x7e: {  	s7 =	simm.s32 $0x2C00;
	[sflag:s22] =	ssyncadd.s32 $0xFFFFE000  }
0x7f: {  	[spmem:s1] =	stream.indirect.scatter.add.f32 [tilespmem:s17], [sflag:$0x4], $0x80, s7, s16, $0xb8;
	[tilespmem:$0x1F400] =	vst v63  }
0x80: {  	_ =	swait.ge [sflag:s23], $0x2000  }
0x81: {  	[sflag:s23] =	ssyncset.done $0x0  }
0x82: {  	s5 =	simm.s32 $0x180;
	[sflag:s23] =	ssyncadd.s32 $0xFFFFE000  }
0x83: {  	[tilespmem:s17], [sflag:$0x1] =	stream.indirect.gather [hbm4b:s4+s16], $0x80, s5, s16, $0xb8;
	[tilespmem:$0x1F400] =	vst v63  }
0x84: {  	_ =	swait.ge [sflag:s24], $0x2000  }
0x85: {  	[sflag:s24] =	ssyncset.done $0x0  }
0x86: {  	s7 =	simm.s32 $0x2C80;
	[sflag:s24] =	ssyncadd.s32 $0xFFFFE000  }
0x87: {  	[spmem:s1] =	stream.indirect.scatter.add.f32 [tilespmem:s19], [sflag:$0x5], $0x80, s7, s16, $0xb8;
	[tilespmem:$0x1F400] =	vst v63  }
0x88: {  	_ =	swait.ge [sflag:s25], $0x2000  }
0x89: {  	[sflag:s25] =	ssyncset.done $0x0  }
0x8a: {  	s5 =	simm.s32 $0x200;
	[sflag:s25] =	ssyncadd.s32 $0xFFFFE000  }
0x8b: {  	[tilespmem:s19], [sflag:$0x2] =	stream.indirect.gather [hbm4b:s4+s16], $0x80, s5, s16, $0xb8;
	[tilespmem:$0x1F400] =	vst v63  }
0x8c: {  	_ =	swait.ge [sflag:s26], $0x2000  }
0x8d: {  	[sflag:s26] =	ssyncset.done $0x0  }
0x8e: {  	s7 =	simm.s32 $0x2D00;
	[sflag:s26] =	ssyncadd.s32 $0xFFFFE000  }
0x8f: {  	[spmem:s1] =	stream.indirect.scatter.add.f32 [tilespmem:s21], [sflag:$0x6], $0x80, s7, s16, $0xb8;
	[tilespmem:$0x1F400] =	vst v63  }
0x90: {  	_ =	swait.ge [sflag:s28], $0x2000  }
0x91: {  	[sflag:s28] =	ssyncset.done $0x0  }
0x92: {  	s2 =	simm.s32 $0x600;
	s5 =	simm.s32 $0x280;
	[sflag:s28] =	ssyncadd.s32 $0xFFFFE000  }
.LBB2_4:
0x93: {  	[tilespmem:s21], [sflag:$0x3] =	stream.indirect.gather [hbm4b:s4+s16], $0x80, s5, s16, $0xb8;
	[tilespmem:$0x1F400] =	vst v63  }
0x94: {  	s5 =	smov.u32 s2  }
0x95: {  	p0 =	sne.s32 s2, $0x9600;
	s2 =	sadd.s32 $0x600, s2;
	_ =	swait.ge [sflag:s22], $0x2000  }
0x96: {  	s5 =	sshra.s32 s5, $0x2;
	[sflag:s22] =	ssyncset.done $0x0  }
0x97: {  	s7 =	sadd.s32 $0x2C00, s5;
	[sflag:s22] =	ssyncadd.s32 $0xFFFFE000  }
0x98: {  	[spmem:s1] =	stream.indirect.scatter.add.f32 [tilespmem:s17], [sflag:$0x4], $0x80, s7, s16, $0xb8;
	[tilespmem:$0x1F400] =	vst v63  }
0x99: {  	_ =	swait.ge [sflag:s23], $0x2000  }
0x9a: {  	[sflag:s23] =	ssyncset.done $0x0  }
0x9b: {  	s7 =	sadd.s32 $0x180, s5;
	[sflag:s23] =	ssyncadd.s32 $0xFFFFE000  }
0x9c: {  	[tilespmem:s17], [sflag:$0x1] =	stream.indirect.gather [hbm4b:s4+s16], $0x80, s7, s16, $0xb8;
	[tilespmem:$0x1F400] =	vst v63  }
0x9d: {  	_ =	swait.ge [sflag:s24], $0x2000  }
0x9e: {  	[sflag:s24] =	ssyncset.done $0x0  }
0x9f: {  	s7 =	sadd.s32 $0x2C80, s5;
	[sflag:s24] =	ssyncadd.s32 $0xFFFFE000  }
0xa0: {  	[spmem:s1] =	stream.indirect.scatter.add.f32 [tilespmem:s19], [sflag:$0x5], $0x80, s7, s16, $0xb8;
	[tilespmem:$0x1F400] =	vst v63  }
0xa1: {  	_ =	swait.ge [sflag:s25], $0x2000  }
0xa2: {  	[sflag:s25] =	ssyncset.done $0x0  }
0xa3: {  	s7 =	sadd.s32 $0x200, s5;
	[sflag:s25] =	ssyncadd.s32 $0xFFFFE000  }
0xa4: {  	[tilespmem:s19], [sflag:$0x2] =	stream.indirect.gather [hbm4b:s4+s16], $0x80, s7, s16, $0xb8;
	[tilespmem:$0x1F400] =	vst v63  }
0xa5: {  	_ =	swait.ge [sflag:s26], $0x2000  }
0xa6: {  	[sflag:s26] =	ssyncset.done $0x0  }
.Ltmp1:
0xa7: {  	s7 =	sadd.s32 $0x2D00, s5;
	[sflag:s26] =	ssyncadd.s32 $0xFFFFE000;
	(pc) =	sbr.rel @p0 .LBB2_4-.Ltmp1, $4  }
0xa8: {  	[spmem:s1] =	stream.indirect.scatter.add.f32 [tilespmem:s21], [sflag:$0x6], $0x80, s7, s16, $0xb8;
	[tilespmem:$0x1F400] =	vst v63  }
0xa9: {  	_ =	swait.ge [sflag:s28], $0x2000  }
0xaa: {  	[sflag:s28] =	ssyncset.done $0x0  }
0xab: {  	s5 =	sadd.s32 $0x280, s5;
	[sflag:s28] =	ssyncadd.s32 $0xFFFFE000  }
0xac: {  	[tilespmem:s21], [sflag:$0x3] =	stream.indirect.gather [hbm4b:s4+s16], $0x80, s5, s16, $0xb8;
	[tilespmem:$0x1F400] =	vst v63  }
0xad: {  	_ =	swait.ge [sflag:s22], $0x2000  }
0xae: {  	[sflag:s22] =	ssyncset.done $0x0  }
0xaf: {  	[sflag:s22] =	ssyncadd.s32 $0xFFFFE000  }
0xb0: {  	[spmem:s1] =	stream.indirect.scatter.add.f32 [tilespmem:s17], [sflag:$0x7], $0x80, s29, s16, $0xb8;
	[tilespmem:$0x1F400] =	vst v63  }
0xb1: {  	_ =	swait.ge [sflag:s14], $0x2000  }
0xb2: {  	[sflag:s14] =	ssyncset.done $0x0  }
0xb3: {  	[sflag:s14] =	ssyncadd.s32 $0xFFFFE000  }
0xb4: {  	_ =	swait.ge [sflag:s24], $0x2000  }
0xb5: {  	[sflag:s24] =	ssyncset.done $0x0  }
0xb6: {  	[sflag:s24] =	ssyncadd.s32 $0xFFFFE000  }
0xb7: {  	[spmem:s1] =	stream.indirect.scatter.add.f32 [tilespmem:s19], [sflag:$0x7], $0x80, s30, s16, $0xb8;
	[tilespmem:$0x1F400] =	vst v63  }
0xb8: {  	_ =	swait.ge [sflag:s14], $0x2000  }
0xb9: {  	[sflag:s14] =	ssyncset.done $0x0  }
0xba: {  	[sflag:s14] =	ssyncadd.s32 $0xFFFFE000  }
0xbb: {  	_ =	swait.ge [sflag:s26], $0x2000  }
0xbc: {  	[sflag:s26] =	ssyncset.done $0x0  }
0xbd: {  	[sflag:s26] =	ssyncadd.s32 $0xFFFFE000  }
0xbe: {  	[spmem:s1] =	stream.indirect.scatter.add.f32 [tilespmem:s21], [sflag:$0x7], $0x80, s31, s16, $0xb8;
	[tilespmem:$0x1F400] =	vst v63  }
0xbf: {  	_ =	swait.ge [sflag:s14], $0x2000  }
0xc0: {  	[sflag:s14] =	ssyncset.done $0x0  }
0xc1: {  	s0 =	sadd.s32 $0x1, s0;
	[sflag:s14] =	ssyncadd.s32 $0xFFFFE000  }
0xc2: {  	p0 =	sne.s32 s0, s8;
	[bflag:$0x0] =	sbarrier.arrive $0xFFFF  }
.Ltmp2:
0xc3: {  	s2 =	rddreg [dreg:$0x5];
	(pc) =	sbr.rel @p0 .LBB2_1-.Ltmp2, $4  }
0xc4: {  	[hbm:s2], [sflag:s6] =	dma.local [spmem:s13], $0x2780  }
0xc5: {  	_ =	swait.ge [sflag:s14], $0x2780  }
0xc6: {  	[sflag:s14] =	ssyncset.done $0x0  }
0xc7: {  	[sflag:s14] =	ssyncadd.s32 $0xFFFFD880  }
0xc8: {  	_ =	sfence.sel $0x180000  }
0xc9: {  	[bflag:$0x0] =	sbarrier.arrive $0xFFFF  }
0xca: {  	_ =	strace $0x9000004A  }
0xcb: {  	s0 =	stileid.u32;
	[bflag:$0x2] =	sbarrier.arrive $0xFFFF  }
0xcc: {  	p0 =	sne.s32 s0, $0x0;
	s0 =	rddreg [dreg:$0x3]  }
0xcd: {  	s0 =	sadd.s32 @!p0 $0x100000, s0  }
0xce: {  	[sflag:s0] =	ssyncadd.tile.s32 @!p0 $0x1;
	_ =	shalt  }
.Lfunc_end2:
_tile_overlayer_lowered:
.L_overlay_start_2:
0xcf: {  	(tag) =	ssettag $0x2  }
0xd0: {  	s0 =	rddreg [dreg:$0x0];
	s2 =	stileid.u32  }
0xd1: {  	s1 =	rddreg [dreg:$0x1];
	p0 =	sne.s32 s2, $0x0  }
0xd2: {  	s3 =	rddreg [dreg:$0x2];
	[bflag:$0x3] =	sbarrier.arrive $0xFFFF;
	s2 =	simm.s32 @!p0 $0x1C07  }
0xd3: {  	[timem:s3], [sflag:s2] =	dma.local @!p0 [hbm:s0], s1  }
0xd4: {  	s0 =	simm.s32 @!p0 $0x7  }
0xd5: {  	_ =	swait.ge @!p0 [sflag:s0], s1  }
0xd6: {  	s1 =	ssub.s32 @!p0 $0x0, s1;
	[sflag:s0] =	ssyncset.done @!p0 $0x0  }
0xd7: {  	[sflag:s0] =	ssyncadd.s32 @!p0 s1  }
0xd8: {  	[bflag:$0x3] =	sbarrier.arrive $0xFFFF  }
0xd9: {  	_ =	shalt  }

// kernel: kernel.16.cloned.1.call-start
scs
__scs_entry_jumppad:
0x0: {  	(pc) =	sbr.rel $0x88, $3  }
0x1: {  	(tag) =	ssettag $0x0;
	lr =	simm.s32 $0x1  }
0x2: {  	[smem:$0x3F95] =	sst lr;
	_ =	strace $0xD0000000  }
0x3: {  	_ = 	snop  }
0x4: {  	_ = 	snop  }
0x5: {  	_ = 	snop  }
0x6: {  	_ = 	snop  }
0x7: {  	_ = 	snop  }
__scs_overlays_trampoline_lowered:
0x8: {  	[smem:$0x3FA4] =	sst s0  }
0x9: {  	[smem:$0x3FA5] =	sst s1  }
0xa: {  	[smem:$0x3FA6] =	sst s2  }
0xb: {  	[smem:$0x3FA7] =	sst s3  }
0xc: {  	[smem:$0x3FA8] =	sst s4  }
0xd: {  	[smem:$0x3FA9] =	sst s5  }
0xe: {  	[smem:$0x3FAA] =	sst s6  }
0xf: {  	[smem:$0x3FAB] =	sst s7  }
0x10: {  	[smem:$0x3FAC] =	sst s8  }
0x11: {  	[smem:$0x3FAD] =	sst s9;
	s0 =	simm.s32 @!p0 $0x0  }
0x12: {  	s1 =	sld [smem:$0x3F93];
	s0 =	simm.s32 @p0 $0x1  }
0x13: {  	[smem:$0x3FAE] =	sst s0;
	s0 =	simm.s32 @!p1 $0x0  }
0x14: {  	s2 =	sld [smem:$0x3F92];
	s0 =	simm.s32 @p1 $0x1  }
0x15: {  	[smem:$0x3FAF] =	sst s0;
	s0 =	simm.s32 @!p2 $0x0  }
0x16: {  	s3 =	sld [smem:$0x3FDB];
	s0 =	simm.s32 @p2 $0x1  }
0x17: {  	s4 =	simm.s32 $0x1BF5;
	[smem:$0x3FB1] =	sst s0  }
0x18: {  	s0 =	sld [smem:$0x3F94];
	_ =	swait.ge [sflag:s4], $0x0  }
0x19: {  	s7 =	sld [smem:$0x3F95]  }
0x1a: {  	s8 =	sadd.s32 $0xFFFFE003, lr  }
0x1b: {  	s9 =	sadd.s32 $0xFFFFFEF7, lr;
	s5 =	simm.s32 $0xFFFFFFFF;
	p2 =	slt.u32 s8, $0xFFFFF086  }
0x1c: {  	p1 =	slt.u32 s9, $0xF7A;
	s5 =	simm.s32 @!p2 $0x0  }
0x1d: {  	s5 =	simm.s32 @p1 $0x1;
	p0 =	seq.s32 s7, s2  }
0x1e: {  	s7 =	smul.u32 @!p0 $0xF7A, s2;
	p2 =	seq.s32 @!p0 s5, $0x0  }
0x1f: {  	s9 =	smul.u32 $0xF7A, s1;
	s8 =	simm.s32 @!p0 $0x1BF5;
	p2 =	por !p2, p0  }
0x20: {  	[sflag:s8] =	ssyncset.s32 @!p0 $0xFFFFF086;
	s6 =	sadd.s32 @!p0 s3, s7;
	s7 =	simm.s32 @!p0 $0x108  }
0x21: {  	s3 =	sadd.s32 s3, s9;
	s6 =	sadd.s32 @!p0 $0x88, s6;
	s7 =	simm.s32 @p2 $0x1082  }
0x22: {  	[simem:s7], [sflag:s8] =	dma.local @!p0 [hbm:s6], $0xF7A  }
0x23: {  	s9 =	sor.u32 $0xD0000000, s2;
	s6 =	simm.s32 $0x108;
	_ =	swait.ge @!p0 [sflag:s8], $0x0  }
0x24: {  	s3 =	sadd.s32 $0x88, s3;
	s6 =	simm.s32 @!p1 $0x1082;
	[sflag:s4] =	ssyncset.s32 $0xFFFFF086  }
0x25: {  	[simem:s6], [sflag:s4] =	dma.local [hbm:s3], $0xF7A  }
0x26: {  	[smem:$0x3F95] =	sst s1;
	(tag) =	ssettag s2;
	_ =	strace s9  }
0x27: {  	s1 =	sld [smem:$0x3FA5]  }
0x28: {  	s2 =	sld [smem:$0x3FA6]  }
0x29: {  	s4 =	sld [smem:$0x3FA8]  }
0x2a: {  	p0 =	seq.s32 s5, $0x0;
	s5 =	sld [smem:$0x3FA9]  }
0x2b: {  	s6 =	sld [smem:$0x3FAA]  }
0x2c: {  	s7 =	sld [smem:$0x3FAB]  }
0x2d: {  	s3 =	simm.s32 $0x108;
	s8 =	sld [smem:$0x3FAC]  }
0x2e: {  	s3 =	simm.s32 @!p0 $0x1082;
	s9 =	sld [smem:$0x3FAD]  }
0x2f: {  	lr =	sadd.s32 s0, s3;
	s0 =	sld [smem:$0x3FA4]  }
0x30: {  	s3 =	sld [smem:$0x3FA7]  }
0x31: {  	[smem:$0x3FB0] =	sst s10  }
0x32: {  	s10 =	sld [smem:$0x3FAE];
	_ =	sdelay $0x3  }
0x33: {  	p0 =	seq.s32 s10, $0x1;
	s10 =	sld [smem:$0x3FB0];
	_ =	sdelay $0x3  }
0x34: {  	[smem:$0x3FB0] =	sst s10  }
0x35: {  	s10 =	sld [smem:$0x3FAF];
	_ =	sdelay $0x3  }
0x36: {  	p1 =	seq.s32 s10, $0x1;
	s10 =	sld [smem:$0x3FB0];
	_ =	sdelay $0x3  }
0x37: {  	[smem:$0x3FB0] =	sst s10  }
0x38: {  	s10 =	sld [smem:$0x3FB1]  }
0x39: {  	_ = 	snop;
	(pc) =	sbr.ind lr, $3  }
0x3a: {  	_ = 	snop  }
0x3b: {  	_ = 	snop  }
0x3c: {  	p2 =	seq.s32 s10, $0x1;
	s10 =	sld [smem:$0x3FB0]  }
0x3d: {  	_ =	shalt  }
0x3e: {  	_ =	shalt  }
0x3f: {  	_ =	shalt  }
0x40: {  	_ =	shalt  }
0x41: {  	_ =	shalt  }
0x42: {  	_ =	shalt  }
0x43: {  	_ =	shalt  }
0x44: {  	_ =	shalt  }
0x45: {  	_ =	shalt  }
0x46: {  	_ =	shalt  }
0x47: {  	_ =	shalt  }
0x48: {  	_ =	shalt  }
0x49: {  	_ =	shalt  }
0x4a: {  	_ =	shalt  }
0x4b: {  	_ =	shalt  }
0x4c: {  	_ =	shalt  }
0x4d: {  	_ =	shalt  }
0x4e: {  	_ =	shalt  }
0x4f: {  	_ =	shalt  }
0x50: {  	_ =	shalt  }
0x51: {  	_ =	shalt  }
0x52: {  	_ =	shalt  }
0x53: {  	_ =	shalt  }
0x54: {  	_ =	shalt  }
0x55: {  	_ =	shalt  }
0x56: {  	_ =	shalt  }
0x57: {  	_ =	shalt  }
0x58: {  	_ =	shalt  }
0x59: {  	_ =	shalt  }
0x5a: {  	_ =	shalt  }
0x5b: {  	_ =	shalt  }
0x5c: {  	_ =	shalt  }
0x5d: {  	_ =	shalt  }
0x5e: {  	_ =	shalt  }
0x5f: {  	_ =	shalt  }
0x60: {  	_ =	shalt  }
0x61: {  	_ =	shalt  }
0x62: {  	_ =	shalt  }
0x63: {  	_ =	shalt  }
0x64: {  	_ =	shalt  }
0x65: {  	_ =	shalt  }
0x66: {  	_ =	shalt  }
0x67: {  	_ =	shalt  }
0x68: {  	_ =	shalt  }
0x69: {  	_ =	shalt  }
0x6a: {  	_ =	shalt  }
0x6b: {  	_ =	shalt  }
0x6c: {  	_ =	shalt  }
0x6d: {  	_ =	shalt  }
0x6e: {  	_ =	shalt  }
0x6f: {  	_ =	shalt  }
0x70: {  	_ =	shalt  }
0x71: {  	_ =	shalt  }
0x72: {  	_ =	shalt  }
0x73: {  	_ =	shalt  }
0x74: {  	_ =	shalt  }
0x75: {  	_ =	shalt  }
0x76: {  	_ =	shalt  }
0x77: {  	_ =	shalt  }
0x78: {  	_ =	shalt  }
0x79: {  	_ =	shalt  }
0x7a: {  	_ =	shalt  }
0x7b: {  	_ =	shalt  }
0x7c: {  	_ =	shalt  }
0x7d: {  	_ =	shalt  }
0x7e: {  	_ =	shalt  }
0x7f: {  	_ =	shalt  }
0x80: {  	_ =	shalt  }
0x81: {  	_ =	shalt  }
0x82: {  	_ =	shalt  }
0x83: {  	_ =	shalt  }
0x84: {  	_ =	shalt  }
0x85: {  	_ =	shalt  }
0x86: {  	_ =	shalt  }
0x87: {  	_ =	shalt  }
.Lfunc_end0:
.L_simem_size_0:
called_computation.2_lowered:
.L_overlay_start_0:
0x88: {  	s2 =	sld [smem:$0x3FD9]  }
0x89: {  	s3 =	sld [smem:$0x3FFE];
	_ =	sdelay $0x1  }
0x8a: {  	s1 =	srdreg.scid  }
0x8b: {  	s0 =	sand.u32 $0x1, s1  }
0x8c: {  	s17 =	sshll.u32 s0, $0xA;
	s2 =	sadd.s32 s3, s2  }
0x8d: {  	s2 =	sadd.s32 s2, s17  }
0x8e: {  	[smem:$0x3FBC] =	sst s2  }
0x8f: {  	_ = 	snop  }
0x90: {  	s2 =	sld [smem:$0x3FD0];
	(tm) =	ssettm $0x1  }
0x91: {  	s18 =	sld [smem:$0x3FFB];
	_ =	sdelay $0x3  }
0x92: {  	_ =	strace s18  }
0x93: {  	s3 =	sld [smem:$0x3FFC];
	_ =	sdelay $0x3  }
0x94: {  	_ =	strace s3  }
0x95: {  	s3 =	sld [smem:$0x3FFD];
	_ =	sdelay $0x3  }
0x96: {  	_ =	strace s3  }
0x97: {  	_ =	strace $0x8FFFFFFF  }
0x98: {  	s19 =	sld [smem:$0x3FDB];
	_ =	sdelay $0x1  }
0x99: {  	s4 =	simm.s32 $_scs_section_size  }
0x9a: {  	s5 =	simm.s32 $_size__tile_overlayer_lowered;
	s6 =	simm.s32 $_tile_overlayer_lowered  }
0x9b: {  	s22 =	simm.s32 $0x1BFF;
	s21 =	sshll.u32 s6, $0x1;
	s3 =	sadd.s32 s4, s19  }
0x9c: {  	s7 =	simm.s32 $0x0;
	s20 =	sshll.u32 s5, $0x1;
	s5 =	sadd.s32 s21, s3  }
0x9d: {  	[timem:s7], [sflag:s22] =	dma.local [hbm:s5], s20  }
0x9e: {  	_ =	swait.ge [sflag:s22], s20  }
0x9f: {  	s4 =	ssub.s32 $0x0, s20;
	[sflag:s22] =	ssyncset.done $0x0  }
0xa0: {  	[sflag:s22] =	ssyncadd.s32 s4;
	_ =	sdelay $0x1  }
0xa1: {  	s23 =	simm.s32 $0x1B8B  }
0xa2: {  	_ =	swait.ge [sflag:s23], $0x1  }
0xa3: {  	[sflag:s23] =	ssyncset.done $0x0  }
0xa4: {  	s25 =	simm.s32 $0x1B8E;
	s24 =	sld [smem:$0x3FFE];
	[sflag:s23] =	ssyncadd.s32 $0xFFFFFFFF  }
0xa5: {  	s26 =	simm.s32 $execute0_lowered;
	[smem:$0x3FD2] =	sst s25  }
0xa6: {  	s5 =	sshll.u32 s26, $0x1;
	_ =	strace $0x8000004C;
	[dreg:$0x1] =	wrdreg $0xFFFFFFFF  }
0xa7: {  	s28 =	simm.s32 $_size_execute0_lowered;
	s3 =	sadd.s32 s3, s5;
	[dreg:$0x0] =	wrdreg $0x0  }
0xa8: {  	s5 =	sshll.u32 s28, $0x1;
	[dreg:$0x2] =	wrdreg s3  }
0xa9: {  	[dreg:$0x3] =	wrdreg s5  }
0xaa: {  	[dreg:$0x4] =	wrdreg $0xC0  }
0xab: {  	_ =	task [dreg:s7], $0x5FFFF  }
0xac: {  	[dreg:$0x1] =	wrdreg $0xFFFFFFFF  }
0xad: {  	[dreg:$0x0] =	wrdreg $0x60  }
0xae: {  	[dreg:$0x2] =	wrdreg s24  }
0xaf: {  	[dreg:$0x3] =	wrdreg s2  }
0xb0: {  	[dreg:$0x4] =	wrdreg $0xB8000  }
0xb1: {  	[dreg:$0x5] =	wrdreg $0x9  }
0xb2: {  	_ =	task.clear_ibuf [dreg:s7], $0x6FFFF;
	_ =	strace $0x9000004C  }
0xb3: {  	s29 =	simm.s32 $0x9;
	_ =	strace $0x8000004E  }
0xb4: {  	_ =	swait.ge [sflag:s29], $0x1  }
0xb5: {  	[sflag:s29] =	ssyncadd.s32 $0xFFFFFFFF  }
0xb6: {  	_ =	strace $0x9000004E  }
0xb7: {  	_ =	sfence  }
0xb8: {  	s30 =	sld [smem:$0x0];
	_ =	sdelay $0x2  }
0xb9: {  	s31 =	sshll.u32 s1, $0xD;
	s1 =	sshrl.u32 s1, $0x2  }
0xba: {  	s3 =	sand.u32 $0x4000, s31;
	s1 =	sadd.s32 s1, s30  }
0xbb: {  	s0 =	sor.u32 s3, s0;
	s1 =	sshll.u32 s1, $0x11  }
0xbc: {  	s0 =	sor.u32 s1, s0  }
0xbd: {  	s0 =	sadd.s32 $0x8F2B, s0  }
0xbe: {  	[sflag:s0] =	ssyncadd.remote.s32 $0x1  }
0xbf: {  	_ =	sfence.sel $0xFFFF  }
0xc0: {  	[dreg:$0x0] =	wrdreg $0xFFFFFFFF;
	(pc) =	sbr.abs _section_cstart, $3  }
0xc1: {  	[dreg:$0x1] =	wrdreg $0xFFFFFFFF  }
0xc2: {  	_ =	task.clear_ibuf [dreg:s7], $0x2FFFF;
	_ =	strace $0x9FFFFFFF  }
0xc3: {  	(tm) =	ssettm $0x7FFFFFFF  }
tec
execute0_lowered:
.L_overlay_start_1:
0x0: {  	(tag) =	ssettag $0x1  }
0x1: {  	s0 =	rddreg [dreg:$0x0]  }
0x2: {  	s2 =	rddreg [dreg:$0x1]  }
0x3: {  	s1 =	rddreg [dreg:$0x2]  }
0x4: {  	s3 =	srdreg.scid;
	s10 =	stileid.u32;
	s14 =	simm.s32 $0x7  }
0x5: {  	s15 =	simm.s32 $0x2C00;
	s16 =	simm.s32 $0x40;
	s17 =	simm.s32 $0x5800  }
0x6: {  	s18 =	simm.s32 $0x80;
	s19 =	simm.s32 $0x7800;
	s20 =	simm.s32 $0x100  }
0x7: {  	s28 =	simm.s32 $0x6;
	s29 =	simm.s32 $0x5300;
	s30 =	simm.s32 $0x5380  }
0x8: {  	s31 =	simm.s32 $0x5400;
	s5 =	sand.u32 $0x1, s3;
	s7 =	smul.u32 $0x13C00, s10  }
0x9: {  	s3 =	simm.s32 $0x0;
	s4 =	sadd.s32 $0x1C200, s0;
	s21 =	smul.u32 $0x4F000, s10  }
0xa: {  	s12 =	sadd.s32 $0x6BA00, s0;
	s8 =	sadd.s32 $0x19A00, s0;
	s9 =	smul.u32 $0x5800, s10  }
0xb: {  	s25 =	sshll.u32 s10, $0x6;
	s6 =	smul.u32 $0x13C000, s5;
	[smem:$0x7FF] =	sst s3  }
0xc: {  	s22 =	ssub.s32 $0x2, s5;
	s5 =	smul.u32 $0x58000, s5;
	_ =	strace $0x8000004D  }
0xd: {  	[dreg:$0x4] =	wrdreg s8;
	s23 =	sshrl.u32 s22, $0x1;
	s24 =	sshrl.u32 s21, $0x2  }
0xe: {  	s21 =	simm.s32 $0x9800;
	s6 =	sadd.s32 s7, s6;
	s8 =	ssub.s32 s22, s23  }
0xf: {  	s13 =	sadd.s32 s24, s1;
	s5 =	sadd.s32 s9, s5;
	s22 =	simm.s32 $0x1  }
0x10: {  	s23 =	simm.s32 $0x4;
	s24 =	simm.s32 $0x2;
	s6 =	sshrl.u32 s6, $0x3  }
0x11: {  	s8 =	smax.u32 s8, $0x1;
	s26 =	sshrl.u32 s5, $0x3;
	s13 =	sshrl.u32 s13, $0x3  }
0x12: {  	s0 =	sadd.s32 s6, s0;
	s6 =	sor.u32 $0x1C07, s25;
	s9 =	sadd.s32 s2, s26  }
0x13: {  	s10 =	sadd.s32 s12, s26;
	s25 =	simm.s32 $0x5;
	s0 =	sadd.s32 $0x81A00, s0  }
0x14: {  	[dreg:$0x5] =	wrdreg s0;
	s0 =	sadd.s32 $0x580, s26;
	s26 =	simm.s32 $0x3  }
0x15: {  	s11 =	sadd.s32 s2, s0;
	s12 =	sadd.s32 s12, s0;
	s0 =	simm.s32 $0x0  }
.LBB2_1:
0x16: {  	s2 =	rddreg [dreg:$0x4]  }
0x17: {  	[spmem:s13], [sflag:s6] =	dma.local [hbm:s2], $0x2780  }
0x18: {  	_ =	swait.ge [sflag:s14], $0x2780  }
0x19: {  	[sflag:s14] =	ssyncset.done $0x0  }
0x1a: {  	[sflag:s14] =	ssyncadd.s32 $0xFFFFD880  }
0x1b: {  	[bflag:$0x0] =	sbarrier.arrive $0xFFFF  }
0x1c: {  	[tilespmem:s3], [sflag:$0x7] =	stream.linear.gather [hbm4b:s9+s3], $0x2880, $0x38;
	[tilespmem:$0x1F400] =	vst v63  }
0x1d: {  	_ =	swait.ge [sflag:s14], $0x2880  }
0x1e: {  	[sflag:s14] =	ssyncset.done $0x0  }
0x1f: {  	[sflag:s14] =	ssyncadd.s32 $0xFFFFD780  }
0x20: {  	[tilespmem:s15], [sflag:$0x7] =	stream.linear.gather [hbm4b:s10+s3], $0x2880, $0x38;
	[tilespmem:$0x1F400] =	vst v63  }
0x21: {  	_ =	swait.ge [sflag:s14], $0x2880  }
0x22: {  	[sflag:s14] =	ssyncset.done $0x0  }
0x23: {  	[sflag:s14] =	ssyncadd.s32 $0xFFFFD780  }
0x24: {  	[tilespmem:s17], [sflag:$0x1] =	stream.indirect.gather [hbm4b:s4+s16], $0x80, s3, s16, $0xb8;
	[tilespmem:$0x1F400] =	vst v63  }
0x25: {  	_ = 	snop  }
0x26: {  	[tilespmem:s19], [sflag:$0x2] =	stream.indirect.gather [hbm4b:s4+s16], $0x80, s18, s16, $0xb8;
	[tilespmem:$0x1F400] =	vst v63  }
0x27: {  	_ = 	snop  }
0x28: {  	[tilespmem:s21], [sflag:$0x3] =	stream.indirect.gather [hbm4b:s4+s16], $0x80, s20, s16, $0xb8;
	[tilespmem:$0x1F400] =	vst v63  }
0x29: {  	_ =	swait.ge [sflag:s22], $0x2000  }
0x2a: {  	[sflag:s22] =	ssyncset.done $0x0  }
0x2b: {  	s7 =	simm.s32 $0x2C00;
	[sflag:s22] =	ssyncadd.s32 $0xFFFFE000  }
0x2c: {  	[spmem:s1] =	stream.indirect.scatter.add.f32 [tilespmem:s17], [sflag:$0x4], $0x80, s7, s16, $0xb8;
	[tilespmem:$0x1F400] =	vst v63  }
0x2d: {  	_ =	swait.ge [sflag:s23], $0x2000  }
0x2e: {  	[sflag:s23] =	ssyncset.done $0x0  }
0x2f: {  	s5 =	simm.s32 $0x180;
	[sflag:s23] =	ssyncadd.s32 $0xFFFFE000  }
0x30: {  	[tilespmem:s17], [sflag:$0x1] =	stream.indirect.gather [hbm4b:s4+s16], $0x80, s5, s16, $0xb8;
	[tilespmem:$0x1F400] =	vst v63  }
0x31: {  	_ =	swait.ge [sflag:s24], $0x2000  }
0x32: {  	[sflag:s24] =	ssyncset.done $0x0  }
0x33: {  	s7 =	simm.s32 $0x2C80;
	[sflag:s24] =	ssyncadd.s32 $0xFFFFE000  }
0x34: {  	[spmem:s1] =	stream.indirect.scatter.add.f32 [tilespmem:s19], [sflag:$0x5], $0x80, s7, s16, $0xb8;
	[tilespmem:$0x1F400] =	vst v63  }
0x35: {  	_ =	swait.ge [sflag:s25], $0x2000  }
0x36: {  	[sflag:s25] =	ssyncset.done $0x0  }
0x37: {  	s5 =	simm.s32 $0x200;
	[sflag:s25] =	ssyncadd.s32 $0xFFFFE000  }
0x38: {  	[tilespmem:s19], [sflag:$0x2] =	stream.indirect.gather [hbm4b:s4+s16], $0x80, s5, s16, $0xb8;
	[tilespmem:$0x1F400] =	vst v63  }
0x39: {  	_ =	swait.ge [sflag:s26], $0x2000  }
0x3a: {  	[sflag:s26] =	ssyncset.done $0x0  }
0x3b: {  	s7 =	simm.s32 $0x2D00;
	[sflag:s26] =	ssyncadd.s32 $0xFFFFE000  }
0x3c: {  	[spmem:s1] =	stream.indirect.scatter.add.f32 [tilespmem:s21], [sflag:$0x6], $0x80, s7, s16, $0xb8;
	[tilespmem:$0x1F400] =	vst v63  }
0x3d: {  	_ =	swait.ge [sflag:s28], $0x2000  }
0x3e: {  	[sflag:s28] =	ssyncset.done $0x0  }
0x3f: {  	s2 =	simm.s32 $0x600;
	s5 =	simm.s32 $0x280;
	[sflag:s28] =	ssyncadd.s32 $0xFFFFE000  }
.LBB2_2:
0x40: {  	[tilespmem:s21], [sflag:$0x3] =	stream.indirect.gather [hbm4b:s4+s16], $0x80, s5, s16, $0xb8;
	[tilespmem:$0x1F400] =	vst v63  }
0x41: {  	s5 =	smov.u32 s2  }
0x42: {  	p0 =	sne.s32 s2, $0x9600;
	s2 =	sadd.s32 $0x600, s2;
	_ =	swait.ge [sflag:s22], $0x2000  }
0x43: {  	s5 =	sshra.s32 s5, $0x2;
	[sflag:s22] =	ssyncset.done $0x0  }
0x44: {  	s7 =	sadd.s32 $0x2C00, s5;
	[sflag:s22] =	ssyncadd.s32 $0xFFFFE000  }
0x45: {  	[spmem:s1] =	stream.indirect.scatter.add.f32 [tilespmem:s17], [sflag:$0x4], $0x80, s7, s16, $0xb8;
	[tilespmem:$0x1F400] =	vst v63  }
0x46: {  	_ =	swait.ge [sflag:s23], $0x2000  }
0x47: {  	[sflag:s23] =	ssyncset.done $0x0  }
0x48: {  	s7 =	sadd.s32 $0x180, s5;
	[sflag:s23] =	ssyncadd.s32 $0xFFFFE000  }
0x49: {  	[tilespmem:s17], [sflag:$0x1] =	stream.indirect.gather [hbm4b:s4+s16], $0x80, s7, s16, $0xb8;
	[tilespmem:$0x1F400] =	vst v63  }
0x4a: {  	_ =	swait.ge [sflag:s24], $0x2000  }
0x4b: {  	[sflag:s24] =	ssyncset.done $0x0  }
0x4c: {  	s7 =	sadd.s32 $0x2C80, s5;
	[sflag:s24] =	ssyncadd.s32 $0xFFFFE000  }
0x4d: {  	[spmem:s1] =	stream.indirect.scatter.add.f32 [tilespmem:s19], [sflag:$0x5], $0x80, s7, s16, $0xb8;
	[tilespmem:$0x1F400] =	vst v63  }
0x4e: {  	_ =	swait.ge [sflag:s25], $0x2000  }
0x4f: {  	[sflag:s25] =	ssyncset.done $0x0  }
0x50: {  	s7 =	sadd.s32 $0x200, s5;
	[sflag:s25] =	ssyncadd.s32 $0xFFFFE000  }
0x51: {  	[tilespmem:s19], [sflag:$0x2] =	stream.indirect.gather [hbm4b:s4+s16], $0x80, s7, s16, $0xb8;
	[tilespmem:$0x1F400] =	vst v63  }
0x52: {  	_ =	swait.ge [sflag:s26], $0x2000  }
0x53: {  	[sflag:s26] =	ssyncset.done $0x0  }
.Ltmp0:
0x54: {  	s7 =	sadd.s32 $0x2D00, s5;
	[sflag:s26] =	ssyncadd.s32 $0xFFFFE000;
	(pc) =	sbr.rel @p0 .LBB2_2-.Ltmp0, $4  }
0x55: {  	[spmem:s1] =	stream.indirect.scatter.add.f32 [tilespmem:s21], [sflag:$0x6], $0x80, s7, s16, $0xb8;
	[tilespmem:$0x1F400] =	vst v63  }
0x56: {  	_ =	swait.ge [sflag:s28], $0x2000  }
0x57: {  	[sflag:s28] =	ssyncset.done $0x0  }
0x58: {  	s5 =	sadd.s32 $0x280, s5;
	[sflag:s28] =	ssyncadd.s32 $0xFFFFE000  }
0x59: {  	[tilespmem:s21], [sflag:$0x3] =	stream.indirect.gather [hbm4b:s4+s16], $0x80, s5, s16, $0xb8;
	[tilespmem:$0x1F400] =	vst v63  }
0x5a: {  	_ =	swait.ge [sflag:s22], $0x2000  }
0x5b: {  	[sflag:s22] =	ssyncset.done $0x0  }
0x5c: {  	[sflag:s22] =	ssyncadd.s32 $0xFFFFE000  }
0x5d: {  	[spmem:s1] =	stream.indirect.scatter.add.f32 [tilespmem:s17], [sflag:$0x7], $0x80, s29, s16, $0xb8;
	[tilespmem:$0x1F400] =	vst v63  }
0x5e: {  	_ =	swait.ge [sflag:s14], $0x2000  }
0x5f: {  	[sflag:s14] =	ssyncset.done $0x0  }
0x60: {  	[sflag:s14] =	ssyncadd.s32 $0xFFFFE000  }
0x61: {  	_ =	swait.ge [sflag:s24], $0x2000  }
0x62: {  	[sflag:s24] =	ssyncset.done $0x0  }
0x63: {  	[sflag:s24] =	ssyncadd.s32 $0xFFFFE000  }
0x64: {  	[spmem:s1] =	stream.indirect.scatter.add.f32 [tilespmem:s19], [sflag:$0x7], $0x80, s30, s16, $0xb8;
	[tilespmem:$0x1F400] =	vst v63  }
0x65: {  	_ =	swait.ge [sflag:s14], $0x2000  }
0x66: {  	[sflag:s14] =	ssyncset.done $0x0  }
0x67: {  	[sflag:s14] =	ssyncadd.s32 $0xFFFFE000  }
0x68: {  	_ =	swait.ge [sflag:s26], $0x2000  }
0x69: {  	[sflag:s26] =	ssyncset.done $0x0  }
0x6a: {  	[sflag:s26] =	ssyncadd.s32 $0xFFFFE000  }
0x6b: {  	[spmem:s1] =	stream.indirect.scatter.add.f32 [tilespmem:s21], [sflag:$0x7], $0x80, s31, s16, $0xb8;
	[tilespmem:$0x1F400] =	vst v63  }
0x6c: {  	_ =	swait.ge [sflag:s14], $0x2000  }
0x6d: {  	[sflag:s14] =	ssyncset.done $0x0  }
0x6e: {  	s2 =	simm.s32 $0x0;
	[sflag:s14] =	ssyncadd.s32 $0xFFFFE000  }
0x6f: {  	[tilespmem:s2], [sflag:$0x7] =	stream.linear.gather [hbm4b:s11+s2], $0x2880, $0x38;
	[tilespmem:$0x1F400] =	vst v63  }
0x70: {  	_ =	swait.ge [sflag:s14], $0x2880  }
0x71: {  	[sflag:s14] =	ssyncset.done $0x0  }
0x72: {  	[sflag:s14] =	ssyncadd.s32 $0xFFFFD780  }
0x73: {  	[tilespmem:s15], [sflag:$0x7] =	stream.linear.gather [hbm4b:s12+s2], $0x2880, $0x38;
	[tilespmem:$0x1F400] =	vst v63  }
0x74: {  	_ =	swait.ge [sflag:s14], $0x2880  }
0x75: {  	[sflag:s14] =	ssyncset.done $0x0  }
0x76: {  	[sflag:s14] =	ssyncadd.s32 $0xFFFFD780  }
0x77: {  	[tilespmem:s17], [sflag:$0x1] =	stream.indirect.gather [hbm4b:s4+s16], $0x80, s2, s16, $0xb8;
	[tilespmem:$0x1F400] =	vst v63  }
0x78: {  	_ = 	snop  }
0x79: {  	[tilespmem:s19], [sflag:$0x2] =	stream.indirect.gather [hbm4b:s4+s16], $0x80, s18, s16, $0xb8;
	[tilespmem:$0x1F400] =	vst v63  }
0x7a: {  	_ = 	snop  }
0x7b: {  	[tilespmem:s21], [sflag:$0x3] =	stream.indirect.gather [hbm4b:s4+s16], $0x80, s20, s16, $0xb8;
	[tilespmem:$0x1F400] =	vst v63  }
0x7c: {  	_ =	swait.ge [sflag:s22], $0x2000  }
0x7d: {  	[sflag:s22] =	ssyncset.done $0x0  }
0x7e: {  	s7 =	simm.s32 $0x2C00;
	[sflag:s22] =	ssyncadd.s32 $0xFFFFE000  }
0x7f: {  	[spmem:s1] =	stream.indirect.scatter.add.f32 [tilespmem:s17], [sflag:$0x4], $0x80, s7, s16, $0xb8;
	[tilespmem:$0x1F400] =	vst v63  }
0x80: {  	_ =	swait.ge [sflag:s23], $0x2000  }
0x81: {  	[sflag:s23] =	ssyncset.done $0x0  }
0x82: {  	s5 =	simm.s32 $0x180;
	[sflag:s23] =	ssyncadd.s32 $0xFFFFE000  }
0x83: {  	[tilespmem:s17], [sflag:$0x1] =	stream.indirect.gather [hbm4b:s4+s16], $0x80, s5, s16, $0xb8;
	[tilespmem:$0x1F400] =	vst v63  }
0x84: {  	_ =	swait.ge [sflag:s24], $0x2000  }
0x85: {  	[sflag:s24] =	ssyncset.done $0x0  }
0x86: {  	s7 =	simm.s32 $0x2C80;
	[sflag:s24] =	ssyncadd.s32 $0xFFFFE000  }
0x87: {  	[spmem:s1] =	stream.indirect.scatter.add.f32 [tilespmem:s19], [sflag:$0x5], $0x80, s7, s16, $0xb8;
	[tilespmem:$0x1F400] =	vst v63  }
0x88: {  	_ =	swait.ge [sflag:s25], $0x2000  }
0x89: {  	[sflag:s25] =	ssyncset.done $0x0  }
0x8a: {  	s5 =	simm.s32 $0x200;
	[sflag:s25] =	ssyncadd.s32 $0xFFFFE000  }
0x8b: {  	[tilespmem:s19], [sflag:$0x2] =	stream.indirect.gather [hbm4b:s4+s16], $0x80, s5, s16, $0xb8;
	[tilespmem:$0x1F400] =	vst v63  }
0x8c: {  	_ =	swait.ge [sflag:s26], $0x2000  }
0x8d: {  	[sflag:s26] =	ssyncset.done $0x0  }
0x8e: {  	s7 =	simm.s32 $0x2D00;
	[sflag:s26] =	ssyncadd.s32 $0xFFFFE000  }
0x8f: {  	[spmem:s1] =	stream.indirect.scatter.add.f32 [tilespmem:s21], [sflag:$0x6], $0x80, s7, s16, $0xb8;
	[tilespmem:$0x1F400] =	vst v63  }
0x90: {  	_ =	swait.ge [sflag:s28], $0x2000  }
0x91: {  	[sflag:s28] =	ssyncset.done $0x0  }
0x92: {  	s2 =	simm.s32 $0x600;
	s5 =	simm.s32 $0x280;
	[sflag:s28] =	ssyncadd.s32 $0xFFFFE000  }
.LBB2_4:
0x93: {  	[tilespmem:s21], [sflag:$0x3] =	stream.indirect.gather [hbm4b:s4+s16], $0x80, s5, s16, $0xb8;
	[tilespmem:$0x1F400] =	vst v63  }
0x94: {  	s5 =	smov.u32 s2  }
0x95: {  	p0 =	sne.s32 s2, $0x9600;
	s2 =	sadd.s32 $0x600, s2;
	_ =	swait.ge [sflag:s22], $0x2000  }
0x96: {  	s5 =	sshra.s32 s5, $0x2;
	[sflag:s22] =	ssyncset.done $0x0  }
0x97: {  	s7 =	sadd.s32 $0x2C00, s5;
	[sflag:s22] =	ssyncadd.s32 $0xFFFFE000  }
0x98: {  	[spmem:s1] =	stream.indirect.scatter.add.f32 [tilespmem:s17], [sflag:$0x4], $0x80, s7, s16, $0xb8;
	[tilespmem:$0x1F400] =	vst v63  }
0x99: {  	_ =	swait.ge [sflag:s23], $0x2000  }
0x9a: {  	[sflag:s23] =	ssyncset.done $0x0  }
0x9b: {  	s7 =	sadd.s32 $0x180, s5;
	[sflag:s23] =	ssyncadd.s32 $0xFFFFE000  }
0x9c: {  	[tilespmem:s17], [sflag:$0x1] =	stream.indirect.gather [hbm4b:s4+s16], $0x80, s7, s16, $0xb8;
	[tilespmem:$0x1F400] =	vst v63  }
0x9d: {  	_ =	swait.ge [sflag:s24], $0x2000  }
0x9e: {  	[sflag:s24] =	ssyncset.done $0x0  }
0x9f: {  	s7 =	sadd.s32 $0x2C80, s5;
	[sflag:s24] =	ssyncadd.s32 $0xFFFFE000  }
0xa0: {  	[spmem:s1] =	stream.indirect.scatter.add.f32 [tilespmem:s19], [sflag:$0x5], $0x80, s7, s16, $0xb8;
	[tilespmem:$0x1F400] =	vst v63  }
0xa1: {  	_ =	swait.ge [sflag:s25], $0x2000  }
0xa2: {  	[sflag:s25] =	ssyncset.done $0x0  }
0xa3: {  	s7 =	sadd.s32 $0x200, s5;
	[sflag:s25] =	ssyncadd.s32 $0xFFFFE000  }
0xa4: {  	[tilespmem:s19], [sflag:$0x2] =	stream.indirect.gather [hbm4b:s4+s16], $0x80, s7, s16, $0xb8;
	[tilespmem:$0x1F400] =	vst v63  }
0xa5: {  	_ =	swait.ge [sflag:s26], $0x2000  }
0xa6: {  	[sflag:s26] =	ssyncset.done $0x0  }
.Ltmp1:
0xa7: {  	s7 =	sadd.s32 $0x2D00, s5;
	[sflag:s26] =	ssyncadd.s32 $0xFFFFE000;
	(pc) =	sbr.rel @p0 .LBB2_4-.Ltmp1, $4  }
0xa8: {  	[spmem:s1] =	stream.indirect.scatter.add.f32 [tilespmem:s21], [sflag:$0x6], $0x80, s7, s16, $0xb8;
	[tilespmem:$0x1F400] =	vst v63  }
0xa9: {  	_ =	swait.ge [sflag:s28], $0x2000  }
0xaa: {  	[sflag:s28] =	ssyncset.done $0x0  }
0xab: {  	s5 =	sadd.s32 $0x280, s5;
	[sflag:s28] =	ssyncadd.s32 $0xFFFFE000  }
0xac: {  	[tilespmem:s21], [sflag:$0x3] =	stream.indirect.gather [hbm4b:s4+s16], $0x80, s5, s16, $0xb8;
	[tilespmem:$0x1F400] =	vst v63  }
0xad: {  	_ =	swait.ge [sflag:s22], $0x2000  }
0xae: {  	[sflag:s22] =	ssyncset.done $0x0  }
0xaf: {  	[sflag:s22] =	ssyncadd.s32 $0xFFFFE000  }
0xb0: {  	[spmem:s1] =	stream.indirect.scatter.add.f32 [tilespmem:s17], [sflag:$0x7], $0x80, s29, s16, $0xb8;
	[tilespmem:$0x1F400] =	vst v63  }
0xb1: {  	_ =	swait.ge [sflag:s14], $0x2000  }
0xb2: {  	[sflag:s14] =	ssyncset.done $0x0  }
0xb3: {  	[sflag:s14] =	ssyncadd.s32 $0xFFFFE000  }
0xb4: {  	_ =	swait.ge [sflag:s24], $0x2000  }
0xb5: {  	[sflag:s24] =	ssyncset.done $0x0  }
0xb6: {  	[sflag:s24] =	ssyncadd.s32 $0xFFFFE000  }
0xb7: {  	[spmem:s1] =	stream.indirect.scatter.add.f32 [tilespmem:s19], [sflag:$0x7], $0x80, s30, s16, $0xb8;
	[tilespmem:$0x1F400] =	vst v63  }
0xb8: {  	_ =	swait.ge [sflag:s14], $0x2000  }
0xb9: {  	[sflag:s14] =	ssyncset.done $0x0  }
0xba: {  	[sflag:s14] =	ssyncadd.s32 $0xFFFFE000  }
0xbb: {  	_ =	swait.ge [sflag:s26], $0x2000  }
0xbc: {  	[sflag:s26] =	ssyncset.done $0x0  }
0xbd: {  	[sflag:s26] =	ssyncadd.s32 $0xFFFFE000  }
0xbe: {  	[spmem:s1] =	stream.indirect.scatter.add.f32 [tilespmem:s21], [sflag:$0x7], $0x80, s31, s16, $0xb8;
	[tilespmem:$0x1F400] =	vst v63  }
0xbf: {  	_ =	swait.ge [sflag:s14], $0x2000  }
0xc0: {  	[sflag:s14] =	ssyncset.done $0x0  }
0xc1: {  	s0 =	sadd.s32 $0x1, s0;
	[sflag:s14] =	ssyncadd.s32 $0xFFFFE000  }
0xc2: {  	p0 =	sne.s32 s0, s8;
	[bflag:$0x0] =	sbarrier.arrive $0xFFFF  }
.Ltmp2:
0xc3: {  	s2 =	rddreg [dreg:$0x5];
	(pc) =	sbr.rel @p0 .LBB2_1-.Ltmp2, $4  }
0xc4: {  	[hbm:s2], [sflag:s6] =	dma.local [spmem:s13], $0x2780  }
0xc5: {  	_ =	swait.ge [sflag:s14], $0x2780  }
0xc6: {  	[sflag:s14] =	ssyncset.done $0x0  }
0xc7: {  	[sflag:s14] =	ssyncadd.s32 $0xFFFFD880  }
0xc8: {  	_ =	sfence.sel $0x180000  }
0xc9: {  	[bflag:$0x0] =	sbarrier.arrive $0xFFFF  }
0xca: {  	_ =	strace $0x9000004D  }
0xcb: {  	s0 =	stileid.u32;
	[bflag:$0x2] =	sbarrier.arrive $0xFFFF  }
0xcc: {  	p0 =	sne.s32 s0, $0x0;
	s0 =	rddreg [dreg:$0x3]  }
0xcd: {  	s0 =	sadd.s32 @!p0 $0x100000, s0  }
0xce: {  	[sflag:s0] =	ssyncadd.tile.s32 @!p0 $0x1;
	_ =	shalt  }
.Lfunc_end2:
_tile_overlayer_lowered:
.L_overlay_start_2:
0xcf: {  	(tag) =	ssettag $0x2  }
0xd0: {  	s0 =	rddreg [dreg:$0x0];
	s2 =	stileid.u32  }
0xd1: {  	s1 =	rddreg [dreg:$0x1];
	p0 =	sne.s32 s2, $0x0  }
0xd2: {  	s3 =	rddreg [dreg:$0x2];
	[bflag:$0x3] =	sbarrier.arrive $0xFFFF;
	s2 =	simm.s32 @!p0 $0x1C07  }
0xd3: {  	[timem:s3], [sflag:s2] =	dma.local @!p0 [hbm:s0], s1  }
0xd4: {  	s0 =	simm.s32 @!p0 $0x7  }
0xd5: {  	_ =	swait.ge @!p0 [sflag:s0], s1  }
0xd6: {  	s1 =	ssub.s32 @!p0 $0x0, s1;
	[sflag:s0] =	ssyncset.done @!p0 $0x0  }
0xd7: {  	[sflag:s0] =	ssyncadd.s32 @!p0 s1  }
0xd8: {  	[bflag:$0x3] =	sbarrier.arrive $0xFFFF  }
0xd9: {  	_ =	shalt  }

// kernel: kernel.19.cloned.1.call-start
scs
__scs_entry_jumppad:
0x0: {  	(pc) =	sbr.rel $0x88, $3  }
0x1: {  	(tag) =	ssettag $0x0;
	lr =	simm.s32 $0x1  }
0x2: {  	[smem:$0x3F95] =	sst lr;
	_ =	strace $0xD0000000  }
0x3: {  	_ = 	snop  }
0x4: {  	_ = 	snop  }
0x5: {  	_ = 	snop  }
0x6: {  	_ = 	snop  }
0x7: {  	_ = 	snop  }
__scs_overlays_trampoline_lowered:
0x8: {  	[smem:$0x3FA4] =	sst s0  }
0x9: {  	[smem:$0x3FA5] =	sst s1  }
0xa: {  	[smem:$0x3FA6] =	sst s2  }
0xb: {  	[smem:$0x3FA7] =	sst s3  }
0xc: {  	[smem:$0x3FA8] =	sst s4  }
0xd: {  	[smem:$0x3FA9] =	sst s5  }
0xe: {  	[smem:$0x3FAA] =	sst s6  }
0xf: {  	[smem:$0x3FAB] =	sst s7  }
0x10: {  	[smem:$0x3FAC] =	sst s8  }
0x11: {  	[smem:$0x3FAD] =	sst s9;
	s0 =	simm.s32 @!p0 $0x0  }
0x12: {  	s1 =	sld [smem:$0x3F93];
	s0 =	simm.s32 @p0 $0x1  }
0x13: {  	[smem:$0x3FAE] =	sst s0;
	s0 =	simm.s32 @!p1 $0x0  }
0x14: {  	s2 =	sld [smem:$0x3F92];
	s0 =	simm.s32 @p1 $0x1  }
0x15: {  	[smem:$0x3FAF] =	sst s0;
	s0 =	simm.s32 @!p2 $0x0  }
0x16: {  	s3 =	sld [smem:$0x3FDB];
	s0 =	simm.s32 @p2 $0x1  }
0x17: {  	s4 =	simm.s32 $0x1BF5;
	[smem:$0x3FB1] =	sst s0  }
0x18: {  	s0 =	sld [smem:$0x3F94];
	_ =	swait.ge [sflag:s4], $0x0  }
0x19: {  	s7 =	sld [smem:$0x3F95]  }
0x1a: {  	s8 =	sadd.s32 $0xFFFFE003, lr  }
0x1b: {  	s9 =	sadd.s32 $0xFFFFFEF7, lr;
	s5 =	simm.s32 $0xFFFFFFFF;
	p2 =	slt.u32 s8, $0xFFFFF086  }
0x1c: {  	p1 =	slt.u32 s9, $0xF7A;
	s5 =	simm.s32 @!p2 $0x0  }
0x1d: {  	s5 =	simm.s32 @p1 $0x1;
	p0 =	seq.s32 s7, s2  }
0x1e: {  	s7 =	smul.u32 @!p0 $0xF7A, s2;
	p2 =	seq.s32 @!p0 s5, $0x0  }
0x1f: {  	s9 =	smul.u32 $0xF7A, s1;
	s8 =	simm.s32 @!p0 $0x1BF5;
	p2 =	por !p2, p0  }
0x20: {  	[sflag:s8] =	ssyncset.s32 @!p0 $0xFFFFF086;
	s6 =	sadd.s32 @!p0 s3, s7;
	s7 =	simm.s32 @!p0 $0x108  }
0x21: {  	s3 =	sadd.s32 s3, s9;
	s6 =	sadd.s32 @!p0 $0x88, s6;
	s7 =	simm.s32 @p2 $0x1082  }
0x22: {  	[simem:s7], [sflag:s8] =	dma.local @!p0 [hbm:s6], $0xF7A  }
0x23: {  	s9 =	sor.u32 $0xD0000000, s2;
	s6 =	simm.s32 $0x108;
	_ =	swait.ge @!p0 [sflag:s8], $0x0  }
0x24: {  	s3 =	sadd.s32 $0x88, s3;
	s6 =	simm.s32 @!p1 $0x1082;
	[sflag:s4] =	ssyncset.s32 $0xFFFFF086  }
0x25: {  	[simem:s6], [sflag:s4] =	dma.local [hbm:s3], $0xF7A  }
0x26: {  	[smem:$0x3F95] =	sst s1;
	(tag) =	ssettag s2;
	_ =	strace s9  }
0x27: {  	s1 =	sld [smem:$0x3FA5]  }
0x28: {  	s2 =	sld [smem:$0x3FA6]  }
0x29: {  	s4 =	sld [smem:$0x3FA8]  }
0x2a: {  	p0 =	seq.s32 s5, $0x0;
	s5 =	sld [smem:$0x3FA9]  }
0x2b: {  	s6 =	sld [smem:$0x3FAA]  }
0x2c: {  	s7 =	sld [smem:$0x3FAB]  }
0x2d: {  	s3 =	simm.s32 $0x108;
	s8 =	sld [smem:$0x3FAC]  }
0x2e: {  	s3 =	simm.s32 @!p0 $0x1082;
	s9 =	sld [smem:$0x3FAD]  }
0x2f: {  	lr =	sadd.s32 s0, s3;
	s0 =	sld [smem:$0x3FA4]  }
0x30: {  	s3 =	sld [smem:$0x3FA7]  }
0x31: {  	[smem:$0x3FB0] =	sst s10  }
0x32: {  	s10 =	sld [smem:$0x3FAE];
	_ =	sdelay $0x3  }
0x33: {  	p0 =	seq.s32 s10, $0x1;
	s10 =	sld [smem:$0x3FB0];
	_ =	sdelay $0x3  }
0x34: {  	[smem:$0x3FB0] =	sst s10  }
0x35: {  	s10 =	sld [smem:$0x3FAF];
	_ =	sdelay $0x3  }
0x36: {  	p1 =	seq.s32 s10, $0x1;
	s10 =	sld [smem:$0x3FB0];
	_ =	sdelay $0x3  }
0x37: {  	[smem:$0x3FB0] =	sst s10  }
0x38: {  	s10 =	sld [smem:$0x3FB1]  }
0x39: {  	_ = 	snop;
	(pc) =	sbr.ind lr, $3  }
0x3a: {  	_ = 	snop  }
0x3b: {  	_ = 	snop  }
0x3c: {  	p2 =	seq.s32 s10, $0x1;
	s10 =	sld [smem:$0x3FB0]  }
0x3d: {  	_ =	shalt  }
0x3e: {  	_ =	shalt  }
0x3f: {  	_ =	shalt  }
0x40: {  	_ =	shalt  }
0x41: {  	_ =	shalt  }
0x42: {  	_ =	shalt  }
0x43: {  	_ =	shalt  }
0x44: {  	_ =	shalt  }
0x45: {  	_ =	shalt  }
0x46: {  	_ =	shalt  }
0x47: {  	_ =	shalt  }
0x48: {  	_ =	shalt  }
0x49: {  	_ =	shalt  }
0x4a: {  	_ =	shalt  }
0x4b: {  	_ =	shalt  }
0x4c: {  	_ =	shalt  }
0x4d: {  	_ =	shalt  }
0x4e: {  	_ =	shalt  }
0x4f: {  	_ =	shalt  }
0x50: {  	_ =	shalt  }
0x51: {  	_ =	shalt  }
0x52: {  	_ =	shalt  }
0x53: {  	_ =	shalt  }
0x54: {  	_ =	shalt  }
0x55: {  	_ =	shalt  }
0x56: {  	_ =	shalt  }
0x57: {  	_ =	shalt  }
0x58: {  	_ =	shalt  }
0x59: {  	_ =	shalt  }
0x5a: {  	_ =	shalt  }
0x5b: {  	_ =	shalt  }
0x5c: {  	_ =	shalt  }
0x5d: {  	_ =	shalt  }
0x5e: {  	_ =	shalt  }
0x5f: {  	_ =	shalt  }
0x60: {  	_ =	shalt  }
0x61: {  	_ =	shalt  }
0x62: {  	_ =	shalt  }
0x63: {  	_ =	shalt  }
0x64: {  	_ =	shalt  }
0x65: {  	_ =	shalt  }
0x66: {  	_ =	shalt  }
0x67: {  	_ =	shalt  }
0x68: {  	_ =	shalt  }
0x69: {  	_ =	shalt  }
0x6a: {  	_ =	shalt  }
0x6b: {  	_ =	shalt  }
0x6c: {  	_ =	shalt  }
0x6d: {  	_ =	shalt  }
0x6e: {  	_ =	shalt  }
0x6f: {  	_ =	shalt  }
0x70: {  	_ =	shalt  }
0x71: {  	_ =	shalt  }
0x72: {  	_ =	shalt  }
0x73: {  	_ =	shalt  }
0x74: {  	_ =	shalt  }
0x75: {  	_ =	shalt  }
0x76: {  	_ =	shalt  }
0x77: {  	_ =	shalt  }
0x78: {  	_ =	shalt  }
0x79: {  	_ =	shalt  }
0x7a: {  	_ =	shalt  }
0x7b: {  	_ =	shalt  }
0x7c: {  	_ =	shalt  }
0x7d: {  	_ =	shalt  }
0x7e: {  	_ =	shalt  }
0x7f: {  	_ =	shalt  }
0x80: {  	_ =	shalt  }
0x81: {  	_ =	shalt  }
0x82: {  	_ =	shalt  }
0x83: {  	_ =	shalt  }
0x84: {  	_ =	shalt  }
0x85: {  	_ =	shalt  }
0x86: {  	_ =	shalt  }
0x87: {  	_ =	shalt  }
.Lfunc_end0:
.L_simem_size_0:
called_computation.3_lowered:
.L_overlay_start_0:
0x88: {  	s2 =	sld [smem:$0x3FD9]  }
0x89: {  	s3 =	sld [smem:$0x3FFE];
	_ =	sdelay $0x1  }
0x8a: {  	s1 =	srdreg.scid  }
0x8b: {  	s0 =	sand.u32 $0x1, s1  }
0x8c: {  	s17 =	sshll.u32 s0, $0xA;
	s2 =	sadd.s32 s3, s2  }
0x8d: {  	s2 =	sadd.s32 s2, s17  }
0x8e: {  	[smem:$0x3FBC] =	sst s2  }
0x8f: {  	_ = 	snop  }
0x90: {  	s2 =	sld [smem:$0x3FD0];
	(tm) =	ssettm $0x1  }
0x91: {  	s18 =	sld [smem:$0x3FFB];
	_ =	sdelay $0x3  }
0x92: {  	_ =	strace s18  }
0x93: {  	s3 =	sld [smem:$0x3FFC];
	_ =	sdelay $0x3  }
0x94: {  	_ =	strace s3  }
0x95: {  	s3 =	sld [smem:$0x3FFD];
	_ =	sdelay $0x3  }
0x96: {  	_ =	strace s3  }
0x97: {  	_ =	strace $0x8FFFFFFF  }
0x98: {  	s19 =	sld [smem:$0x3FDB];
	_ =	sdelay $0x1  }
0x99: {  	s4 =	simm.s32 $_scs_section_size  }
0x9a: {  	s5 =	simm.s32 $_size__tile_overlayer_lowered;
	s6 =	simm.s32 $_tile_overlayer_lowered  }
0x9b: {  	s22 =	simm.s32 $0x1BFF;
	s21 =	sshll.u32 s6, $0x1;
	s3 =	sadd.s32 s4, s19  }
0x9c: {  	s7 =	simm.s32 $0x0;
	s20 =	sshll.u32 s5, $0x1;
	s5 =	sadd.s32 s21, s3  }
0x9d: {  	[timem:s7], [sflag:s22] =	dma.local [hbm:s5], s20  }
0x9e: {  	_ =	swait.ge [sflag:s22], s20  }
0x9f: {  	s4 =	ssub.s32 $0x0, s20;
	[sflag:s22] =	ssyncset.done $0x0  }
0xa0: {  	[sflag:s22] =	ssyncadd.s32 s4;
	_ =	sdelay $0x1  }
0xa1: {  	s23 =	simm.s32 $0x1B8B  }
0xa2: {  	_ =	swait.ge [sflag:s23], $0x1  }
0xa3: {  	[sflag:s23] =	ssyncset.done $0x0  }
0xa4: {  	s25 =	simm.s32 $0x1B8E;
	s24 =	sld [smem:$0x3FFE];
	[sflag:s23] =	ssyncadd.s32 $0xFFFFFFFF  }
0xa5: {  	s26 =	simm.s32 $execute0_lowered;
	[smem:$0x3FD2] =	sst s25  }
0xa6: {  	s5 =	sshll.u32 s26, $0x1;
	_ =	strace $0x8000004F;
	[dreg:$0x1] =	wrdreg $0xFFFFFFFF  }
0xa7: {  	s28 =	simm.s32 $_size_execute0_lowered;
	s3 =	sadd.s32 s3, s5;
	[dreg:$0x0] =	wrdreg $0x0  }
0xa8: {  	s5 =	sshll.u32 s28, $0x1;
	[dreg:$0x2] =	wrdreg s3  }
0xa9: {  	[dreg:$0x3] =	wrdreg s5  }
0xaa: {  	[dreg:$0x4] =	wrdreg $0xC0  }
0xab: {  	_ =	task [dreg:s7], $0x5FFFF  }
0xac: {  	[dreg:$0x1] =	wrdreg $0xFFFFFFFF  }
0xad: {  	[dreg:$0x0] =	wrdreg $0x60  }
0xae: {  	[dreg:$0x2] =	wrdreg s24  }
0xaf: {  	[dreg:$0x3] =	wrdreg s2  }
0xb0: {  	[dreg:$0x4] =	wrdreg $0xB8000  }
0xb1: {  	[dreg:$0x5] =	wrdreg $0x9  }
0xb2: {  	_ =	task.clear_ibuf [dreg:s7], $0x6FFFF;
	_ =	strace $0x9000004F  }
0xb3: {  	s29 =	simm.s32 $0x9;
	_ =	strace $0x80000051  }
0xb4: {  	_ =	swait.ge [sflag:s29], $0x1  }
0xb5: {  	[sflag:s29] =	ssyncadd.s32 $0xFFFFFFFF  }
0xb6: {  	_ =	strace $0x90000051  }
0xb7: {  	_ =	sfence  }
0xb8: {  	s30 =	sld [smem:$0x0];
	_ =	sdelay $0x2  }
0xb9: {  	s31 =	sshll.u32 s1, $0xD;
	s1 =	sshrl.u32 s1, $0x2  }
0xba: {  	s3 =	sand.u32 $0x4000, s31;
	s1 =	sadd.s32 s1, s30  }
0xbb: {  	s0 =	sor.u32 s3, s0;
	s1 =	sshll.u32 s1, $0x11  }
0xbc: {  	s0 =	sor.u32 s1, s0  }
0xbd: {  	s0 =	sadd.s32 $0x8F2B, s0  }
0xbe: {  	[sflag:s0] =	ssyncadd.remote.s32 $0x1  }
0xbf: {  	_ =	sfence.sel $0xFFFF  }
0xc0: {  	[dreg:$0x0] =	wrdreg $0xFFFFFFFF;
	(pc) =	sbr.abs _section_cstart, $3  }
0xc1: {  	[dreg:$0x1] =	wrdreg $0xFFFFFFFF  }
0xc2: {  	_ =	task.clear_ibuf [dreg:s7], $0x2FFFF;
	_ =	strace $0x9FFFFFFF  }
0xc3: {  	(tm) =	ssettm $0x7FFFFFFF  }
tec
execute0_lowered:
.L_overlay_start_1:
0x0: {  	(tag) =	ssettag $0x1  }
0x1: {  	s0 =	rddreg [dreg:$0x0]  }
0x2: {  	s2 =	rddreg [dreg:$0x1]  }
0x3: {  	s1 =	rddreg [dreg:$0x2]  }
0x4: {  	s3 =	srdreg.scid;
	s10 =	stileid.u32;
	s14 =	simm.s32 $0x7  }
0x5: {  	s15 =	simm.s32 $0x2C00;
	s16 =	simm.s32 $0x40;
	s17 =	simm.s32 $0x5800  }
0x6: {  	s18 =	simm.s32 $0x80;
	s19 =	simm.s32 $0x7800;
	s20 =	simm.s32 $0x100  }
0x7: {  	s28 =	simm.s32 $0x6;
	s29 =	simm.s32 $0x5300;
	s30 =	simm.s32 $0x5380  }
0x8: {  	s31 =	simm.s32 $0x5400;
	s5 =	sand.u32 $0x1, s3;
	s7 =	smul.u32 $0x13C00, s10  }
0x9: {  	s3 =	simm.s32 $0x0;
	s4 =	sadd.s32 $0x1C200, s0;
	s21 =	smul.u32 $0x4F000, s10  }
0xa: {  	s12 =	sadd.s32 $0x6BA00, s0;
	s8 =	sadd.s32 $0x19A00, s0;
	s9 =	smul.u32 $0x5800, s10  }
0xb: {  	s25 =	sshll.u32 s10, $0x6;
	s6 =	smul.u32 $0x13C000, s5;
	[smem:$0x7FF] =	sst s3  }
0xc: {  	s22 =	ssub.s32 $0x2, s5;
	s5 =	smul.u32 $0x58000, s5;
	_ =	strace $0x80000050  }
0xd: {  	[dreg:$0x4] =	wrdreg s8;
	s23 =	sshrl.u32 s22, $0x1;
	s24 =	sshrl.u32 s21, $0x2  }
0xe: {  	s21 =	simm.s32 $0x9800;
	s6 =	sadd.s32 s7, s6;
	s8 =	ssub.s32 s22, s23  }
0xf: {  	s13 =	sadd.s32 s24, s1;
	s5 =	sadd.s32 s9, s5;
	s22 =	simm.s32 $0x1  }
0x10: {  	s23 =	simm.s32 $0x4;
	s24 =	simm.s32 $0x2;
	s6 =	sshrl.u32 s6, $0x3  }
0x11: {  	s8 =	smax.u32 s8, $0x1;
	s26 =	sshrl.u32 s5, $0x3;
	s13 =	sshrl.u32 s13, $0x3  }
0x12: {  	s0 =	sadd.s32 s6, s0;
	s6 =	sor.u32 $0x1C07, s25;
	s9 =	sadd.s32 s2, s26  }
0x13: {  	s10 =	sadd.s32 s12, s26;
	s25 =	simm.s32 $0x5;
	s0 =	sadd.s32 $0x81A00, s0  }
0x14: {  	[dreg:$0x5] =	wrdreg s0;
	s0 =	sadd.s32 $0x580, s26;
	s26 =	simm.s32 $0x3  }
0x15: {  	s11 =	sadd.s32 s2, s0;
	s12 =	sadd.s32 s12, s0;
	s0 =	simm.s32 $0x0  }
.LBB2_1:
0x16: {  	s2 =	rddreg [dreg:$0x4]  }
0x17: {  	[spmem:s13], [sflag:s6] =	dma.local [hbm:s2], $0x2780  }
0x18: {  	_ =	swait.ge [sflag:s14], $0x2780  }
0x19: {  	[sflag:s14] =	ssyncset.done $0x0  }
0x1a: {  	[sflag:s14] =	ssyncadd.s32 $0xFFFFD880  }
0x1b: {  	[bflag:$0x0] =	sbarrier.arrive $0xFFFF  }
0x1c: {  	[tilespmem:s3], [sflag:$0x7] =	stream.linear.gather [hbm4b:s9+s3], $0x2880, $0x38;
	[tilespmem:$0x1F400] =	vst v63  }
0x1d: {  	_ =	swait.ge [sflag:s14], $0x2880  }
0x1e: {  	[sflag:s14] =	ssyncset.done $0x0  }
0x1f: {  	[sflag:s14] =	ssyncadd.s32 $0xFFFFD780  }
0x20: {  	[tilespmem:s15], [sflag:$0x7] =	stream.linear.gather [hbm4b:s10+s3], $0x2880, $0x38;
	[tilespmem:$0x1F400] =	vst v63  }
0x21: {  	_ =	swait.ge [sflag:s14], $0x2880  }
0x22: {  	[sflag:s14] =	ssyncset.done $0x0  }
0x23: {  	[sflag:s14] =	ssyncadd.s32 $0xFFFFD780  }
0x24: {  	[tilespmem:s17], [sflag:$0x1] =	stream.indirect.gather [hbm4b:s4+s16], $0x80, s3, s16, $0xb8;
	[tilespmem:$0x1F400] =	vst v63  }
0x25: {  	_ = 	snop  }
0x26: {  	[tilespmem:s19], [sflag:$0x2] =	stream.indirect.gather [hbm4b:s4+s16], $0x80, s18, s16, $0xb8;
	[tilespmem:$0x1F400] =	vst v63  }
0x27: {  	_ = 	snop  }
0x28: {  	[tilespmem:s21], [sflag:$0x3] =	stream.indirect.gather [hbm4b:s4+s16], $0x80, s20, s16, $0xb8;
	[tilespmem:$0x1F400] =	vst v63  }
0x29: {  	_ =	swait.ge [sflag:s22], $0x2000  }
0x2a: {  	[sflag:s22] =	ssyncset.done $0x0  }
0x2b: {  	s7 =	simm.s32 $0x2C00;
	[sflag:s22] =	ssyncadd.s32 $0xFFFFE000  }
0x2c: {  	[spmem:s1] =	stream.indirect.scatter.add.f32 [tilespmem:s17], [sflag:$0x4], $0x80, s7, s16, $0xb8;
	[tilespmem:$0x1F400] =	vst v63  }
0x2d: {  	_ =	swait.ge [sflag:s23], $0x2000  }
0x2e: {  	[sflag:s23] =	ssyncset.done $0x0  }
0x2f: {  	s5 =	simm.s32 $0x180;
	[sflag:s23] =	ssyncadd.s32 $0xFFFFE000  }
0x30: {  	[tilespmem:s17], [sflag:$0x1] =	stream.indirect.gather [hbm4b:s4+s16], $0x80, s5, s16, $0xb8;
	[tilespmem:$0x1F400] =	vst v63  }
0x31: {  	_ =	swait.ge [sflag:s24], $0x2000  }
0x32: {  	[sflag:s24] =	ssyncset.done $0x0  }
0x33: {  	s7 =	simm.s32 $0x2C80;
	[sflag:s24] =	ssyncadd.s32 $0xFFFFE000  }
0x34: {  	[spmem:s1] =	stream.indirect.scatter.add.f32 [tilespmem:s19], [sflag:$0x5], $0x80, s7, s16, $0xb8;
	[tilespmem:$0x1F400] =	vst v63  }
0x35: {  	_ =	swait.ge [sflag:s25], $0x2000  }
0x36: {  	[sflag:s25] =	ssyncset.done $0x0  }
0x37: {  	s5 =	simm.s32 $0x200;
	[sflag:s25] =	ssyncadd.s32 $0xFFFFE000  }
0x38: {  	[tilespmem:s19], [sflag:$0x2] =	stream.indirect.gather [hbm4b:s4+s16], $0x80, s5, s16, $0xb8;
	[tilespmem:$0x1F400] =	vst v63  }
0x39: {  	_ =	swait.ge [sflag:s26], $0x2000  }
0x3a: {  	[sflag:s26] =	ssyncset.done $0x0  }
0x3b: {  	s7 =	simm.s32 $0x2D00;
	[sflag:s26] =	ssyncadd.s32 $0xFFFFE000  }
0x3c: {  	[spmem:s1] =	stream.indirect.scatter.add.f32 [tilespmem:s21], [sflag:$0x6], $0x80, s7, s16, $0xb8;
	[tilespmem:$0x1F400] =	vst v63  }
0x3d: {  	_ =	swait.ge [sflag:s28], $0x2000  }
0x3e: {  	[sflag:s28] =	ssyncset.done $0x0  }
0x3f: {  	s2 =	simm.s32 $0x600;
	s5 =	simm.s32 $0x280;
	[sflag:s28] =	ssyncadd.s32 $0xFFFFE000  }
.LBB2_2:
0x40: {  	[tilespmem:s21], [sflag:$0x3] =	stream.indirect.gather [hbm4b:s4+s16], $0x80, s5, s16, $0xb8;
	[tilespmem:$0x1F400] =	vst v63  }
0x41: {  	s5 =	smov.u32 s2  }
0x42: {  	p0 =	sne.s32 s2, $0x9600;
	s2 =	sadd.s32 $0x600, s2;
	_ =	swait.ge [sflag:s22], $0x2000  }
0x43: {  	s5 =	sshra.s32 s5, $0x2;
	[sflag:s22] =	ssyncset.done $0x0  }
0x44: {  	s7 =	sadd.s32 $0x2C00, s5;
	[sflag:s22] =	ssyncadd.s32 $0xFFFFE000  }
0x45: {  	[spmem:s1] =	stream.indirect.scatter.add.f32 [tilespmem:s17], [sflag:$0x4], $0x80, s7, s16, $0xb8;
	[tilespmem:$0x1F400] =	vst v63  }
0x46: {  	_ =	swait.ge [sflag:s23], $0x2000  }
0x47: {  	[sflag:s23] =	ssyncset.done $0x0  }
0x48: {  	s7 =	sadd.s32 $0x180, s5;
	[sflag:s23] =	ssyncadd.s32 $0xFFFFE000  }
0x49: {  	[tilespmem:s17], [sflag:$0x1] =	stream.indirect.gather [hbm4b:s4+s16], $0x80, s7, s16, $0xb8;
	[tilespmem:$0x1F400] =	vst v63  }
0x4a: {  	_ =	swait.ge [sflag:s24], $0x2000  }
0x4b: {  	[sflag:s24] =	ssyncset.done $0x0  }
0x4c: {  	s7 =	sadd.s32 $0x2C80, s5;
	[sflag:s24] =	ssyncadd.s32 $0xFFFFE000  }
0x4d: {  	[spmem:s1] =	stream.indirect.scatter.add.f32 [tilespmem:s19], [sflag:$0x5], $0x80, s7, s16, $0xb8;
	[tilespmem:$0x1F400] =	vst v63  }
0x4e: {  	_ =	swait.ge [sflag:s25], $0x2000  }
0x4f: {  	[sflag:s25] =	ssyncset.done $0x0  }
0x50: {  	s7 =	sadd.s32 $0x200, s5;
	[sflag:s25] =	ssyncadd.s32 $0xFFFFE000  }
0x51: {  	[tilespmem:s19], [sflag:$0x2] =	stream.indirect.gather [hbm4b:s4+s16], $0x80, s7, s16, $0xb8;
	[tilespmem:$0x1F400] =	vst v63  }
0x52: {  	_ =	swait.ge [sflag:s26], $0x2000  }
0x53: {  	[sflag:s26] =	ssyncset.done $0x0  }
.Ltmp0:
0x54: {  	s7 =	sadd.s32 $0x2D00, s5;
	[sflag:s26] =	ssyncadd.s32 $0xFFFFE000;
	(pc) =	sbr.rel @p0 .LBB2_2-.Ltmp0, $4  }
0x55: {  	[spmem:s1] =	stream.indirect.scatter.add.f32 [tilespmem:s21], [sflag:$0x6], $0x80, s7, s16, $0xb8;
	[tilespmem:$0x1F400] =	vst v63  }
0x56: {  	_ =	swait.ge [sflag:s28], $0x2000  }
0x57: {  	[sflag:s28] =	ssyncset.done $0x0  }
0x58: {  	s5 =	sadd.s32 $0x280, s5;
	[sflag:s28] =	ssyncadd.s32 $0xFFFFE000  }
0x59: {  	[tilespmem:s21], [sflag:$0x3] =	stream.indirect.gather [hbm4b:s4+s16], $0x80, s5, s16, $0xb8;
	[tilespmem:$0x1F400] =	vst v63  }
0x5a: {  	_ =	swait.ge [sflag:s22], $0x2000  }
0x5b: {  	[sflag:s22] =	ssyncset.done $0x0  }
0x5c: {  	[sflag:s22] =	ssyncadd.s32 $0xFFFFE000  }
0x5d: {  	[spmem:s1] =	stream.indirect.scatter.add.f32 [tilespmem:s17], [sflag:$0x7], $0x80, s29, s16, $0xb8;
	[tilespmem:$0x1F400] =	vst v63  }
0x5e: {  	_ =	swait.ge [sflag:s14], $0x2000  }
0x5f: {  	[sflag:s14] =	ssyncset.done $0x0  }
0x60: {  	[sflag:s14] =	ssyncadd.s32 $0xFFFFE000  }
0x61: {  	_ =	swait.ge [sflag:s24], $0x2000  }
0x62: {  	[sflag:s24] =	ssyncset.done $0x0  }
0x63: {  	[sflag:s24] =	ssyncadd.s32 $0xFFFFE000  }
0x64: {  	[spmem:s1] =	stream.indirect.scatter.add.f32 [tilespmem:s19], [sflag:$0x7], $0x80, s30, s16, $0xb8;
	[tilespmem:$0x1F400] =	vst v63  }
0x65: {  	_ =	swait.ge [sflag:s14], $0x2000  }
0x66: {  	[sflag:s14] =	ssyncset.done $0x0  }
0x67: {  	[sflag:s14] =	ssyncadd.s32 $0xFFFFE000  }
0x68: {  	_ =	swait.ge [sflag:s26], $0x2000  }
0x69: {  	[sflag:s26] =	ssyncset.done $0x0  }
0x6a: {  	[sflag:s26] =	ssyncadd.s32 $0xFFFFE000  }
0x6b: {  	[spmem:s1] =	stream.indirect.scatter.add.f32 [tilespmem:s21], [sflag:$0x7], $0x80, s31, s16, $0xb8;
	[tilespmem:$0x1F400] =	vst v63  }
0x6c: {  	_ =	swait.ge [sflag:s14], $0x2000  }
0x6d: {  	[sflag:s14] =	ssyncset.done $0x0  }
0x6e: {  	s2 =	simm.s32 $0x0;
	[sflag:s14] =	ssyncadd.s32 $0xFFFFE000  }
0x6f: {  	[tilespmem:s2], [sflag:$0x7] =	stream.linear.gather [hbm4b:s11+s2], $0x2880, $0x38;
	[tilespmem:$0x1F400] =	vst v63  }
0x70: {  	_ =	swait.ge [sflag:s14], $0x2880  }
0x71: {  	[sflag:s14] =	ssyncset.done $0x0  }
0x72: {  	[sflag:s14] =	ssyncadd.s32 $0xFFFFD780  }
0x73: {  	[tilespmem:s15], [sflag:$0x7] =	stream.linear.gather [hbm4b:s12+s2], $0x2880, $0x38;
	[tilespmem:$0x1F400] =	vst v63  }
0x74: {  	_ =	swait.ge [sflag:s14], $0x2880  }
0x75: {  	[sflag:s14] =	ssyncset.done $0x0  }
0x76: {  	[sflag:s14] =	ssyncadd.s32 $0xFFFFD780  }
0x77: {  	[tilespmem:s17], [sflag:$0x1] =	stream.indirect.gather [hbm4b:s4+s16], $0x80, s2, s16, $0xb8;
	[tilespmem:$0x1F400] =	vst v63  }
0x78: {  	_ = 	snop  }
0x79: {  	[tilespmem:s19], [sflag:$0x2] =	stream.indirect.gather [hbm4b:s4+s16], $0x80, s18, s16, $0xb8;
	[tilespmem:$0x1F400] =	vst v63  }
0x7a: {  	_ = 	snop  }
0x7b: {  	[tilespmem:s21], [sflag:$0x3] =	stream.indirect.gather [hbm4b:s4+s16], $0x80, s20, s16, $0xb8;
	[tilespmem:$0x1F400] =	vst v63  }
0x7c: {  	_ =	swait.ge [sflag:s22], $0x2000  }
0x7d: {  	[sflag:s22] =	ssyncset.done $0x0  }
0x7e: {  	s7 =	simm.s32 $0x2C00;
	[sflag:s22] =	ssyncadd.s32 $0xFFFFE000  }
0x7f: {  	[spmem:s1] =	stream.indirect.scatter.add.f32 [tilespmem:s17], [sflag:$0x4], $0x80, s7, s16, $0xb8;
	[tilespmem:$0x1F400] =	vst v63  }
0x80: {  	_ =	swait.ge [sflag:s23], $0x2000  }
0x81: {  	[sflag:s23] =	ssyncset.done $0x0  }
0x82: {  	s5 =	simm.s32 $0x180;
	[sflag:s23] =	ssyncadd.s32 $0xFFFFE000  }
0x83: {  	[tilespmem:s17], [sflag:$0x1] =	stream.indirect.gather [hbm4b:s4+s16], $0x80, s5, s16, $0xb8;
	[tilespmem:$0x1F400] =	vst v63  }
0x84: {  	_ =	swait.ge [sflag:s24], $0x2000  }
0x85: {  	[sflag:s24] =	ssyncset.done $0x0  }
0x86: {  	s7 =	simm.s32 $0x2C80;
	[sflag:s24] =	ssyncadd.s32 $0xFFFFE000  }
0x87: {  	[spmem:s1] =	stream.indirect.scatter.add.f32 [tilespmem:s19], [sflag:$0x5], $0x80, s7, s16, $0xb8;
	[tilespmem:$0x1F400] =	vst v63  }
0x88: {  	_ =	swait.ge [sflag:s25], $0x2000  }
0x89: {  	[sflag:s25] =	ssyncset.done $0x0  }
0x8a: {  	s5 =	simm.s32 $0x200;
	[sflag:s25] =	ssyncadd.s32 $0xFFFFE000  }
0x8b: {  	[tilespmem:s19], [sflag:$0x2] =	stream.indirect.gather [hbm4b:s4+s16], $0x80, s5, s16, $0xb8;
	[tilespmem:$0x1F400] =	vst v63  }
0x8c: {  	_ =	swait.ge [sflag:s26], $0x2000  }
0x8d: {  	[sflag:s26] =	ssyncset.done $0x0  }
0x8e: {  	s7 =	simm.s32 $0x2D00;
	[sflag:s26] =	ssyncadd.s32 $0xFFFFE000  }
0x8f: {  	[spmem:s1] =	stream.indirect.scatter.add.f32 [tilespmem:s21], [sflag:$0x6], $0x80, s7, s16, $0xb8;
	[tilespmem:$0x1F400] =	vst v63  }
0x90: {  	_ =	swait.ge [sflag:s28], $0x2000  }
0x91: {  	[sflag:s28] =	ssyncset.done $0x0  }
0x92: {  	s2 =	simm.s32 $0x600;
	s5 =	simm.s32 $0x280;
	[sflag:s28] =	ssyncadd.s32 $0xFFFFE000  }
.LBB2_4:
0x93: {  	[tilespmem:s21], [sflag:$0x3] =	stream.indirect.gather [hbm4b:s4+s16], $0x80, s5, s16, $0xb8;
	[tilespmem:$0x1F400] =	vst v63  }
0x94: {  	s5 =	smov.u32 s2  }
0x95: {  	p0 =	sne.s32 s2, $0x9600;
	s2 =	sadd.s32 $0x600, s2;
	_ =	swait.ge [sflag:s22], $0x2000  }
0x96: {  	s5 =	sshra.s32 s5, $0x2;
	[sflag:s22] =	ssyncset.done $0x0  }
0x97: {  	s7 =	sadd.s32 $0x2C00, s5;
	[sflag:s22] =	ssyncadd.s32 $0xFFFFE000  }
0x98: {  	[spmem:s1] =	stream.indirect.scatter.add.f32 [tilespmem:s17], [sflag:$0x4], $0x80, s7, s16, $0xb8;
	[tilespmem:$0x1F400] =	vst v63  }
0x99: {  	_ =	swait.ge [sflag:s23], $0x2000  }
0x9a: {  	[sflag:s23] =	ssyncset.done $0x0  }
0x9b: {  	s7 =	sadd.s32 $0x180, s5;
	[sflag:s23] =	ssyncadd.s32 $0xFFFFE000  }
0x9c: {  	[tilespmem:s17], [sflag:$0x1] =	stream.indirect.gather [hbm4b:s4+s16], $0x80, s7, s16, $0xb8;
	[tilespmem:$0x1F400] =	vst v63  }
0x9d: {  	_ =	swait.ge [sflag:s24], $0x2000  }
0x9e: {  	[sflag:s24] =	ssyncset.done $0x0  }
0x9f: {  	s7 =	sadd.s32 $0x2C80, s5;
	[sflag:s24] =	ssyncadd.s32 $0xFFFFE000  }
0xa0: {  	[spmem:s1] =	stream.indirect.scatter.add.f32 [tilespmem:s19], [sflag:$0x5], $0x80, s7, s16, $0xb8;
	[tilespmem:$0x1F400] =	vst v63  }
0xa1: {  	_ =	swait.ge [sflag:s25], $0x2000  }
0xa2: {  	[sflag:s25] =	ssyncset.done $0x0  }
0xa3: {  	s7 =	sadd.s32 $0x200, s5;
	[sflag:s25] =	ssyncadd.s32 $0xFFFFE000  }
0xa4: {  	[tilespmem:s19], [sflag:$0x2] =	stream.indirect.gather [hbm4b:s4+s16], $0x80, s7, s16, $0xb8;
	[tilespmem:$0x1F400] =	vst v63  }
0xa5: {  	_ =	swait.ge [sflag:s26], $0x2000  }
0xa6: {  	[sflag:s26] =	ssyncset.done $0x0  }
.Ltmp1:
0xa7: {  	s7 =	sadd.s32 $0x2D00, s5;
	[sflag:s26] =	ssyncadd.s32 $0xFFFFE000;
	(pc) =	sbr.rel @p0 .LBB2_4-.Ltmp1, $4  }
0xa8: {  	[spmem:s1] =	stream.indirect.scatter.add.f32 [tilespmem:s21], [sflag:$0x6], $0x80, s7, s16, $0xb8;
	[tilespmem:$0x1F400] =	vst v63  }
0xa9: {  	_ =	swait.ge [sflag:s28], $0x2000  }
0xaa: {  	[sflag:s28] =	ssyncset.done $0x0  }
0xab: {  	s5 =	sadd.s32 $0x280, s5;
	[sflag:s28] =	ssyncadd.s32 $0xFFFFE000  }
0xac: {  	[tilespmem:s21], [sflag:$0x3] =	stream.indirect.gather [hbm4b:s4+s16], $0x80, s5, s16, $0xb8;
	[tilespmem:$0x1F400] =	vst v63  }
0xad: {  	_ =	swait.ge [sflag:s22], $0x2000  }
0xae: {  	[sflag:s22] =	ssyncset.done $0x0  }
0xaf: {  	[sflag:s22] =	ssyncadd.s32 $0xFFFFE000  }
0xb0: {  	[spmem:s1] =	stream.indirect.scatter.add.f32 [tilespmem:s17], [sflag:$0x7], $0x80, s29, s16, $0xb8;
	[tilespmem:$0x1F400] =	vst v63  }
0xb1: {  	_ =	swait.ge [sflag:s14], $0x2000  }
0xb2: {  	[sflag:s14] =	ssyncset.done $0x0  }
0xb3: {  	[sflag:s14] =	ssyncadd.s32 $0xFFFFE000  }
0xb4: {  	_ =	swait.ge [sflag:s24], $0x2000  }
0xb5: {  	[sflag:s24] =	ssyncset.done $0x0  }
0xb6: {  	[sflag:s24] =	ssyncadd.s32 $0xFFFFE000  }
0xb7: {  	[spmem:s1] =	stream.indirect.scatter.add.f32 [tilespmem:s19], [sflag:$0x7], $0x80, s30, s16, $0xb8;
	[tilespmem:$0x1F400] =	vst v63  }
0xb8: {  	_ =	swait.ge [sflag:s14], $0x2000  }
0xb9: {  	[sflag:s14] =	ssyncset.done $0x0  }
0xba: {  	[sflag:s14] =	ssyncadd.s32 $0xFFFFE000  }
0xbb: {  	_ =	swait.ge [sflag:s26], $0x2000  }
0xbc: {  	[sflag:s26] =	ssyncset.done $0x0  }
0xbd: {  	[sflag:s26] =	ssyncadd.s32 $0xFFFFE000  }
0xbe: {  	[spmem:s1] =	stream.indirect.scatter.add.f32 [tilespmem:s21], [sflag:$0x7], $0x80, s31, s16, $0xb8;
	[tilespmem:$0x1F400] =	vst v63  }
0xbf: {  	_ =	swait.ge [sflag:s14], $0x2000  }
0xc0: {  	[sflag:s14] =	ssyncset.done $0x0  }
0xc1: {  	s0 =	sadd.s32 $0x1, s0;
	[sflag:s14] =	ssyncadd.s32 $0xFFFFE000  }
0xc2: {  	p0 =	sne.s32 s0, s8;
	[bflag:$0x0] =	sbarrier.arrive $0xFFFF  }
.Ltmp2:
0xc3: {  	s2 =	rddreg [dreg:$0x5];
	(pc) =	sbr.rel @p0 .LBB2_1-.Ltmp2, $4  }
0xc4: {  	[hbm:s2], [sflag:s6] =	dma.local [spmem:s13], $0x2780  }
0xc5: {  	_ =	swait.ge [sflag:s14], $0x2780  }
0xc6: {  	[sflag:s14] =	ssyncset.done $0x0  }
0xc7: {  	[sflag:s14] =	ssyncadd.s32 $0xFFFFD880  }
0xc8: {  	_ =	sfence.sel $0x180000  }
0xc9: {  	[bflag:$0x0] =	sbarrier.arrive $0xFFFF  }
0xca: {  	_ =	strace $0x90000050  }
0xcb: {  	s0 =	stileid.u32;
	[bflag:$0x2] =	sbarrier.arrive $0xFFFF  }
0xcc: {  	p0 =	sne.s32 s0, $0x0;
	s0 =	rddreg [dreg:$0x3]  }
0xcd: {  	s0 =	sadd.s32 @!p0 $0x100000, s0  }
0xce: {  	[sflag:s0] =	ssyncadd.tile.s32 @!p0 $0x1;
	_ =	shalt  }
.Lfunc_end2:
_tile_overlayer_lowered:
.L_overlay_start_2:
0xcf: {  	(tag) =	ssettag $0x2  }
0xd0: {  	s0 =	rddreg [dreg:$0x0];
	s2 =	stileid.u32  }
0xd1: {  	s1 =	rddreg [dreg:$0x1];
	p0 =	sne.s32 s2, $0x0  }
0xd2: {  	s3 =	rddreg [dreg:$0x2];
	[bflag:$0x3] =	sbarrier.arrive $0xFFFF;
	s2 =	simm.s32 @!p0 $0x1C07  }
0xd3: {  	[timem:s3], [sflag:s2] =	dma.local @!p0 [hbm:s0], s1  }
0xd4: {  	s0 =	simm.s32 @!p0 $0x7  }
0xd5: {  	_ =	swait.ge @!p0 [sflag:s0], s1  }
0xd6: {  	s1 =	ssub.s32 @!p0 $0x0, s1;
	[sflag:s0] =	ssyncset.done @!p0 $0x0  }
0xd7: {  	[sflag:s0] =	ssyncadd.s32 @!p0 s1  }
0xd8: {  	[bflag:$0x3] =	sbarrier.arrive $0xFFFF  }
0xd9: {  	_ =	shalt  }

</sc_bundles>
